<compile_context>
chip_gen: v7x
topology: tpu7x:2x2x1
jax: 0.10.2.dev20260603
libtpu: 0.0.44.dev20260713+nightly
codegen_flags: <defaults>
</compile_context>

<pallas_src>
import functools

import jax
import jax.numpy as jnp
from jax import lax
from jax.experimental import pallas as pl
from jax.experimental.pallas import tpu as pltpu
from jax.experimental.pallas import tpu_sc as plsc

N = 10000
E = 320000
D = 128
NC = 2
NS = 16
NW = NC * NS
CHUNK = 128
N_PAD = 10240
E_PAD = NW * 80 * CHUNK
NCH = E_PAD // (NW * CHUNK)
RPT = N_PAD // NS


def _agg_body(refs):
    (g_hbm, idx_hbm, zeros_hbm,
     s_out,
     idxv, rows0, rows1, acc, sem0, sem1, isem) = refs

    c = lax.axis_index("c")
    s = lax.axis_index("s")
    wid = c * NS + s

    pltpu.sync_copy(zeros_hbm.at[pl.ds(s * RPT, RPT)],
                    acc.at[pl.ds(s * RPT, RPT)])
    plsc.subcore_barrier()

    rows = (rows0, rows1)
    sems = (sem0, sem1)

    ibase = wid * NCH * 2
    pltpu.sync_copy(idx_hbm.at[pl.ds(ibase, 2)], idxv.at[0])
    pltpu.async_copy(idx_hbm.at[pl.ds(ibase + 2, 2)], idxv.at[1], isem)
    pltpu.async_copy(g_hbm.at[idxv.at[0, 0]], rows0, sem0)

    @pl.loop(0, NCH, step=2)
    def _(jj):
        for b in (0, 1):
            j = jj + b
            pltpu.make_async_copy(g_hbm.at[pl.ds(0, CHUNK)], rows[b],
                                  sems[b]).wait()
            nxt = j + 1

            @pl.when(nxt < NCH)
            def _():
                slot = lax.rem(nxt, 4)
                pltpu.make_async_copy(idx_hbm.at[pl.ds(0, 2)], idxv.at[slot],
                                      isem).wait()
                pltpu.async_copy(g_hbm.at[idxv.at[slot, 0]], rows[1 - b],
                                 sems[1 - b])

            @pl.when(j + 2 < NCH)
            def _():
                slot2 = lax.rem(j + 2, 4)
                pltpu.async_copy(idx_hbm.at[pl.ds(ibase + (j + 2) * 2, 2)],
                                 idxv.at[slot2], isem)

            dslot = lax.rem(j, 4)
            pltpu.sync_copy(rows[b], acc.at[idxv.at[dslot, 1]], add=True)

    plsc.subcore_barrier()
    pltpu.sync_copy(acc.at[pl.ds(s * RPT, RPT)],
                    s_out.at[pl.ds(c * N_PAD + s * RPT, RPT)])


def _deg_body(refs):
    (idx_hbm, zeros_hbm, ones_hbm,
     deg_out,
     idxv, onesv, accd, isem) = refs

    c = lax.axis_index("c")
    s = lax.axis_index("s")
    wid = c * NS + s

    pltpu.sync_copy(zeros_hbm.at[pl.ds(s * RPT, RPT)],
                    accd.at[pl.ds(s * RPT, RPT)])
    for k in range(CHUNK // 8):
        pltpu.sync_copy(ones_hbm, onesv.at[pl.ds(k * 8, 8)])
    plsc.subcore_barrier()

    ibase = wid * NCH * 2
    pltpu.async_copy(idx_hbm.at[pl.ds(ibase, 2)], idxv.at[0], isem)
    pltpu.async_copy(idx_hbm.at[pl.ds(ibase + 2, 2)], idxv.at[1], isem)

    @pl.loop(0, NCH)
    def _(j):
        pltpu.make_async_copy(idx_hbm.at[pl.ds(0, 2)],
                              idxv.at[lax.rem(j, 4)], isem).wait()

        @pl.when(j + 2 < NCH)
        def _():
            slot2 = lax.rem(j + 2, 4)
            pltpu.async_copy(idx_hbm.at[pl.ds(ibase + (j + 2) * 2, 2)],
                             idxv.at[slot2], isem)

        pltpu.sync_copy(onesv, accd.at[idxv.at[lax.rem(j, 4), 1]], add=True)

    plsc.subcore_barrier()
    pltpu.sync_copy(accd.at[pl.ds(s * RPT, RPT)],
                    deg_out.at[pl.ds(c * N_PAD + s * RPT, RPT)])


def _sc_mesh():
    return plsc.VectorSubcoreMesh(core_axis_name="c", subcore_axis_name="s",
                                  num_cores=NC, num_subcores=NS)


@functools.lru_cache(maxsize=None)
def _make_agg():
    scratch = [
        pltpu.VMEM((4, 2, CHUNK), jnp.int32),
        pltpu.VMEM((CHUNK, D), jnp.float32),
        pltpu.VMEM((CHUNK, D), jnp.float32),
        pltpu.VMEM_SHARED((N_PAD, D), jnp.float32),
        pltpu.SemaphoreType.DMA, pltpu.SemaphoreType.DMA,
        pltpu.SemaphoreType.DMA,
    ]
    return pl.kernel(
        lambda *refs: _agg_body(refs),
        out_type=jax.ShapeDtypeStruct((NC * N_PAD, D), jnp.float32),
        mesh=_sc_mesh(),
        scratch_types=scratch,
        name="gin_agg",
    )


@functools.lru_cache(maxsize=None)
def _make_deg():
    scratch = [
        pltpu.VMEM((4, 2, CHUNK), jnp.int32),
        pltpu.VMEM((CHUNK, D), jnp.float32),
        pltpu.VMEM_SHARED((N_PAD, D), jnp.float32),
        pltpu.SemaphoreType.DMA,
    ]
    return pl.kernel(
        lambda *refs: _deg_body(refs),
        out_type=jax.ShapeDtypeStruct((NC * N_PAD, D), jnp.float32),
        mesh=_sc_mesh(),
        scratch_types=scratch,
        name="gin_deg",
    )


def _agg(*args):
    return _make_agg()(*args)


def _deg(*args):
    return _make_deg()(*args)



_BLK = 1024
_GRID = N_PAD // _BLK


def _mm_body(x_ref, w_ref, o_ref):
    o_ref[...] = lax.dot_general(
        x_ref[...], w_ref[...], (((1,), (1,)), ((), ())),
        preferred_element_type=jnp.float32)


def _mm1(x, W):
    return pl.pallas_call(
        _mm_body,
        grid=(_GRID,),
        in_specs=[
            pl.BlockSpec((_BLK, D), lambda i: (i, 0)),
            pl.BlockSpec((D, D), lambda i: (0, 0)),
        ],
        out_specs=pl.BlockSpec((_BLK, D), lambda i: (i, 0)),
        out_shape=jax.ShapeDtypeStruct((N_PAD, D), jnp.float32),
    )(x, W)


def _combine_mm_body(g_ref, sa_ref, sb_ref, da_ref, db_ref, b_ref, w_ref,
                     o_ref):
    deg = da_ref[:, :1] + db_ref[:, :1]
    dinv = 1.0 / jnp.maximum(deg, 1.0)
    h = g_ref[...] + b_ref[...] + dinv * (sa_ref[...] + sb_ref[...])
    h = jnp.maximum(h, 0.0)
    o_ref[...] = lax.dot_general(
        h, w_ref[...], (((1,), (1,)), ((), ())),
        preferred_element_type=jnp.float32)


_HGRID = N_PAD // _BLK


def _combine_mm(g, s, deg, b, W):
    return pl.pallas_call(
        _combine_mm_body,
        grid=(_GRID,),
        in_specs=[
            pl.BlockSpec((_BLK, D), lambda i: (i, 0)),
            pl.BlockSpec((_BLK, D), lambda i: (i, 0)),
            pl.BlockSpec((_BLK, D), lambda i: (i + _HGRID, 0)),
            pl.BlockSpec((_BLK, D), lambda i: (i, 0)),
            pl.BlockSpec((_BLK, D), lambda i: (i + _HGRID, 0)),
            pl.BlockSpec((1, D), lambda i: (0, 0)),
            pl.BlockSpec((D, D), lambda i: (0, 0)),
        ],
        out_specs=pl.BlockSpec((_BLK, D), lambda i: (i, 0)),
        out_shape=jax.ShapeDtypeStruct((N_PAD, D), jnp.float32),
    )(g, s, s, deg, deg, b, W)


def _combine_out_body(g_ref, sa_ref, sb_ref, da_ref, db_ref, b_ref, o_ref):
    deg = da_ref[:, :1] + db_ref[:, :1]
    dinv = 1.0 / jnp.maximum(deg, 1.0)
    o_ref[...] = g_ref[...] + b_ref[...] + dinv * (sa_ref[...] + sb_ref[...])


def _combine_out(g, s, deg, b):
    return pl.pallas_call(
        _combine_out_body,
        grid=(_GRID,),
        in_specs=[
            pl.BlockSpec((_BLK, D), lambda i: (i, 0)),
            pl.BlockSpec((_BLK, D), lambda i: (i, 0)),
            pl.BlockSpec((_BLK, D), lambda i: (i + _HGRID, 0)),
            pl.BlockSpec((_BLK, D), lambda i: (i, 0)),
            pl.BlockSpec((_BLK, D), lambda i: (i + _HGRID, 0)),
            pl.BlockSpec((1, D), lambda i: (0, 0)),
        ],
        out_specs=pl.BlockSpec((_BLK, D), lambda i: (i, 0)),
        out_shape=jax.ShapeDtypeStruct((N, D), jnp.float32),
    )(g, s, s, deg, deg, b)


def kernel(x, edge_index, W1, b1, W2, b2, W3, b3):
    src = edge_index[0].astype(jnp.int32)
    dst = edge_index[1].astype(jnp.int32)
    pad = N + jnp.arange(E_PAD - E, dtype=jnp.int32) % (N_PAD - N)
    coff = (jnp.arange(NW, dtype=jnp.int32)[:, None] // NS) * N_PAD
    src3 = (jnp.concatenate([src, pad]).reshape(NW, E_PAD // NW)
            + coff).reshape(NW, NCH, 1, CHUNK)
    dst3 = jnp.concatenate([dst, pad]).reshape(NW, NCH, 1, CHUNK)
    idx2 = jnp.concatenate([src3, dst3], axis=2).reshape(NW * NCH * 2, CHUNK)
    zeros = jnp.zeros((N_PAD, D), jnp.float32)
    ones8 = jnp.ones((8, D), jnp.float32)
    b1r = b1.reshape(1, D)
    b2r = b2.reshape(1, D)
    b3r = b3.reshape(1, D)

    g1 = _mm1(x, W1)
    deg = _deg(idx2, zeros, ones8)
    s1 = _agg(jnp.concatenate([g1, g1]), idx2, zeros)
    g2 = _combine_mm(g1, s1, deg, b1r, W2)
    s2 = _agg(jnp.concatenate([g2, g2]), idx2, zeros)
    g3 = _combine_mm(g2, s2, deg, b2r, W3)
    s3 = _agg(jnp.concatenate([g3, g3]), idx2, zeros)
    return _combine_out(g3, s3, deg, b3r)

# --- scband reference (transcript-rebuilt; emitter-appended) ---
"""Pipeline reference for scband-ginemb-66898410602746 (READ-ONLY COPY).

The authoritative reference and input builder live on the scoring server;
editing this copy changes nothing except your own understanding.
"""

import jax, jax.numpy as jnp
import numpy as np

N_NODES = 10000
N_EDGES = 320000
D_IN = 128
D_HID = 128
D_OUT = 128


def setup_inputs(seed: int = 0) -> dict:
    key = jax.random.key(seed)
    k = jax.random.split(key, 10)
    x = jax.random.normal(k[0], (N_NODES, D_IN), dtype=jnp.float32)
    edge_index = jax.random.randint(k[1], (2, N_EDGES), 0, N_NODES, dtype=jnp.int64)
    W1 = jax.random.normal(k[2], (D_HID, D_IN), dtype=jnp.float32) * (1.0 / np.sqrt(D_IN))
    b1 = jnp.zeros((D_HID,), dtype=jnp.float32)
    W2 = jax.random.normal(k[3], (D_HID, D_HID), dtype=jnp.float32) * (1.0 / np.sqrt(D_HID))
    b2 = jnp.zeros((D_HID,), dtype=jnp.float32)
    W3 = jax.random.normal(k[4], (D_OUT, D_HID), dtype=jnp.float32) * (1.0 / np.sqrt(D_HID))
    b3 = jnp.zeros((D_OUT,), dtype=jnp.float32)
    return {"x": x, "edge_index": edge_index, "W1": W1, "b1": b1, "W2": W2, "b2": b2, "W3": W3, "b3": b3}


def _gin_layer(h, src, dst, W, b):
    # DGL GINConv with 'mean' aggregator, eps=0 (default, not learned):
    #   h_dst = Linear(h_dst + mean_{u in N(dst)} h_u)
    msg = jnp.take(h, src, axis=0)
    agg = jax.ops.segment_sum(msg, dst, num_segments=N_NODES)
    deg = jax.ops.segment_sum(jnp.ones((src.shape[0],), dtype=h.dtype), dst, num_segments=N_NODES)
    agg = agg / jnp.maximum(deg, 1.0)[:, None]
    return (h + agg) @ W.T + b


def reference(x, edge_index, W1, b1, W2, b2, W3, b3):
    # Inference path (train=False): no attribute masking, no edge weights, dropout is identity.
    src = edge_index[0]
    dst = edge_index[1]
    h = _gin_layer(x, src, dst, W1, b1)
    h = jax.nn.relu(h)
    h = _gin_layer(h, src, dst, W2, b2)
    h = jax.nn.relu(h)
    h = _gin_layer(h, src, dst, W3, b3)
    return h

if __name__ == "__main__":
    import jax
    _d = setup_inputs()
    print(jax.jit(kernel)(*tuple(_d.values())))

</pallas_src>

<mosaic_0001>
#map = affine_map<(d0, d1) -> (0, 0)>
module attributes {stable_mosaic.version = 14 : i64} {
  func.func @gin_agg(%arg0: i32, %arg1: i32, %arg2: memref<20480x128xf32, #tpu.memory_space<hbm>>, %arg3: memref<5120x128xi32, #tpu.memory_space<hbm>>, %arg4: memref<10240x128xf32, #tpu.memory_space<hbm>>, %arg5: memref<20480x128xf32, #tpu.memory_space<hbm>>, %arg6: memref<4x2x128xi32, #tpu.memory_space<vmem>>, %arg7: memref<128x128xf32, #tpu.memory_space<vmem>>, %arg8: memref<128x128xf32, #tpu.memory_space<vmem>>, %arg9: memref<10240x128xf32, #tpu.memory_space<vmem_shared>>, %arg10: memref<!tpu.dma_semaphore, #tpu.memory_space<semaphore_mem>>, %arg11: memref<!tpu.dma_semaphore, #tpu.memory_space<semaphore_mem>>, %arg12: memref<!tpu.dma_semaphore, #tpu.memory_space<semaphore_mem>>) attributes {dimension_semantics = [#tpu.dimension_semantics<core_parallel>, #tpu.dimension_semantics<subcore_parallel>], iteration_bounds = array<i64: 2, 16>, scalar_prefetch = 0 : i64, scratch_operands = 7 : i64, tpu.core_type = #tpu.core_type<sc_vector_subcore>, window_params = [{transform_indices = #map}, {transform_indices = #map}, {transform_indices = #map}, {transform_indices = #map}]} {
    %mul3A = arith.constant 16 : i32
    %mul3A_0 = arith.muli %arg0, %mul3A : i32
    %add3A = arith.addi %mul3A_0, %arg1 : i32
    %mul3A_1 = arith.constant 640 : i32
    %mul3A_2 = arith.muli %arg1, %mul3A_1 : i32
    %mul3A_3 = arith.constant 640 : i32
    %mul3A_4 = arith.muli %arg1, %mul3A_3 : i32
    "tpu.region"() ({
      %run_scoped3A_43 = tpu.sem_alloc : memref<!tpu.dma_semaphore, #tpu.memory_space<semaphore_mem>>
      %dma_start3A_44 = arith.constant 0 : i32
      %dma_start3A_45 = tpu.memref_slice %arg9[%mul3A_4, %dma_start3A_44] : memref<10240x128xf32, #tpu.memory_space<vmem_shared>> -> memref<640x128xf32, #tpu.memory_space<vmem_shared>>
      %dma_start3A_46 = arith.constant 0 : i32
      %dma_start3A_47 = tpu.memref_slice %arg4[%mul3A_2, %dma_start3A_46] : memref<10240x128xf32, #tpu.memory_space<hbm>> -> memref<640x128xf32, #tpu.memory_space<hbm>>
      tpu.enqueue_dma source(%dma_start3A_47 : memref<640x128xf32, #tpu.memory_space<hbm>>) target(%dma_start3A_45 : memref<640x128xf32, #tpu.memory_space<vmem_shared>>) target_semaphore(%run_scoped3A_43 : memref<!tpu.dma_semaphore, #tpu.memory_space<semaphore_mem>>)
      %dma_wait3A = arith.constant 0 : i32
      %dma_wait3A_48 = tpu.memref_slice %arg9[%mul3A_4, %dma_wait3A] : memref<10240x128xf32, #tpu.memory_space<vmem_shared>> -> memref<640x128xf32, #tpu.memory_space<vmem_shared>>
      %dma_wait3A_49 = arith.constant 0 : i32
      %dma_wait3A_50 = tpu.memref_slice %arg4[%mul3A_2, %dma_wait3A_49] : memref<10240x128xf32, #tpu.memory_space<hbm>> -> memref<640x128xf32, #tpu.memory_space<hbm>>
      tpu.wait_dma2 semaphore(%run_scoped3A_43 : memref<!tpu.dma_semaphore, #tpu.memory_space<semaphore_mem>>) src(%dma_wait3A_50 : memref<640x128xf32, #tpu.memory_space<hbm>>) dst(%dma_wait3A_48 : memref<640x128xf32, #tpu.memory_space<vmem_shared>>)
      tpu.yield
    }) : () -> ()
    %barrier3A = arith.constant 0 : index
    tpu.barrier barrier_id(%barrier3A)
    %mul3A_5 = arith.constant 80 : i32
    %mul3A_6 = arith.muli %add3A, %mul3A_5 : i32
    %mul3A_7 = arith.constant 2 : i32
    %mul3A_8 = arith.muli %mul3A_6, %mul3A_7 : i32
    %run_scoped3A = arith.constant 0 : i32
    "tpu.region"() ({
      %run_scoped3A_43 = tpu.sem_alloc : memref<!tpu.dma_semaphore, #tpu.memory_space<semaphore_mem>>
      %dma_start3A_44 = arith.constant 0 : i32
      %dma_start3A_45 = arith.constant 0 : i32
      %dma_start3A_46 = tpu.memref_slice %arg6[%run_scoped3A, %dma_start3A_44, %dma_start3A_45] : memref<4x2x128xi32, #tpu.memory_space<vmem>> -> memref<1x2x128xi32, #tpu.memory_space<vmem>>
      %dma_start3A_47 = tpu.memref_squeeze %dma_start3A_46 : memref<1x2x128xi32, #tpu.memory_space<vmem>> -> memref<2x128xi32, #tpu.memory_space<vmem>>
      %dma_start3A_48 = arith.constant 0 : i32
      %dma_start3A_49 = tpu.memref_slice %arg3[%mul3A_8, %dma_start3A_48] : memref<5120x128xi32, #tpu.memory_space<hbm>> -> memref<2x128xi32, #tpu.memory_space<hbm>>
      %dma_start3A_50 = arith.constant 0 : i32
      %dma_start3A_51 = arith.constant 0 : i32
      %dma_start3A_52 = tpu.memref_slice %arg6[%run_scoped3A, %dma_start3A_50, %dma_start3A_51] : memref<4x2x128xi32, #tpu.memory_space<vmem>> -> memref<1x2x128xi32, #tpu.memory_space<vmem>>
      %dma_start3A_53 = tpu.memref_squeeze %dma_start3A_52 : memref<1x2x128xi32, #tpu.memory_space<vmem>> -> memref<2x128xi32, #tpu.memory_space<vmem>>
      %dma_start3A_54 = arith.constant 0 : i32
      %dma_start3A_55 = tpu.memref_slice %arg3[%mul3A_8, %dma_start3A_54] : memref<5120x128xi32, #tpu.memory_space<hbm>> -> memref<2x128xi32, #tpu.memory_space<hbm>>
      tpu.enqueue_dma source(%dma_start3A_55 : memref<2x128xi32, #tpu.memory_space<hbm>>) target(%dma_start3A_53 : memref<2x128xi32, #tpu.memory_space<vmem>>) target_semaphore(%run_scoped3A_43 : memref<!tpu.dma_semaphore, #tpu.memory_space<semaphore_mem>>)
      %dma_wait3A = arith.constant 0 : i32
      %dma_wait3A_56 = arith.constant 0 : i32
      %dma_wait3A_57 = tpu.memref_slice %arg6[%run_scoped3A, %dma_wait3A, %dma_wait3A_56] : memref<4x2x128xi32, #tpu.memory_space<vmem>> -> memref<1x2x128xi32, #tpu.memory_space<vmem>>
      %dma_wait3A_58 = tpu.memref_squeeze %dma_wait3A_57 : memref<1x2x128xi32, #tpu.memory_space<vmem>> -> memref<2x128xi32, #tpu.memory_space<vmem>>
      %dma_wait3A_59 = arith.constant 0 : i32
      %dma_wait3A_60 = tpu.memref_slice %arg3[%mul3A_8, %dma_wait3A_59] : memref<5120x128xi32, #tpu.memory_space<hbm>> -> memref<2x128xi32, #tpu.memory_space<hbm>>
      %dma_wait3A_61 = arith.constant 0 : i32
      %dma_wait3A_62 = arith.constant 0 : i32
      %dma_wait3A_63 = tpu.memref_slice %arg6[%run_scoped3A, %dma_wait3A_61, %dma_wait3A_62] : memref<4x2x128xi32, #tpu.memory_space<vmem>> -> memref<1x2x128xi32, #tpu.memory_space<vmem>>
      %dma_wait3A_64 = tpu.memref_squeeze %dma_wait3A_63 : memref<1x2x128xi32, #tpu.memory_space<vmem>> -> memref<2x128xi32, #tpu.memory_space<vmem>>
      %dma_wait3A_65 = arith.constant 0 : i32
      %dma_wait3A_66 = tpu.memref_slice %arg3[%mul3A_8, %dma_wait3A_65] : memref<5120x128xi32, #tpu.memory_space<hbm>> -> memref<2x128xi32, #tpu.memory_space<hbm>>
      tpu.wait_dma2 semaphore(%run_scoped3A_43 : memref<!tpu.dma_semaphore, #tpu.memory_space<semaphore_mem>>) src(%dma_wait3A_66 : memref<2x128xi32, #tpu.memory_space<hbm>>) dst(%dma_wait3A_64 : memref<2x128xi32, #tpu.memory_space<vmem>>)
      tpu.yield
    }) : () -> ()
    %add3A_9 = arith.constant 2 : i32
    %add3A_10 = arith.addi %mul3A_8, %add3A_9 : i32
    %dma_start3A = arith.constant 1 : i32
    %dma_start3A_11 = arith.constant 0 : i32
    %dma_start3A_12 = arith.constant 0 : i32
    %dma_start3A_13 = tpu.memref_slice %arg6[%dma_start3A, %dma_start3A_11, %dma_start3A_12] : memref<4x2x128xi32, #tpu.memory_space<vmem>> -> memref<1x2x128xi32, #tpu.memory_space<vmem>>
    %dma_start3A_14 = tpu.memref_squeeze %dma_start3A_13 : memref<1x2x128xi32, #tpu.memory_space<vmem>> -> memref<2x128xi32, #tpu.memory_space<vmem>>
    %dma_start3A_15 = arith.constant 0 : i32
    %dma_start3A_16 = tpu.memref_slice %arg3[%add3A_10, %dma_start3A_15] : memref<5120x128xi32, #tpu.memory_space<hbm>> -> memref<2x128xi32, #tpu.memory_space<hbm>>
    %dma_start3A_17 = arith.constant 0 : i32
    %dma_start3A_18 = arith.constant 0 : i32
    %dma_start3A_19 = tpu.memref_slice %arg6[%dma_start3A, %dma_start3A_17, %dma_start3A_18] : memref<4x2x128xi32, #tpu.memory_space<vmem>> -> memref<1x2x128xi32, #tpu.memory_space<vmem>>
    %dma_start3A_20 = tpu.memref_squeeze %dma_start3A_19 : memref<1x2x128xi32, #tpu.memory_space<vmem>> -> memref<2x128xi32, #tpu.memory_space<vmem>>
    %dma_start3A_21 = arith.constant 0 : i32
    %dma_start3A_22 = tpu.memref_slice %arg3[%add3A_10, %dma_start3A_21] : memref<5120x128xi32, #tpu.memory_space<hbm>> -> memref<2x128xi32, #tpu.memory_space<hbm>>
    tpu.enqueue_dma source(%dma_start3A_22 : memref<2x128xi32, #tpu.memory_space<hbm>>) target(%dma_start3A_20 : memref<2x128xi32, #tpu.memory_space<vmem>>) target_semaphore(%arg12 : memref<!tpu.dma_semaphore, #tpu.memory_space<semaphore_mem>>)
    %dma_start3A_23 = arith.constant 0 : i32
    %dma_start3A_24 = arith.constant 0 : i32
    %dma_start3A_25 = arith.constant 0 : i32
    %dma_start3A_26 = tpu.memref_slice %arg6[%dma_start3A_23, %dma_start3A_24, %dma_start3A_25] : memref<4x2x128xi32, #tpu.memory_space<vmem>> -> memref<1x1x128xi32, #tpu.memory_space<vmem>>
    %dma_start3A_27 = tpu.memref_squeeze %dma_start3A_26 : memref<1x1x128xi32, #tpu.memory_space<vmem>> -> memref<128xi32, #tpu.memory_space<vmem>>
    %dma_start3A_28 = arith.constant 0 : i32
    %dma_start3A_29 = arith.constant 0 : i32
    %dma_start3A_30 = tpu.memref_slice %arg2[%dma_start3A_28, %dma_start3A_29] : memref<20480x128xf32, #tpu.memory_space<hbm>> -> memref<20480x128xf32, #tpu.memory_space<hbm>>
    tpu.enqueue_indirect_dma source(%dma_start3A_30 : memref<20480x128xf32, #tpu.memory_space<hbm>>) target(%arg7 : memref<128x128xf32, #tpu.memory_space<vmem>>) offsets(%dma_start3A_27 : memref<128xi32, #tpu.memory_space<vmem>>) semaphore(%arg10 : memref<!tpu.dma_semaphore, #tpu.memory_space<semaphore_mem>>)
    %scan3A = arith.constant 0 : i32
    %scan3A_31 = arith.constant 40 : i32
    %scan3A_32 = arith.addi %scan3A, %scan3A_31 : i32
    %scan3A_33 = arith.constant 1 : i32
    scf.for %scan3A_43 = %scan3A to %scan3A_32 step %scan3A_33  : i32 {
      %mul3A_44 = arith.constant 2 : i32
      %mul3A_45 = arith.muli %scan3A_43, %mul3A_44 : i32
      %add3A_46 = arith.constant 0 : i32
      %add3A_47 = arith.addi %add3A_46, %mul3A_45 : i32
      %add3A_48 = arith.constant 0 : i32
      %add3A_49 = arith.addi %add3A_47, %add3A_48 : i32
      %dma_wait3A = arith.constant 0 : i32
      %dma_wait3A_50 = arith.constant 0 : i32
      %dma_wait3A_51 = tpu.memref_slice %arg2[%dma_wait3A, %dma_wait3A_50] : memref<20480x128xf32, #tpu.memory_space<hbm>> -> memref<128x128xf32, #tpu.memory_space<hbm>>
      %dma_wait3A_52 = arith.constant 0 : i32
      %dma_wait3A_53 = arith.constant 0 : i32
      %dma_wait3A_54 = tpu.memref_slice %arg2[%dma_wait3A_52, %dma_wait3A_53] : memref<20480x128xf32, #tpu.memory_space<hbm>> -> memref<128x128xf32, #tpu.memory_space<hbm>>
      tpu.wait_dma2 semaphore(%arg10 : memref<!tpu.dma_semaphore, #tpu.memory_space<semaphore_mem>>) src(%dma_wait3A_54 : memref<128x128xf32, #tpu.memory_space<hbm>>) dst(%arg7 : memref<128x128xf32, #tpu.memory_space<vmem>>)
      %add3A_55 = arith.constant 1 : i32
      %add3A_56 = arith.addi %add3A_49, %add3A_55 : i32
      %lt3A = arith.constant 80 : i32
      %lt3A_57 = arith.cmpi slt, %add3A_56, %lt3A : i32
      %convert_element_type3A = arith.extui %lt3A_57 : i1 to i32
      %cond3A = arith.constant 0 : i32
      %cond3A_58 = arith.cmpi ne, %convert_element_type3A, %cond3A : i32
      scf.if %cond3A_58 {
        %rem3A_93 = arith.constant 4 : i32
        %rem3A_94 = arith.remsi %add3A_56, %rem3A_93 : i32
        %dma_wait3A_95 = arith.constant 0 : i32
        %dma_wait3A_96 = arith.constant 0 : i32
        %dma_wait3A_97 = tpu.memref_slice %arg6[%rem3A_94, %dma_wait3A_95, %dma_wait3A_96] : memref<4x2x128xi32, #tpu.memory_space<vmem>> -> memref<1x2x128xi32, #tpu.memory_space<vmem>>
        %dma_wait3A_98 = tpu.memref_squeeze %dma_wait3A_97 : memref<1x2x128xi32, #tpu.memory_space<vmem>> -> memref<2x128xi32, #tpu.memory_space<vmem>>
        %dma_wait3A_99 = arith.constant 0 : i32
        %dma_wait3A_100 = arith.constant 0 : i32
        %dma_wait3A_101 = tpu.memref_slice %arg3[%dma_wait3A_99, %dma_wait3A_100] : memref<5120x128xi32, #tpu.memory_space<hbm>> -> memref<2x128xi32, #tpu.memory_space<hbm>>
        %dma_wait3A_102 = arith.constant 0 : i32
        %dma_wait3A_103 = arith.constant 0 : i32
        %dma_wait3A_104 = tpu.memref_slice %arg6[%rem3A_94, %dma_wait3A_102, %dma_wait3A_103] : memref<4x2x128xi32, #tpu.memory_space<vmem>> -> memref<1x2x128xi32, #tpu.memory_space<vmem>>
        %dma_wait3A_105 = tpu.memref_squeeze %dma_wait3A_104 : memref<1x2x128xi32, #tpu.memory_space<vmem>> -> memref<2x128xi32, #tpu.memory_space<vmem>>
        %dma_wait3A_106 = arith.constant 0 : i32
        %dma_wait3A_107 = arith.constant 0 : i32
        %dma_wait3A_108 = tpu.memref_slice %arg3[%dma_wait3A_106, %dma_wait3A_107] : memref<5120x128xi32, #tpu.memory_space<hbm>> -> memref<2x128xi32, #tpu.memory_space<hbm>>
        tpu.wait_dma2 semaphore(%arg12 : memref<!tpu.dma_semaphore, #tpu.memory_space<semaphore_mem>>) src(%dma_wait3A_108 : memref<2x128xi32, #tpu.memory_space<hbm>>) dst(%dma_wait3A_105 : memref<2x128xi32, #tpu.memory_space<vmem>>)
        %dma_start3A_109 = arith.constant 0 : i32
        %dma_start3A_110 = arith.constant 0 : i32
        %dma_start3A_111 = tpu.memref_slice %arg6[%rem3A_94, %dma_start3A_109, %dma_start3A_110] : memref<4x2x128xi32, #tpu.memory_space<vmem>> -> memref<1x1x128xi32, #tpu.memory_space<vmem>>
        %dma_start3A_112 = tpu.memref_squeeze %dma_start3A_111 : memref<1x1x128xi32, #tpu.memory_space<vmem>> -> memref<128xi32, #tpu.memory_space<vmem>>
        %dma_start3A_113 = arith.constant 0 : i32
        %dma_start3A_114 = arith.constant 0 : i32
        %dma_start3A_115 = tpu.memref_slice %arg2[%dma_start3A_113, %dma_start3A_114] : memref<20480x128xf32, #tpu.memory_space<hbm>> -> memref<20480x128xf32, #tpu.memory_space<hbm>>
        tpu.enqueue_indirect_dma source(%dma_start3A_115 : memref<20480x128xf32, #tpu.memory_space<hbm>>) target(%arg8 : memref<128x128xf32, #tpu.memory_space<vmem>>) offsets(%dma_start3A_112 : memref<128xi32, #tpu.memory_space<vmem>>) semaphore(%arg11 : memref<!tpu.dma_semaphore, #tpu.memory_space<semaphore_mem>>)
      } else {
      }
      %add3A_59 = arith.constant 2 : i32
      %add3A_60 = arith.addi %add3A_49, %add3A_59 : i32
      %lt3A_61 = arith.constant 80 : i32
      %lt3A_62 = arith.cmpi slt, %add3A_60, %lt3A_61 : i32
      %convert_element_type3A_63 = arith.extui %lt3A_62 : i1 to i32
      %cond3A_64 = arith.constant 0 : i32
      %cond3A_65 = arith.cmpi ne, %convert_element_type3A_63, %cond3A_64 : i32
      scf.if %cond3A_65 {
        %add3A_93 = arith.constant 2 : i32
        %add3A_94 = arith.addi %add3A_49, %add3A_93 : i32
        %rem3A_95 = arith.constant 4 : i32
        %rem3A_96 = arith.remsi %add3A_94, %rem3A_95 : i32
        %add3A_97 = arith.constant 2 : i32
        %add3A_98 = arith.addi %add3A_49, %add3A_97 : i32
        %mul3A_99 = arith.constant 2 : i32
        %mul3A_100 = arith.muli %add3A_98, %mul3A_99 : i32
        %add3A_101 = arith.addi %mul3A_8, %mul3A_100 : i32
        %dma_start3A_102 = arith.constant 0 : i32
        %dma_start3A_103 = arith.constant 0 : i32
        %dma_start3A_104 = tpu.memref_slice %arg6[%rem3A_96, %dma_start3A_102, %dma_start3A_103] : memref<4x2x128xi32, #tpu.memory_space<vmem>> -> memref<1x2x128xi32, #tpu.memory_space<vmem>>
        %dma_start3A_105 = tpu.memref_squeeze %dma_start3A_104 : memref<1x2x128xi32, #tpu.memory_space<vmem>> -> memref<2x128xi32, #tpu.memory_space<vmem>>
        %dma_start3A_106 = arith.constant 0 : i32
        %dma_start3A_107 = tpu.memref_slice %arg3[%add3A_101, %dma_start3A_106] : memref<5120x128xi32, #tpu.memory_space<hbm>> -> memref<2x128xi32, #tpu.memory_space<hbm>>
        %dma_start3A_108 = arith.constant 0 : i32
        %dma_start3A_109 = arith.constant 0 : i32
        %dma_start3A_110 = tpu.memref_slice %arg6[%rem3A_96, %dma_start3A_108, %dma_start3A_109] : memref<4x2x128xi32, #tpu.memory_space<vmem>> -> memref<1x2x128xi32, #tpu.memory_space<vmem>>
        %dma_start3A_111 = tpu.memref_squeeze %dma_start3A_110 : memref<1x2x128xi32, #tpu.memory_space<vmem>> -> memref<2x128xi32, #tpu.memory_space<vmem>>
        %dma_start3A_112 = arith.constant 0 : i32
        %dma_start3A_113 = tpu.memref_slice %arg3[%add3A_101, %dma_start3A_112] : memref<5120x128xi32, #tpu.memory_space<hbm>> -> memref<2x128xi32, #tpu.memory_space<hbm>>
        tpu.enqueue_dma source(%dma_start3A_113 : memref<2x128xi32, #tpu.memory_space<hbm>>) target(%dma_start3A_111 : memref<2x128xi32, #tpu.memory_space<vmem>>) target_semaphore(%arg12 : memref<!tpu.dma_semaphore, #tpu.memory_space<semaphore_mem>>)
      } else {
      }
      %rem3A = arith.constant 4 : i32
      %rem3A_66 = arith.remsi %add3A_49, %rem3A : i32
      %run_scoped3A_67 = arith.constant 1 : i32
      "tpu.region"() ({
        %run_scoped3A_93 = tpu.sem_alloc : memref<!tpu.dma_semaphore, #tpu.memory_space<semaphore_mem>>
        %dma_start3A_94 = arith.constant 0 : i32
        %dma_start3A_95 = tpu.memref_slice %arg6[%rem3A_66, %run_scoped3A_67, %dma_start3A_94] : memref<4x2x128xi32, #tpu.memory_space<vmem>> -> memref<1x1x128xi32, #tpu.memory_space<vmem>>
        %dma_start3A_96 = tpu.memref_squeeze %dma_start3A_95 : memref<1x1x128xi32, #tpu.memory_space<vmem>> -> memref<128xi32, #tpu.memory_space<vmem>>
        %dma_start3A_97 = arith.constant 0 : i32
        %dma_start3A_98 = arith.constant 0 : i32
        %dma_start3A_99 = tpu.memref_slice %arg9[%dma_start3A_97, %dma_start3A_98] : memref<10240x128xf32, #tpu.memory_space<vmem_shared>> -> memref<10240x128xf32, #tpu.memory_space<vmem_shared>>
        tpu.enqueue_indirect_dma source(%arg7 : memref<128x128xf32, #tpu.memory_space<vmem>>) target(%dma_start3A_99 : memref<10240x128xf32, #tpu.memory_space<vmem_shared>>) offsets(%dma_start3A_96 : memref<128xi32, #tpu.memory_space<vmem>>) semaphore(%run_scoped3A_93 : memref<!tpu.dma_semaphore, #tpu.memory_space<semaphore_mem>>) {add = true}
        %dma_wait3A_100 = arith.constant 0 : i32
        %dma_wait3A_101 = tpu.memref_slice %arg6[%rem3A_66, %run_scoped3A_67, %dma_wait3A_100] : memref<4x2x128xi32, #tpu.memory_space<vmem>> -> memref<1x1x128xi32, #tpu.memory_space<vmem>>
        %dma_wait3A_102 = tpu.memref_squeeze %dma_wait3A_101 : memref<1x1x128xi32, #tpu.memory_space<vmem>> -> memref<128xi32, #tpu.memory_space<vmem>>
        %dma_wait3A_103 = arith.constant 0 : i32
        %dma_wait3A_104 = arith.constant 0 : i32
        %dma_wait3A_105 = tpu.memref_slice %arg9[%dma_wait3A_103, %dma_wait3A_104] : memref<10240x128xf32, #tpu.memory_space<vmem_shared>> -> memref<10240x128xf32, #tpu.memory_space<vmem_shared>>
        tpu.wait_indirect_dma semaphore(%run_scoped3A_93 : memref<!tpu.dma_semaphore, #tpu.memory_space<semaphore_mem>>) src(%arg7 : memref<128x128xf32, #tpu.memory_space<vmem>>) dst(%dma_wait3A_105 : memref<10240x128xf32, #tpu.memory_space<vmem_shared>>)
        tpu.yield
      }) : () -> ()
      %add3A_68 = arith.constant 1 : i32
      %add3A_69 = arith.addi %add3A_47, %add3A_68 : i32
      %dma_wait3A_70 = arith.constant 0 : i32
      %dma_wait3A_71 = arith.constant 0 : i32
      %dma_wait3A_72 = tpu.memref_slice %arg2[%dma_wait3A_70, %dma_wait3A_71] : memref<20480x128xf32, #tpu.memory_space<hbm>> -> memref<128x128xf32, #tpu.memory_space<hbm>>
      %dma_wait3A_73 = arith.constant 0 : i32
      %dma_wait3A_74 = arith.constant 0 : i32
      %dma_wait3A_75 = tpu.memref_slice %arg2[%dma_wait3A_73, %dma_wait3A_74] : memref<20480x128xf32, #tpu.memory_space<hbm>> -> memref<128x128xf32, #tpu.memory_space<hbm>>
      tpu.wait_dma2 semaphore(%arg11 : memref<!tpu.dma_semaphore, #tpu.memory_space<semaphore_mem>>) src(%dma_wait3A_75 : memref<128x128xf32, #tpu.memory_space<hbm>>) dst(%arg8 : memref<128x128xf32, #tpu.memory_space<vmem>>)
      %add3A_76 = arith.constant 1 : i32
      %add3A_77 = arith.addi %add3A_69, %add3A_76 : i32
      %lt3A_78 = arith.constant 80 : i32
      %lt3A_79 = arith.cmpi slt, %add3A_77, %lt3A_78 : i32
      %convert_element_type3A_80 = arith.extui %lt3A_79 : i1 to i32
      %cond3A_81 = arith.constant 0 : i32
      %cond3A_82 = arith.cmpi ne, %convert_element_type3A_80, %cond3A_81 : i32
      scf.if %cond3A_82 {
        %rem3A_93 = arith.constant 4 : i32
        %rem3A_94 = arith.remsi %add3A_77, %rem3A_93 : i32
        %dma_wait3A_95 = arith.constant 0 : i32
        %dma_wait3A_96 = arith.constant 0 : i32
        %dma_wait3A_97 = tpu.memref_slice %arg6[%rem3A_94, %dma_wait3A_95, %dma_wait3A_96] : memref<4x2x128xi32, #tpu.memory_space<vmem>> -> memref<1x2x128xi32, #tpu.memory_space<vmem>>
        %dma_wait3A_98 = tpu.memref_squeeze %dma_wait3A_97 : memref<1x2x128xi32, #tpu.memory_space<vmem>> -> memref<2x128xi32, #tpu.memory_space<vmem>>
        %dma_wait3A_99 = arith.constant 0 : i32
        %dma_wait3A_100 = arith.constant 0 : i32
        %dma_wait3A_101 = tpu.memref_slice %arg3[%dma_wait3A_99, %dma_wait3A_100] : memref<5120x128xi32, #tpu.memory_space<hbm>> -> memref<2x128xi32, #tpu.memory_space<hbm>>
        %dma_wait3A_102 = arith.constant 0 : i32
        %dma_wait3A_103 = arith.constant 0 : i32
        %dma_wait3A_104 = tpu.memref_slice %arg6[%rem3A_94, %dma_wait3A_102, %dma_wait3A_103] : memref<4x2x128xi32, #tpu.memory_space<vmem>> -> memref<1x2x128xi32, #tpu.memory_space<vmem>>
        %dma_wait3A_105 = tpu.memref_squeeze %dma_wait3A_104 : memref<1x2x128xi32, #tpu.memory_space<vmem>> -> memref<2x128xi32, #tpu.memory_space<vmem>>
        %dma_wait3A_106 = arith.constant 0 : i32
        %dma_wait3A_107 = arith.constant 0 : i32
        %dma_wait3A_108 = tpu.memref_slice %arg3[%dma_wait3A_106, %dma_wait3A_107] : memref<5120x128xi32, #tpu.memory_space<hbm>> -> memref<2x128xi32, #tpu.memory_space<hbm>>
        tpu.wait_dma2 semaphore(%arg12 : memref<!tpu.dma_semaphore, #tpu.memory_space<semaphore_mem>>) src(%dma_wait3A_108 : memref<2x128xi32, #tpu.memory_space<hbm>>) dst(%dma_wait3A_105 : memref<2x128xi32, #tpu.memory_space<vmem>>)
        %dma_start3A_109 = arith.constant 0 : i32
        %dma_start3A_110 = arith.constant 0 : i32
        %dma_start3A_111 = tpu.memref_slice %arg6[%rem3A_94, %dma_start3A_109, %dma_start3A_110] : memref<4x2x128xi32, #tpu.memory_space<vmem>> -> memref<1x1x128xi32, #tpu.memory_space<vmem>>
        %dma_start3A_112 = tpu.memref_squeeze %dma_start3A_111 : memref<1x1x128xi32, #tpu.memory_space<vmem>> -> memref<128xi32, #tpu.memory_space<vmem>>
        %dma_start3A_113 = arith.constant 0 : i32
        %dma_start3A_114 = arith.constant 0 : i32
        %dma_start3A_115 = tpu.memref_slice %arg2[%dma_start3A_113, %dma_start3A_114] : memref<20480x128xf32, #tpu.memory_space<hbm>> -> memref<20480x128xf32, #tpu.memory_space<hbm>>
        tpu.enqueue_indirect_dma source(%dma_start3A_115 : memref<20480x128xf32, #tpu.memory_space<hbm>>) target(%arg7 : memref<128x128xf32, #tpu.memory_space<vmem>>) offsets(%dma_start3A_112 : memref<128xi32, #tpu.memory_space<vmem>>) semaphore(%arg10 : memref<!tpu.dma_semaphore, #tpu.memory_space<semaphore_mem>>)
      } else {
      }
      %add3A_83 = arith.constant 2 : i32
      %add3A_84 = arith.addi %add3A_69, %add3A_83 : i32
      %lt3A_85 = arith.constant 80 : i32
      %lt3A_86 = arith.cmpi slt, %add3A_84, %lt3A_85 : i32
      %convert_element_type3A_87 = arith.extui %lt3A_86 : i1 to i32
      %cond3A_88 = arith.constant 0 : i32
      %cond3A_89 = arith.cmpi ne, %convert_element_type3A_87, %cond3A_88 : i32
      scf.if %cond3A_89 {
        %add3A_93 = arith.constant 2 : i32
        %add3A_94 = arith.addi %add3A_69, %add3A_93 : i32
        %rem3A_95 = arith.constant 4 : i32
        %rem3A_96 = arith.remsi %add3A_94, %rem3A_95 : i32
        %add3A_97 = arith.constant 2 : i32
        %add3A_98 = arith.addi %add3A_69, %add3A_97 : i32
        %mul3A_99 = arith.constant 2 : i32
        %mul3A_100 = arith.muli %add3A_98, %mul3A_99 : i32
        %add3A_101 = arith.addi %mul3A_8, %mul3A_100 : i32
        %dma_start3A_102 = arith.constant 0 : i32
        %dma_start3A_103 = arith.constant 0 : i32
        %dma_start3A_104 = tpu.memref_slice %arg6[%rem3A_96, %dma_start3A_102, %dma_start3A_103] : memref<4x2x128xi32, #tpu.memory_space<vmem>> -> memref<1x2x128xi32, #tpu.memory_space<vmem>>
        %dma_start3A_105 = tpu.memref_squeeze %dma_start3A_104 : memref<1x2x128xi32, #tpu.memory_space<vmem>> -> memref<2x128xi32, #tpu.memory_space<vmem>>
        %dma_start3A_106 = arith.constant 0 : i32
        %dma_start3A_107 = tpu.memref_slice %arg3[%add3A_101, %dma_start3A_106] : memref<5120x128xi32, #tpu.memory_space<hbm>> -> memref<2x128xi32, #tpu.memory_space<hbm>>
        %dma_start3A_108 = arith.constant 0 : i32
        %dma_start3A_109 = arith.constant 0 : i32
        %dma_start3A_110 = tpu.memref_slice %arg6[%rem3A_96, %dma_start3A_108, %dma_start3A_109] : memref<4x2x128xi32, #tpu.memory_space<vmem>> -> memref<1x2x128xi32, #tpu.memory_space<vmem>>
        %dma_start3A_111 = tpu.memref_squeeze %dma_start3A_110 : memref<1x2x128xi32, #tpu.memory_space<vmem>> -> memref<2x128xi32, #tpu.memory_space<vmem>>
        %dma_start3A_112 = arith.constant 0 : i32
        %dma_start3A_113 = tpu.memref_slice %arg3[%add3A_101, %dma_start3A_112] : memref<5120x128xi32, #tpu.memory_space<hbm>> -> memref<2x128xi32, #tpu.memory_space<hbm>>
        tpu.enqueue_dma source(%dma_start3A_113 : memref<2x128xi32, #tpu.memory_space<hbm>>) target(%dma_start3A_111 : memref<2x128xi32, #tpu.memory_space<vmem>>) target_semaphore(%arg12 : memref<!tpu.dma_semaphore, #tpu.memory_space<semaphore_mem>>)
      } else {
      }
      %rem3A_90 = arith.constant 4 : i32
      %rem3A_91 = arith.remsi %add3A_69, %rem3A_90 : i32
      %run_scoped3A_92 = arith.constant 1 : i32
      "tpu.region"() ({
        %run_scoped3A_93 = tpu.sem_alloc : memref<!tpu.dma_semaphore, #tpu.memory_space<semaphore_mem>>
        %dma_start3A_94 = arith.constant 0 : i32
        %dma_start3A_95 = tpu.memref_slice %arg6[%rem3A_91, %run_scoped3A_92, %dma_start3A_94] : memref<4x2x128xi32, #tpu.memory_space<vmem>> -> memref<1x1x128xi32, #tpu.memory_space<vmem>>
        %dma_start3A_96 = tpu.memref_squeeze %dma_start3A_95 : memref<1x1x128xi32, #tpu.memory_space<vmem>> -> memref<128xi32, #tpu.memory_space<vmem>>
        %dma_start3A_97 = arith.constant 0 : i32
        %dma_start3A_98 = arith.constant 0 : i32
        %dma_start3A_99 = tpu.memref_slice %arg9[%dma_start3A_97, %dma_start3A_98] : memref<10240x128xf32, #tpu.memory_space<vmem_shared>> -> memref<10240x128xf32, #tpu.memory_space<vmem_shared>>
        tpu.enqueue_indirect_dma source(%arg8 : memref<128x128xf32, #tpu.memory_space<vmem>>) target(%dma_start3A_99 : memref<10240x128xf32, #tpu.memory_space<vmem_shared>>) offsets(%dma_start3A_96 : memref<128xi32, #tpu.memory_space<vmem>>) semaphore(%run_scoped3A_93 : memref<!tpu.dma_semaphore, #tpu.memory_space<semaphore_mem>>) {add = true}
        %dma_wait3A_100 = arith.constant 0 : i32
        %dma_wait3A_101 = tpu.memref_slice %arg6[%rem3A_91, %run_scoped3A_92, %dma_wait3A_100] : memref<4x2x128xi32, #tpu.memory_space<vmem>> -> memref<1x1x128xi32, #tpu.memory_space<vmem>>
        %dma_wait3A_102 = tpu.memref_squeeze %dma_wait3A_101 : memref<1x1x128xi32, #tpu.memory_space<vmem>> -> memref<128xi32, #tpu.memory_space<vmem>>
        %dma_wait3A_103 = arith.constant 0 : i32
        %dma_wait3A_104 = arith.constant 0 : i32
        %dma_wait3A_105 = tpu.memref_slice %arg9[%dma_wait3A_103, %dma_wait3A_104] : memref<10240x128xf32, #tpu.memory_space<vmem_shared>> -> memref<10240x128xf32, #tpu.memory_space<vmem_shared>>
        tpu.wait_indirect_dma semaphore(%run_scoped3A_93 : memref<!tpu.dma_semaphore, #tpu.memory_space<semaphore_mem>>) src(%arg8 : memref<128x128xf32, #tpu.memory_space<vmem>>) dst(%dma_wait3A_105 : memref<10240x128xf32, #tpu.memory_space<vmem_shared>>)
        tpu.yield
      }) : () -> ()
    }
    %scan3A_34 = arith.constant 40 : i32
    %barrier3A_35 = arith.constant 0 : index
    tpu.barrier barrier_id(%barrier3A_35)
    %mul3A_36 = arith.constant 640 : i32
    %mul3A_37 = arith.muli %arg1, %mul3A_36 : i32
    %mul3A_38 = arith.constant 10240 : i32
    %mul3A_39 = arith.muli %arg0, %mul3A_38 : i32
    %mul3A_40 = arith.constant 640 : i32
    %mul3A_41 = arith.muli %arg1, %mul3A_40 : i32
    %add3A_42 = arith.addi %mul3A_39, %mul3A_41 : i32
    "tpu.region"() ({
      %run_scoped3A_43 = tpu.sem_alloc : memref<!tpu.dma_semaphore, #tpu.memory_space<semaphore_mem>>
      %dma_start3A_44 = arith.constant 0 : i32
      %dma_start3A_45 = tpu.memref_slice %arg5[%add3A_42, %dma_start3A_44] : memref<20480x128xf32, #tpu.memory_space<hbm>> -> memref<640x128xf32, #tpu.memory_space<hbm>>
      %dma_start3A_46 = arith.constant 0 : i32
      %dma_start3A_47 = tpu.memref_slice %arg9[%mul3A_37, %dma_start3A_46] : memref<10240x128xf32, #tpu.memory_space<vmem_shared>> -> memref<640x128xf32, #tpu.memory_space<vmem_shared>>
      tpu.enqueue_dma source(%dma_start3A_47 : memref<640x128xf32, #tpu.memory_space<vmem_shared>>) target(%dma_start3A_45 : memref<640x128xf32, #tpu.memory_space<hbm>>) target_semaphore(%run_scoped3A_43 : memref<!tpu.dma_semaphore, #tpu.memory_space<semaphore_mem>>)
      %dma_wait3A = arith.constant 0 : i32
      %dma_wait3A_48 = tpu.memref_slice %arg5[%add3A_42, %dma_wait3A] : memref<20480x128xf32, #tpu.memory_space<hbm>> -> memref<640x128xf32, #tpu.memory_space<hbm>>
      %dma_wait3A_49 = arith.constant 0 : i32
      %dma_wait3A_50 = tpu.memref_slice %arg9[%mul3A_37, %dma_wait3A_49] : memref<10240x128xf32, #tpu.memory_space<vmem_shared>> -> memref<640x128xf32, #tpu.memory_space<vmem_shared>>
      tpu.wait_dma2 semaphore(%run_scoped3A_43 : memref<!tpu.dma_semaphore, #tpu.memory_space<semaphore_mem>>) src(%dma_wait3A_50 : memref<640x128xf32, #tpu.memory_space<vmem_shared>>) dst(%dma_wait3A_48 : memref<640x128xf32, #tpu.memory_space<hbm>>)
      tpu.yield
    }) : () -> ()
    return
  }
}

#map = affine_map<(d0, d1) -> (0, 0)>
module attributes {stable_mosaic.version = 14 : i64} {
  func.func @gin_deg(%arg0: i32, %arg1: i32, %arg2: memref<5120x128xi32, #tpu.memory_space<hbm>>, %arg3: memref<10240x128xf32, #tpu.memory_space<hbm>>, %arg4: memref<8x128xf32, #tpu.memory_space<hbm>>, %arg5: memref<20480x128xf32, #tpu.memory_space<hbm>>, %arg6: memref<4x2x128xi32, #tpu.memory_space<vmem>>, %arg7: memref<128x128xf32, #tpu.memory_space<vmem>>, %arg8: memref<10240x128xf32, #tpu.memory_space<vmem_shared>>, %arg9: memref<!tpu.dma_semaphore, #tpu.memory_space<semaphore_mem>>) attributes {dimension_semantics = [#tpu.dimension_semantics<core_parallel>, #tpu.dimension_semantics<subcore_parallel>], iteration_bounds = array<i64: 2, 16>, scalar_prefetch = 0 : i64, scratch_operands = 4 : i64, tpu.core_type = #tpu.core_type<sc_vector_subcore>, window_params = [{transform_indices = #map}, {transform_indices = #map}, {transform_indices = #map}, {transform_indices = #map}]} {
    %mul3A = arith.constant 16 : i32
    %mul3A_0 = arith.muli %arg0, %mul3A : i32
    %add3A = arith.addi %mul3A_0, %arg1 : i32
    %mul3A_1 = arith.constant 640 : i32
    %mul3A_2 = arith.muli %arg1, %mul3A_1 : i32
    %mul3A_3 = arith.constant 640 : i32
    %mul3A_4 = arith.muli %arg1, %mul3A_3 : i32
    "tpu.region"() ({
      %run_scoped3A = tpu.sem_alloc : memref<!tpu.dma_semaphore, #tpu.memory_space<semaphore_mem>>
      %dma_start3A_48 = arith.constant 0 : i32
      %dma_start3A_49 = tpu.memref_slice %arg8[%mul3A_4, %dma_start3A_48] : memref<10240x128xf32, #tpu.memory_space<vmem_shared>> -> memref<640x128xf32, #tpu.memory_space<vmem_shared>>
      %dma_start3A_50 = arith.constant 0 : i32
      %dma_start3A_51 = tpu.memref_slice %arg3[%mul3A_2, %dma_start3A_50] : memref<10240x128xf32, #tpu.memory_space<hbm>> -> memref<640x128xf32, #tpu.memory_space<hbm>>
      tpu.enqueue_dma source(%dma_start3A_51 : memref<640x128xf32, #tpu.memory_space<hbm>>) target(%dma_start3A_49 : memref<640x128xf32, #tpu.memory_space<vmem_shared>>) target_semaphore(%run_scoped3A : memref<!tpu.dma_semaphore, #tpu.memory_space<semaphore_mem>>)
      %dma_wait3A = arith.constant 0 : i32
      %dma_wait3A_52 = tpu.memref_slice %arg8[%mul3A_4, %dma_wait3A] : memref<10240x128xf32, #tpu.memory_space<vmem_shared>> -> memref<640x128xf32, #tpu.memory_space<vmem_shared>>
      %dma_wait3A_53 = arith.constant 0 : i32
      %dma_wait3A_54 = tpu.memref_slice %arg3[%mul3A_2, %dma_wait3A_53] : memref<10240x128xf32, #tpu.memory_space<hbm>> -> memref<640x128xf32, #tpu.memory_space<hbm>>
      tpu.wait_dma2 semaphore(%run_scoped3A : memref<!tpu.dma_semaphore, #tpu.memory_space<semaphore_mem>>) src(%dma_wait3A_54 : memref<640x128xf32, #tpu.memory_space<hbm>>) dst(%dma_wait3A_52 : memref<640x128xf32, #tpu.memory_space<vmem_shared>>)
      tpu.yield
    }) : () -> ()
    "tpu.region"() ({
      %run_scoped3A = tpu.sem_alloc : memref<!tpu.dma_semaphore, #tpu.memory_space<semaphore_mem>>
      %dma_start3A_48 = arith.constant 0 : i32
      %dma_start3A_49 = arith.constant 0 : i32
      %dma_start3A_50 = tpu.memref_slice %arg7[%dma_start3A_48, %dma_start3A_49] : memref<128x128xf32, #tpu.memory_space<vmem>> -> memref<8x128xf32, #tpu.memory_space<vmem>>
      %dma_start3A_51 = arith.constant 0 : i32
      %dma_start3A_52 = arith.constant 0 : i32
      %dma_start3A_53 = tpu.memref_slice %arg7[%dma_start3A_51, %dma_start3A_52] : memref<128x128xf32, #tpu.memory_space<vmem>> -> memref<8x128xf32, #tpu.memory_space<vmem>>
      tpu.enqueue_dma source(%arg4 : memref<8x128xf32, #tpu.memory_space<hbm>>) target(%dma_start3A_53 : memref<8x128xf32, #tpu.memory_space<vmem>>) target_semaphore(%run_scoped3A : memref<!tpu.dma_semaphore, #tpu.memory_space<semaphore_mem>>)
      %dma_wait3A = arith.constant 0 : i32
      %dma_wait3A_54 = arith.constant 0 : i32
      %dma_wait3A_55 = tpu.memref_slice %arg7[%dma_wait3A, %dma_wait3A_54] : memref<128x128xf32, #tpu.memory_space<vmem>> -> memref<8x128xf32, #tpu.memory_space<vmem>>
      %dma_wait3A_56 = arith.constant 0 : i32
      %dma_wait3A_57 = arith.constant 0 : i32
      %dma_wait3A_58 = tpu.memref_slice %arg7[%dma_wait3A_56, %dma_wait3A_57] : memref<128x128xf32, #tpu.memory_space<vmem>> -> memref<8x128xf32, #tpu.memory_space<vmem>>
      tpu.wait_dma2 semaphore(%run_scoped3A : memref<!tpu.dma_semaphore, #tpu.memory_space<semaphore_mem>>) src(%arg4 : memref<8x128xf32, #tpu.memory_space<hbm>>) dst(%dma_wait3A_58 : memref<8x128xf32, #tpu.memory_space<vmem>>)
      tpu.yield
    }) : () -> ()
    "tpu.region"() ({
      %run_scoped3A = tpu.sem_alloc : memref<!tpu.dma_semaphore, #tpu.memory_space<semaphore_mem>>
      %dma_start3A_48 = arith.constant 8 : i32
      %dma_start3A_49 = arith.constant 0 : i32
      %dma_start3A_50 = tpu.memref_slice %arg7[%dma_start3A_48, %dma_start3A_49] : memref<128x128xf32, #tpu.memory_space<vmem>> -> memref<8x128xf32, #tpu.memory_space<vmem>>
      %dma_start3A_51 = arith.constant 8 : i32
      %dma_start3A_52 = arith.constant 0 : i32
      %dma_start3A_53 = tpu.memref_slice %arg7[%dma_start3A_51, %dma_start3A_52] : memref<128x128xf32, #tpu.memory_space<vmem>> -> memref<8x128xf32, #tpu.memory_space<vmem>>
      tpu.enqueue_dma source(%arg4 : memref<8x128xf32, #tpu.memory_space<hbm>>) target(%dma_start3A_53 : memref<8x128xf32, #tpu.memory_space<vmem>>) target_semaphore(%run_scoped3A : memref<!tpu.dma_semaphore, #tpu.memory_space<semaphore_mem>>)
      %dma_wait3A = arith.constant 8 : i32
      %dma_wait3A_54 = arith.constant 0 : i32
      %dma_wait3A_55 = tpu.memref_slice %arg7[%dma_wait3A, %dma_wait3A_54] : memref<128x128xf32, #tpu.memory_space<vmem>> -> memref<8x128xf32, #tpu.memory_space<vmem>>
      %dma_wait3A_56 = arith.constant 8 : i32
      %dma_wait3A_57 = arith.constant 0 : i32
      %dma_wait3A_58 = tpu.memref_slice %arg7[%dma_wait3A_56, %dma_wait3A_57] : memref<128x128xf32, #tpu.memory_space<vmem>> -> memref<8x128xf32, #tpu.memory_space<vmem>>
      tpu.wait_dma2 semaphore(%run_scoped3A : memref<!tpu.dma_semaphore, #tpu.memory_space<semaphore_mem>>) src(%arg4 : memref<8x128xf32, #tpu.memory_space<hbm>>) dst(%dma_wait3A_58 : memref<8x128xf32, #tpu.memory_space<vmem>>)
      tpu.yield
    }) : () -> ()
    "tpu.region"() ({
      %run_scoped3A = tpu.sem_alloc : memref<!tpu.dma_semaphore, #tpu.memory_space<semaphore_mem>>
      %dma_start3A_48 = arith.constant 16 : i32
      %dma_start3A_49 = arith.constant 0 : i32
      %dma_start3A_50 = tpu.memref_slice %arg7[%dma_start3A_48, %dma_start3A_49] : memref<128x128xf32, #tpu.memory_space<vmem>> -> memref<8x128xf32, #tpu.memory_space<vmem>>
      %dma_start3A_51 = arith.constant 16 : i32
      %dma_start3A_52 = arith.constant 0 : i32
      %dma_start3A_53 = tpu.memref_slice %arg7[%dma_start3A_51, %dma_start3A_52] : memref<128x128xf32, #tpu.memory_space<vmem>> -> memref<8x128xf32, #tpu.memory_space<vmem>>
      tpu.enqueue_dma source(%arg4 : memref<8x128xf32, #tpu.memory_space<hbm>>) target(%dma_start3A_53 : memref<8x128xf32, #tpu.memory_space<vmem>>) target_semaphore(%run_scoped3A : memref<!tpu.dma_semaphore, #tpu.memory_space<semaphore_mem>>)
      %dma_wait3A = arith.constant 16 : i32
      %dma_wait3A_54 = arith.constant 0 : i32
      %dma_wait3A_55 = tpu.memref_slice %arg7[%dma_wait3A, %dma_wait3A_54] : memref<128x128xf32, #tpu.memory_space<vmem>> -> memref<8x128xf32, #tpu.memory_space<vmem>>
      %dma_wait3A_56 = arith.constant 16 : i32
      %dma_wait3A_57 = arith.constant 0 : i32
      %dma_wait3A_58 = tpu.memref_slice %arg7[%dma_wait3A_56, %dma_wait3A_57] : memref<128x128xf32, #tpu.memory_space<vmem>> -> memref<8x128xf32, #tpu.memory_space<vmem>>
      tpu.wait_dma2 semaphore(%run_scoped3A : memref<!tpu.dma_semaphore, #tpu.memory_space<semaphore_mem>>) src(%arg4 : memref<8x128xf32, #tpu.memory_space<hbm>>) dst(%dma_wait3A_58 : memref<8x128xf32, #tpu.memory_space<vmem>>)
      tpu.yield
    }) : () -> ()
    "tpu.region"() ({
      %run_scoped3A = tpu.sem_alloc : memref<!tpu.dma_semaphore, #tpu.memory_space<semaphore_mem>>
      %dma_start3A_48 = arith.constant 24 : i32
      %dma_start3A_49 = arith.constant 0 : i32
      %dma_start3A_50 = tpu.memref_slice %arg7[%dma_start3A_48, %dma_start3A_49] : memref<128x128xf32, #tpu.memory_space<vmem>> -> memref<8x128xf32, #tpu.memory_space<vmem>>
      %dma_start3A_51 = arith.constant 24 : i32
      %dma_start3A_52 = arith.constant 0 : i32
      %dma_start3A_53 = tpu.memref_slice %arg7[%dma_start3A_51, %dma_start3A_52] : memref<128x128xf32, #tpu.memory_space<vmem>> -> memref<8x128xf32, #tpu.memory_space<vmem>>
      tpu.enqueue_dma source(%arg4 : memref<8x128xf32, #tpu.memory_space<hbm>>) target(%dma_start3A_53 : memref<8x128xf32, #tpu.memory_space<vmem>>) target_semaphore(%run_scoped3A : memref<!tpu.dma_semaphore, #tpu.memory_space<semaphore_mem>>)
      %dma_wait3A = arith.constant 24 : i32
      %dma_wait3A_54 = arith.constant 0 : i32
      %dma_wait3A_55 = tpu.memref_slice %arg7[%dma_wait3A, %dma_wait3A_54] : memref<128x128xf32, #tpu.memory_space<vmem>> -> memref<8x128xf32, #tpu.memory_space<vmem>>
      %dma_wait3A_56 = arith.constant 24 : i32
      %dma_wait3A_57 = arith.constant 0 : i32
      %dma_wait3A_58 = tpu.memref_slice %arg7[%dma_wait3A_56, %dma_wait3A_57] : memref<128x128xf32, #tpu.memory_space<vmem>> -> memref<8x128xf32, #tpu.memory_space<vmem>>
      tpu.wait_dma2 semaphore(%run_scoped3A : memref<!tpu.dma_semaphore, #tpu.memory_space<semaphore_mem>>) src(%arg4 : memref<8x128xf32, #tpu.memory_space<hbm>>) dst(%dma_wait3A_58 : memref<8x128xf32, #tpu.memory_space<vmem>>)
      tpu.yield
    }) : () -> ()
    "tpu.region"() ({
      %run_scoped3A = tpu.sem_alloc : memref<!tpu.dma_semaphore, #tpu.memory_space<semaphore_mem>>
      %dma_start3A_48 = arith.constant 32 : i32
      %dma_start3A_49 = arith.constant 0 : i32
      %dma_start3A_50 = tpu.memref_slice %arg7[%dma_start3A_48, %dma_start3A_49] : memref<128x128xf32, #tpu.memory_space<vmem>> -> memref<8x128xf32, #tpu.memory_space<vmem>>
      %dma_start3A_51 = arith.constant 32 : i32
      %dma_start3A_52 = arith.constant 0 : i32
      %dma_start3A_53 = tpu.memref_slice %arg7[%dma_start3A_51, %dma_start3A_52] : memref<128x128xf32, #tpu.memory_space<vmem>> -> memref<8x128xf32, #tpu.memory_space<vmem>>
      tpu.enqueue_dma source(%arg4 : memref<8x128xf32, #tpu.memory_space<hbm>>) target(%dma_start3A_53 : memref<8x128xf32, #tpu.memory_space<vmem>>) target_semaphore(%run_scoped3A : memref<!tpu.dma_semaphore, #tpu.memory_space<semaphore_mem>>)
      %dma_wait3A = arith.constant 32 : i32
      %dma_wait3A_54 = arith.constant 0 : i32
      %dma_wait3A_55 = tpu.memref_slice %arg7[%dma_wait3A, %dma_wait3A_54] : memref<128x128xf32, #tpu.memory_space<vmem>> -> memref<8x128xf32, #tpu.memory_space<vmem>>
      %dma_wait3A_56 = arith.constant 32 : i32
      %dma_wait3A_57 = arith.constant 0 : i32
      %dma_wait3A_58 = tpu.memref_slice %arg7[%dma_wait3A_56, %dma_wait3A_57] : memref<128x128xf32, #tpu.memory_space<vmem>> -> memref<8x128xf32, #tpu.memory_space<vmem>>
      tpu.wait_dma2 semaphore(%run_scoped3A : memref<!tpu.dma_semaphore, #tpu.memory_space<semaphore_mem>>) src(%arg4 : memref<8x128xf32, #tpu.memory_space<hbm>>) dst(%dma_wait3A_58 : memref<8x128xf32, #tpu.memory_space<vmem>>)
      tpu.yield
    }) : () -> ()
    "tpu.region"() ({
      %run_scoped3A = tpu.sem_alloc : memref<!tpu.dma_semaphore, #tpu.memory_space<semaphore_mem>>
      %dma_start3A_48 = arith.constant 40 : i32
      %dma_start3A_49 = arith.constant 0 : i32
      %dma_start3A_50 = tpu.memref_slice %arg7[%dma_start3A_48, %dma_start3A_49] : memref<128x128xf32, #tpu.memory_space<vmem>> -> memref<8x128xf32, #tpu.memory_space<vmem>>
      %dma_start3A_51 = arith.constant 40 : i32
      %dma_start3A_52 = arith.constant 0 : i32
      %dma_start3A_53 = tpu.memref_slice %arg7[%dma_start3A_51, %dma_start3A_52] : memref<128x128xf32, #tpu.memory_space<vmem>> -> memref<8x128xf32, #tpu.memory_space<vmem>>
      tpu.enqueue_dma source(%arg4 : memref<8x128xf32, #tpu.memory_space<hbm>>) target(%dma_start3A_53 : memref<8x128xf32, #tpu.memory_space<vmem>>) target_semaphore(%run_scoped3A : memref<!tpu.dma_semaphore, #tpu.memory_space<semaphore_mem>>)
      %dma_wait3A = arith.constant 40 : i32
      %dma_wait3A_54 = arith.constant 0 : i32
      %dma_wait3A_55 = tpu.memref_slice %arg7[%dma_wait3A, %dma_wait3A_54] : memref<128x128xf32, #tpu.memory_space<vmem>> -> memref<8x128xf32, #tpu.memory_space<vmem>>
      %dma_wait3A_56 = arith.constant 40 : i32
      %dma_wait3A_57 = arith.constant 0 : i32
      %dma_wait3A_58 = tpu.memref_slice %arg7[%dma_wait3A_56, %dma_wait3A_57] : memref<128x128xf32, #tpu.memory_space<vmem>> -> memref<8x128xf32, #tpu.memory_space<vmem>>
      tpu.wait_dma2 semaphore(%run_scoped3A : memref<!tpu.dma_semaphore, #tpu.memory_space<semaphore_mem>>) src(%arg4 : memref<8x128xf32, #tpu.memory_space<hbm>>) dst(%dma_wait3A_58 : memref<8x128xf32, #tpu.memory_space<vmem>>)
      tpu.yield
    }) : () -> ()
    "tpu.region"() ({
      %run_scoped3A = tpu.sem_alloc : memref<!tpu.dma_semaphore, #tpu.memory_space<semaphore_mem>>
      %dma_start3A_48 = arith.constant 48 : i32
      %dma_start3A_49 = arith.constant 0 : i32
      %dma_start3A_50 = tpu.memref_slice %arg7[%dma_start3A_48, %dma_start3A_49] : memref<128x128xf32, #tpu.memory_space<vmem>> -> memref<8x128xf32, #tpu.memory_space<vmem>>
      %dma_start3A_51 = arith.constant 48 : i32
      %dma_start3A_52 = arith.constant 0 : i32
      %dma_start3A_53 = tpu.memref_slice %arg7[%dma_start3A_51, %dma_start3A_52] : memref<128x128xf32, #tpu.memory_space<vmem>> -> memref<8x128xf32, #tpu.memory_space<vmem>>
      tpu.enqueue_dma source(%arg4 : memref<8x128xf32, #tpu.memory_space<hbm>>) target(%dma_start3A_53 : memref<8x128xf32, #tpu.memory_space<vmem>>) target_semaphore(%run_scoped3A : memref<!tpu.dma_semaphore, #tpu.memory_space<semaphore_mem>>)
      %dma_wait3A = arith.constant 48 : i32
      %dma_wait3A_54 = arith.constant 0 : i32
      %dma_wait3A_55 = tpu.memref_slice %arg7[%dma_wait3A, %dma_wait3A_54] : memref<128x128xf32, #tpu.memory_space<vmem>> -> memref<8x128xf32, #tpu.memory_space<vmem>>
      %dma_wait3A_56 = arith.constant 48 : i32
      %dma_wait3A_57 = arith.constant 0 : i32
      %dma_wait3A_58 = tpu.memref_slice %arg7[%dma_wait3A_56, %dma_wait3A_57] : memref<128x128xf32, #tpu.memory_space<vmem>> -> memref<8x128xf32, #tpu.memory_space<vmem>>
      tpu.wait_dma2 semaphore(%run_scoped3A : memref<!tpu.dma_semaphore, #tpu.memory_space<semaphore_mem>>) src(%arg4 : memref<8x128xf32, #tpu.memory_space<hbm>>) dst(%dma_wait3A_58 : memref<8x128xf32, #tpu.memory_space<vmem>>)
      tpu.yield
    }) : () -> ()
    "tpu.region"() ({
      %run_scoped3A = tpu.sem_alloc : memref<!tpu.dma_semaphore, #tpu.memory_space<semaphore_mem>>
      %dma_start3A_48 = arith.constant 56 : i32
      %dma_start3A_49 = arith.constant 0 : i32
      %dma_start3A_50 = tpu.memref_slice %arg7[%dma_start3A_48, %dma_start3A_49] : memref<128x128xf32, #tpu.memory_space<vmem>> -> memref<8x128xf32, #tpu.memory_space<vmem>>
      %dma_start3A_51 = arith.constant 56 : i32
      %dma_start3A_52 = arith.constant 0 : i32
      %dma_start3A_53 = tpu.memref_slice %arg7[%dma_start3A_51, %dma_start3A_52] : memref<128x128xf32, #tpu.memory_space<vmem>> -> memref<8x128xf32, #tpu.memory_space<vmem>>
      tpu.enqueue_dma source(%arg4 : memref<8x128xf32, #tpu.memory_space<hbm>>) target(%dma_start3A_53 : memref<8x128xf32, #tpu.memory_space<vmem>>) target_semaphore(%run_scoped3A : memref<!tpu.dma_semaphore, #tpu.memory_space<semaphore_mem>>)
      %dma_wait3A = arith.constant 56 : i32
      %dma_wait3A_54 = arith.constant 0 : i32
      %dma_wait3A_55 = tpu.memref_slice %arg7[%dma_wait3A, %dma_wait3A_54] : memref<128x128xf32, #tpu.memory_space<vmem>> -> memref<8x128xf32, #tpu.memory_space<vmem>>
      %dma_wait3A_56 = arith.constant 56 : i32
      %dma_wait3A_57 = arith.constant 0 : i32
      %dma_wait3A_58 = tpu.memref_slice %arg7[%dma_wait3A_56, %dma_wait3A_57] : memref<128x128xf32, #tpu.memory_space<vmem>> -> memref<8x128xf32, #tpu.memory_space<vmem>>
      tpu.wait_dma2 semaphore(%run_scoped3A : memref<!tpu.dma_semaphore, #tpu.memory_space<semaphore_mem>>) src(%arg4 : memref<8x128xf32, #tpu.memory_space<hbm>>) dst(%dma_wait3A_58 : memref<8x128xf32, #tpu.memory_space<vmem>>)
      tpu.yield
    }) : () -> ()
    "tpu.region"() ({
      %run_scoped3A = tpu.sem_alloc : memref<!tpu.dma_semaphore, #tpu.memory_space<semaphore_mem>>
      %dma_start3A_48 = arith.constant 64 : i32
      %dma_start3A_49 = arith.constant 0 : i32
      %dma_start3A_50 = tpu.memref_slice %arg7[%dma_start3A_48, %dma_start3A_49] : memref<128x128xf32, #tpu.memory_space<vmem>> -> memref<8x128xf32, #tpu.memory_space<vmem>>
      %dma_start3A_51 = arith.constant 64 : i32
      %dma_start3A_52 = arith.constant 0 : i32
      %dma_start3A_53 = tpu.memref_slice %arg7[%dma_start3A_51, %dma_start3A_52] : memref<128x128xf32, #tpu.memory_space<vmem>> -> memref<8x128xf32, #tpu.memory_space<vmem>>
      tpu.enqueue_dma source(%arg4 : memref<8x128xf32, #tpu.memory_space<hbm>>) target(%dma_start3A_53 : memref<8x128xf32, #tpu.memory_space<vmem>>) target_semaphore(%run_scoped3A : memref<!tpu.dma_semaphore, #tpu.memory_space<semaphore_mem>>)
      %dma_wait3A = arith.constant 64 : i32
      %dma_wait3A_54 = arith.constant 0 : i32
      %dma_wait3A_55 = tpu.memref_slice %arg7[%dma_wait3A, %dma_wait3A_54] : memref<128x128xf32, #tpu.memory_space<vmem>> -> memref<8x128xf32, #tpu.memory_space<vmem>>
      %dma_wait3A_56 = arith.constant 64 : i32
      %dma_wait3A_57 = arith.constant 0 : i32
      %dma_wait3A_58 = tpu.memref_slice %arg7[%dma_wait3A_56, %dma_wait3A_57] : memref<128x128xf32, #tpu.memory_space<vmem>> -> memref<8x128xf32, #tpu.memory_space<vmem>>
      tpu.wait_dma2 semaphore(%run_scoped3A : memref<!tpu.dma_semaphore, #tpu.memory_space<semaphore_mem>>) src(%arg4 : memref<8x128xf32, #tpu.memory_space<hbm>>) dst(%dma_wait3A_58 : memref<8x128xf32, #tpu.memory_space<vmem>>)
      tpu.yield
    }) : () -> ()
    "tpu.region"() ({
      %run_scoped3A = tpu.sem_alloc : memref<!tpu.dma_semaphore, #tpu.memory_space<semaphore_mem>>
      %dma_start3A_48 = arith.constant 72 : i32
      %dma_start3A_49 = arith.constant 0 : i32
      %dma_start3A_50 = tpu.memref_slice %arg7[%dma_start3A_48, %dma_start3A_49] : memref<128x128xf32, #tpu.memory_space<vmem>> -> memref<8x128xf32, #tpu.memory_space<vmem>>
      %dma_start3A_51 = arith.constant 72 : i32
      %dma_start3A_52 = arith.constant 0 : i32
      %dma_start3A_53 = tpu.memref_slice %arg7[%dma_start3A_51, %dma_start3A_52] : memref<128x128xf32, #tpu.memory_space<vmem>> -> memref<8x128xf32, #tpu.memory_space<vmem>>
      tpu.enqueue_dma source(%arg4 : memref<8x128xf32, #tpu.memory_space<hbm>>) target(%dma_start3A_53 : memref<8x128xf32, #tpu.memory_space<vmem>>) target_semaphore(%run_scoped3A : memref<!tpu.dma_semaphore, #tpu.memory_space<semaphore_mem>>)
      %dma_wait3A = arith.constant 72 : i32
      %dma_wait3A_54 = arith.constant 0 : i32
      %dma_wait3A_55 = tpu.memref_slice %arg7[%dma_wait3A, %dma_wait3A_54] : memref<128x128xf32, #tpu.memory_space<vmem>> -> memref<8x128xf32, #tpu.memory_space<vmem>>
      %dma_wait3A_56 = arith.constant 72 : i32
      %dma_wait3A_57 = arith.constant 0 : i32
      %dma_wait3A_58 = tpu.memref_slice %arg7[%dma_wait3A_56, %dma_wait3A_57] : memref<128x128xf32, #tpu.memory_space<vmem>> -> memref<8x128xf32, #tpu.memory_space<vmem>>
      tpu.wait_dma2 semaphore(%run_scoped3A : memref<!tpu.dma_semaphore, #tpu.memory_space<semaphore_mem>>) src(%arg4 : memref<8x128xf32, #tpu.memory_space<hbm>>) dst(%dma_wait3A_58 : memref<8x128xf32, #tpu.memory_space<vmem>>)
      tpu.yield
    }) : () -> ()
    "tpu.region"() ({
      %run_scoped3A = tpu.sem_alloc : memref<!tpu.dma_semaphore, #tpu.memory_space<semaphore_mem>>
      %dma_start3A_48 = arith.constant 80 : i32
      %dma_start3A_49 = arith.constant 0 : i32
      %dma_start3A_50 = tpu.memref_slice %arg7[%dma_start3A_48, %dma_start3A_49] : memref<128x128xf32, #tpu.memory_space<vmem>> -> memref<8x128xf32, #tpu.memory_space<vmem>>
      %dma_start3A_51 = arith.constant 80 : i32
      %dma_start3A_52 = arith.constant 0 : i32
      %dma_start3A_53 = tpu.memref_slice %arg7[%dma_start3A_51, %dma_start3A_52] : memref<128x128xf32, #tpu.memory_space<vmem>> -> memref<8x128xf32, #tpu.memory_space<vmem>>
      tpu.enqueue_dma source(%arg4 : memref<8x128xf32, #tpu.memory_space<hbm>>) target(%dma_start3A_53 : memref<8x128xf32, #tpu.memory_space<vmem>>) target_semaphore(%run_scoped3A : memref<!tpu.dma_semaphore, #tpu.memory_space<semaphore_mem>>)
      %dma_wait3A = arith.constant 80 : i32
      %dma_wait3A_54 = arith.constant 0 : i32
      %dma_wait3A_55 = tpu.memref_slice %arg7[%dma_wait3A, %dma_wait3A_54] : memref<128x128xf32, #tpu.memory_space<vmem>> -> memref<8x128xf32, #tpu.memory_space<vmem>>
      %dma_wait3A_56 = arith.constant 80 : i32
      %dma_wait3A_57 = arith.constant 0 : i32
      %dma_wait3A_58 = tpu.memref_slice %arg7[%dma_wait3A_56, %dma_wait3A_57] : memref<128x128xf32, #tpu.memory_space<vmem>> -> memref<8x128xf32, #tpu.memory_space<vmem>>
      tpu.wait_dma2 semaphore(%run_scoped3A : memref<!tpu.dma_semaphore, #tpu.memory_space<semaphore_mem>>) src(%arg4 : memref<8x128xf32, #tpu.memory_space<hbm>>) dst(%dma_wait3A_58 : memref<8x128xf32, #tpu.memory_space<vmem>>)
      tpu.yield
    }) : () -> ()
    "tpu.region"() ({
      %run_scoped3A = tpu.sem_alloc : memref<!tpu.dma_semaphore, #tpu.memory_space<semaphore_mem>>
      %dma_start3A_48 = arith.constant 88 : i32
      %dma_start3A_49 = arith.constant 0 : i32
      %dma_start3A_50 = tpu.memref_slice %arg7[%dma_start3A_48, %dma_start3A_49] : memref<128x128xf32, #tpu.memory_space<vmem>> -> memref<8x128xf32, #tpu.memory_space<vmem>>
      %dma_start3A_51 = arith.constant 88 : i32
      %dma_start3A_52 = arith.constant 0 : i32
      %dma_start3A_53 = tpu.memref_slice %arg7[%dma_start3A_51, %dma_start3A_52] : memref<128x128xf32, #tpu.memory_space<vmem>> -> memref<8x128xf32, #tpu.memory_space<vmem>>
      tpu.enqueue_dma source(%arg4 : memref<8x128xf32, #tpu.memory_space<hbm>>) target(%dma_start3A_53 : memref<8x128xf32, #tpu.memory_space<vmem>>) target_semaphore(%run_scoped3A : memref<!tpu.dma_semaphore, #tpu.memory_space<semaphore_mem>>)
      %dma_wait3A = arith.constant 88 : i32
      %dma_wait3A_54 = arith.constant 0 : i32
      %dma_wait3A_55 = tpu.memref_slice %arg7[%dma_wait3A, %dma_wait3A_54] : memref<128x128xf32, #tpu.memory_space<vmem>> -> memref<8x128xf32, #tpu.memory_space<vmem>>
      %dma_wait3A_56 = arith.constant 88 : i32
      %dma_wait3A_57 = arith.constant 0 : i32
      %dma_wait3A_58 = tpu.memref_slice %arg7[%dma_wait3A_56, %dma_wait3A_57] : memref<128x128xf32, #tpu.memory_space<vmem>> -> memref<8x128xf32, #tpu.memory_space<vmem>>
      tpu.wait_dma2 semaphore(%run_scoped3A : memref<!tpu.dma_semaphore, #tpu.memory_space<semaphore_mem>>) src(%arg4 : memref<8x128xf32, #tpu.memory_space<hbm>>) dst(%dma_wait3A_58 : memref<8x128xf32, #tpu.memory_space<vmem>>)
      tpu.yield
    }) : () -> ()
    "tpu.region"() ({
      %run_scoped3A = tpu.sem_alloc : memref<!tpu.dma_semaphore, #tpu.memory_space<semaphore_mem>>
      %dma_start3A_48 = arith.constant 96 : i32
      %dma_start3A_49 = arith.constant 0 : i32
      %dma_start3A_50 = tpu.memref_slice %arg7[%dma_start3A_48, %dma_start3A_49] : memref<128x128xf32, #tpu.memory_space<vmem>> -> memref<8x128xf32, #tpu.memory_space<vmem>>
      %dma_start3A_51 = arith.constant 96 : i32
      %dma_start3A_52 = arith.constant 0 : i32
      %dma_start3A_53 = tpu.memref_slice %arg7[%dma_start3A_51, %dma_start3A_52] : memref<128x128xf32, #tpu.memory_space<vmem>> -> memref<8x128xf32, #tpu.memory_space<vmem>>
      tpu.enqueue_dma source(%arg4 : memref<8x128xf32, #tpu.memory_space<hbm>>) target(%dma_start3A_53 : memref<8x128xf32, #tpu.memory_space<vmem>>) target_semaphore(%run_scoped3A : memref<!tpu.dma_semaphore, #tpu.memory_space<semaphore_mem>>)
      %dma_wait3A = arith.constant 96 : i32
      %dma_wait3A_54 = arith.constant 0 : i32
      %dma_wait3A_55 = tpu.memref_slice %arg7[%dma_wait3A, %dma_wait3A_54] : memref<128x128xf32, #tpu.memory_space<vmem>> -> memref<8x128xf32, #tpu.memory_space<vmem>>
      %dma_wait3A_56 = arith.constant 96 : i32
      %dma_wait3A_57 = arith.constant 0 : i32
      %dma_wait3A_58 = tpu.memref_slice %arg7[%dma_wait3A_56, %dma_wait3A_57] : memref<128x128xf32, #tpu.memory_space<vmem>> -> memref<8x128xf32, #tpu.memory_space<vmem>>
      tpu.wait_dma2 semaphore(%run_scoped3A : memref<!tpu.dma_semaphore, #tpu.memory_space<semaphore_mem>>) src(%arg4 : memref<8x128xf32, #tpu.memory_space<hbm>>) dst(%dma_wait3A_58 : memref<8x128xf32, #tpu.memory_space<vmem>>)
      tpu.yield
    }) : () -> ()
    "tpu.region"() ({
      %run_scoped3A = tpu.sem_alloc : memref<!tpu.dma_semaphore, #tpu.memory_space<semaphore_mem>>
      %dma_start3A_48 = arith.constant 104 : i32
      %dma_start3A_49 = arith.constant 0 : i32
      %dma_start3A_50 = tpu.memref_slice %arg7[%dma_start3A_48, %dma_start3A_49] : memref<128x128xf32, #tpu.memory_space<vmem>> -> memref<8x128xf32, #tpu.memory_space<vmem>>
      %dma_start3A_51 = arith.constant 104 : i32
      %dma_start3A_52 = arith.constant 0 : i32
      %dma_start3A_53 = tpu.memref_slice %arg7[%dma_start3A_51, %dma_start3A_52] : memref<128x128xf32, #tpu.memory_space<vmem>> -> memref<8x128xf32, #tpu.memory_space<vmem>>
      tpu.enqueue_dma source(%arg4 : memref<8x128xf32, #tpu.memory_space<hbm>>) target(%dma_start3A_53 : memref<8x128xf32, #tpu.memory_space<vmem>>) target_semaphore(%run_scoped3A : memref<!tpu.dma_semaphore, #tpu.memory_space<semaphore_mem>>)
      %dma_wait3A = arith.constant 104 : i32
      %dma_wait3A_54 = arith.constant 0 : i32
      %dma_wait3A_55 = tpu.memref_slice %arg7[%dma_wait3A, %dma_wait3A_54] : memref<128x128xf32, #tpu.memory_space<vmem>> -> memref<8x128xf32, #tpu.memory_space<vmem>>
      %dma_wait3A_56 = arith.constant 104 : i32
      %dma_wait3A_57 = arith.constant 0 : i32
      %dma_wait3A_58 = tpu.memref_slice %arg7[%dma_wait3A_56, %dma_wait3A_57] : memref<128x128xf32, #tpu.memory_space<vmem>> -> memref<8x128xf32, #tpu.memory_space<vmem>>
      tpu.wait_dma2 semaphore(%run_scoped3A : memref<!tpu.dma_semaphore, #tpu.memory_space<semaphore_mem>>) src(%arg4 : memref<8x128xf32, #tpu.memory_space<hbm>>) dst(%dma_wait3A_58 : memref<8x128xf32, #tpu.memory_space<vmem>>)
      tpu.yield
    }) : () -> ()
    "tpu.region"() ({
      %run_scoped3A = tpu.sem_alloc : memref<!tpu.dma_semaphore, #tpu.memory_space<semaphore_mem>>
      %dma_start3A_48 = arith.constant 112 : i32
      %dma_start3A_49 = arith.constant 0 : i32
      %dma_start3A_50 = tpu.memref_slice %arg7[%dma_start3A_48, %dma_start3A_49] : memref<128x128xf32, #tpu.memory_space<vmem>> -> memref<8x128xf32, #tpu.memory_space<vmem>>
      %dma_start3A_51 = arith.constant 112 : i32
      %dma_start3A_52 = arith.constant 0 : i32
      %dma_start3A_53 = tpu.memref_slice %arg7[%dma_start3A_51, %dma_start3A_52] : memref<128x128xf32, #tpu.memory_space<vmem>> -> memref<8x128xf32, #tpu.memory_space<vmem>>
      tpu.enqueue_dma source(%arg4 : memref<8x128xf32, #tpu.memory_space<hbm>>) target(%dma_start3A_53 : memref<8x128xf32, #tpu.memory_space<vmem>>) target_semaphore(%run_scoped3A : memref<!tpu.dma_semaphore, #tpu.memory_space<semaphore_mem>>)
      %dma_wait3A = arith.constant 112 : i32
      %dma_wait3A_54 = arith.constant 0 : i32
      %dma_wait3A_55 = tpu.memref_slice %arg7[%dma_wait3A, %dma_wait3A_54] : memref<128x128xf32, #tpu.memory_space<vmem>> -> memref<8x128xf32, #tpu.memory_space<vmem>>
      %dma_wait3A_56 = arith.constant 112 : i32
      %dma_wait3A_57 = arith.constant 0 : i32
      %dma_wait3A_58 = tpu.memref_slice %arg7[%dma_wait3A_56, %dma_wait3A_57] : memref<128x128xf32, #tpu.memory_space<vmem>> -> memref<8x128xf32, #tpu.memory_space<vmem>>
      tpu.wait_dma2 semaphore(%run_scoped3A : memref<!tpu.dma_semaphore, #tpu.memory_space<semaphore_mem>>) src(%arg4 : memref<8x128xf32, #tpu.memory_space<hbm>>) dst(%dma_wait3A_58 : memref<8x128xf32, #tpu.memory_space<vmem>>)
      tpu.yield
    }) : () -> ()
    "tpu.region"() ({
      %run_scoped3A = tpu.sem_alloc : memref<!tpu.dma_semaphore, #tpu.memory_space<semaphore_mem>>
      %dma_start3A_48 = arith.constant 120 : i32
      %dma_start3A_49 = arith.constant 0 : i32
      %dma_start3A_50 = tpu.memref_slice %arg7[%dma_start3A_48, %dma_start3A_49] : memref<128x128xf32, #tpu.memory_space<vmem>> -> memref<8x128xf32, #tpu.memory_space<vmem>>
      %dma_start3A_51 = arith.constant 120 : i32
      %dma_start3A_52 = arith.constant 0 : i32
      %dma_start3A_53 = tpu.memref_slice %arg7[%dma_start3A_51, %dma_start3A_52] : memref<128x128xf32, #tpu.memory_space<vmem>> -> memref<8x128xf32, #tpu.memory_space<vmem>>
      tpu.enqueue_dma source(%arg4 : memref<8x128xf32, #tpu.memory_space<hbm>>) target(%dma_start3A_53 : memref<8x128xf32, #tpu.memory_space<vmem>>) target_semaphore(%run_scoped3A : memref<!tpu.dma_semaphore, #tpu.memory_space<semaphore_mem>>)
      %dma_wait3A = arith.constant 120 : i32
      %dma_wait3A_54 = arith.constant 0 : i32
      %dma_wait3A_55 = tpu.memref_slice %arg7[%dma_wait3A, %dma_wait3A_54] : memref<128x128xf32, #tpu.memory_space<vmem>> -> memref<8x128xf32, #tpu.memory_space<vmem>>
      %dma_wait3A_56 = arith.constant 120 : i32
      %dma_wait3A_57 = arith.constant 0 : i32
      %dma_wait3A_58 = tpu.memref_slice %arg7[%dma_wait3A_56, %dma_wait3A_57] : memref<128x128xf32, #tpu.memory_space<vmem>> -> memref<8x128xf32, #tpu.memory_space<vmem>>
      tpu.wait_dma2 semaphore(%run_scoped3A : memref<!tpu.dma_semaphore, #tpu.memory_space<semaphore_mem>>) src(%arg4 : memref<8x128xf32, #tpu.memory_space<hbm>>) dst(%dma_wait3A_58 : memref<8x128xf32, #tpu.memory_space<vmem>>)
      tpu.yield
    }) : () -> ()
    %barrier3A = arith.constant 0 : index
    tpu.barrier barrier_id(%barrier3A)
    %mul3A_5 = arith.constant 80 : i32
    %mul3A_6 = arith.muli %add3A, %mul3A_5 : i32
    %mul3A_7 = arith.constant 2 : i32
    %mul3A_8 = arith.muli %mul3A_6, %mul3A_7 : i32
    %dma_start3A = arith.constant 0 : i32
    %dma_start3A_9 = arith.constant 0 : i32
    %dma_start3A_10 = arith.constant 0 : i32
    %dma_start3A_11 = tpu.memref_slice %arg6[%dma_start3A, %dma_start3A_9, %dma_start3A_10] : memref<4x2x128xi32, #tpu.memory_space<vmem>> -> memref<1x2x128xi32, #tpu.memory_space<vmem>>
    %dma_start3A_12 = tpu.memref_squeeze %dma_start3A_11 : memref<1x2x128xi32, #tpu.memory_space<vmem>> -> memref<2x128xi32, #tpu.memory_space<vmem>>
    %dma_start3A_13 = arith.constant 0 : i32
    %dma_start3A_14 = tpu.memref_slice %arg2[%mul3A_8, %dma_start3A_13] : memref<5120x128xi32, #tpu.memory_space<hbm>> -> memref<2x128xi32, #tpu.memory_space<hbm>>
    %dma_start3A_15 = arith.constant 0 : i32
    %dma_start3A_16 = arith.constant 0 : i32
    %dma_start3A_17 = tpu.memref_slice %arg6[%dma_start3A, %dma_start3A_15, %dma_start3A_16] : memref<4x2x128xi32, #tpu.memory_space<vmem>> -> memref<1x2x128xi32, #tpu.memory_space<vmem>>
    %dma_start3A_18 = tpu.memref_squeeze %dma_start3A_17 : memref<1x2x128xi32, #tpu.memory_space<vmem>> -> memref<2x128xi32, #tpu.memory_space<vmem>>
    %dma_start3A_19 = arith.constant 0 : i32
    %dma_start3A_20 = tpu.memref_slice %arg2[%mul3A_8, %dma_start3A_19] : memref<5120x128xi32, #tpu.memory_space<hbm>> -> memref<2x128xi32, #tpu.memory_space<hbm>>
    tpu.enqueue_dma source(%dma_start3A_20 : memref<2x128xi32, #tpu.memory_space<hbm>>) target(%dma_start3A_18 : memref<2x128xi32, #tpu.memory_space<vmem>>) target_semaphore(%arg9 : memref<!tpu.dma_semaphore, #tpu.memory_space<semaphore_mem>>)
    %add3A_21 = arith.constant 2 : i32
    %add3A_22 = arith.addi %mul3A_8, %add3A_21 : i32
    %dma_start3A_23 = arith.constant 1 : i32
    %dma_start3A_24 = arith.constant 0 : i32
    %dma_start3A_25 = arith.constant 0 : i32
    %dma_start3A_26 = tpu.memref_slice %arg6[%dma_start3A_23, %dma_start3A_24, %dma_start3A_25] : memref<4x2x128xi32, #tpu.memory_space<vmem>> -> memref<1x2x128xi32, #tpu.memory_space<vmem>>
    %dma_start3A_27 = tpu.memref_squeeze %dma_start3A_26 : memref<1x2x128xi32, #tpu.memory_space<vmem>> -> memref<2x128xi32, #tpu.memory_space<vmem>>
    %dma_start3A_28 = arith.constant 0 : i32
    %dma_start3A_29 = tpu.memref_slice %arg2[%add3A_22, %dma_start3A_28] : memref<5120x128xi32, #tpu.memory_space<hbm>> -> memref<2x128xi32, #tpu.memory_space<hbm>>
    %dma_start3A_30 = arith.constant 0 : i32
    %dma_start3A_31 = arith.constant 0 : i32
    %dma_start3A_32 = tpu.memref_slice %arg6[%dma_start3A_23, %dma_start3A_30, %dma_start3A_31] : memref<4x2x128xi32, #tpu.memory_space<vmem>> -> memref<1x2x128xi32, #tpu.memory_space<vmem>>
    %dma_start3A_33 = tpu.memref_squeeze %dma_start3A_32 : memref<1x2x128xi32, #tpu.memory_space<vmem>> -> memref<2x128xi32, #tpu.memory_space<vmem>>
    %dma_start3A_34 = arith.constant 0 : i32
    %dma_start3A_35 = tpu.memref_slice %arg2[%add3A_22, %dma_start3A_34] : memref<5120x128xi32, #tpu.memory_space<hbm>> -> memref<2x128xi32, #tpu.memory_space<hbm>>
    tpu.enqueue_dma source(%dma_start3A_35 : memref<2x128xi32, #tpu.memory_space<hbm>>) target(%dma_start3A_33 : memref<2x128xi32, #tpu.memory_space<vmem>>) target_semaphore(%arg9 : memref<!tpu.dma_semaphore, #tpu.memory_space<semaphore_mem>>)
    %scan3A = arith.constant 0 : i32
    %scan3A_36 = arith.constant 80 : i32
    %scan3A_37 = arith.addi %scan3A, %scan3A_36 : i32
    %scan3A_38 = arith.constant 1 : i32
    scf.for %scan3A_48 = %scan3A to %scan3A_37 step %scan3A_38  : i32 {
      %mul3A_49 = arith.constant 1 : i32
      %mul3A_50 = arith.muli %scan3A_48, %mul3A_49 : i32
      %add3A_51 = arith.constant 0 : i32
      %add3A_52 = arith.addi %add3A_51, %mul3A_50 : i32
      %rem3A = arith.constant 4 : i32
      %rem3A_53 = arith.remsi %add3A_52, %rem3A : i32
      %dma_wait3A = arith.constant 0 : i32
      %dma_wait3A_54 = arith.constant 0 : i32
      %dma_wait3A_55 = tpu.memref_slice %arg6[%rem3A_53, %dma_wait3A, %dma_wait3A_54] : memref<4x2x128xi32, #tpu.memory_space<vmem>> -> memref<1x2x128xi32, #tpu.memory_space<vmem>>
      %dma_wait3A_56 = tpu.memref_squeeze %dma_wait3A_55 : memref<1x2x128xi32, #tpu.memory_space<vmem>> -> memref<2x128xi32, #tpu.memory_space<vmem>>
      %dma_wait3A_57 = arith.constant 0 : i32
      %dma_wait3A_58 = arith.constant 0 : i32
      %dma_wait3A_59 = tpu.memref_slice %arg2[%dma_wait3A_57, %dma_wait3A_58] : memref<5120x128xi32, #tpu.memory_space<hbm>> -> memref<2x128xi32, #tpu.memory_space<hbm>>
      %dma_wait3A_60 = arith.constant 0 : i32
      %dma_wait3A_61 = arith.constant 0 : i32
      %dma_wait3A_62 = tpu.memref_slice %arg6[%rem3A_53, %dma_wait3A_60, %dma_wait3A_61] : memref<4x2x128xi32, #tpu.memory_space<vmem>> -> memref<1x2x128xi32, #tpu.memory_space<vmem>>
      %dma_wait3A_63 = tpu.memref_squeeze %dma_wait3A_62 : memref<1x2x128xi32, #tpu.memory_space<vmem>> -> memref<2x128xi32, #tpu.memory_space<vmem>>
      %dma_wait3A_64 = arith.constant 0 : i32
      %dma_wait3A_65 = arith.constant 0 : i32
      %dma_wait3A_66 = tpu.memref_slice %arg2[%dma_wait3A_64, %dma_wait3A_65] : memref<5120x128xi32, #tpu.memory_space<hbm>> -> memref<2x128xi32, #tpu.memory_space<hbm>>
      tpu.wait_dma2 semaphore(%arg9 : memref<!tpu.dma_semaphore, #tpu.memory_space<semaphore_mem>>) src(%dma_wait3A_66 : memref<2x128xi32, #tpu.memory_space<hbm>>) dst(%dma_wait3A_63 : memref<2x128xi32, #tpu.memory_space<vmem>>)
      %add3A_67 = arith.constant 2 : i32
      %add3A_68 = arith.addi %add3A_52, %add3A_67 : i32
      %lt3A = arith.constant 80 : i32
      %lt3A_69 = arith.cmpi slt, %add3A_68, %lt3A : i32
      %convert_element_type3A = arith.extui %lt3A_69 : i1 to i32
      %cond3A = arith.constant 0 : i32
      %cond3A_70 = arith.cmpi ne, %convert_element_type3A, %cond3A : i32
      scf.if %cond3A_70 {
        %add3A_73 = arith.constant 2 : i32
        %add3A_74 = arith.addi %add3A_52, %add3A_73 : i32
        %rem3A_75 = arith.constant 4 : i32
        %rem3A_76 = arith.remsi %add3A_74, %rem3A_75 : i32
        %add3A_77 = arith.constant 2 : i32
        %add3A_78 = arith.addi %add3A_52, %add3A_77 : i32
        %mul3A_79 = arith.constant 2 : i32
        %mul3A_80 = arith.muli %add3A_78, %mul3A_79 : i32
        %add3A_81 = arith.addi %mul3A_8, %mul3A_80 : i32
        %dma_start3A_82 = arith.constant 0 : i32
        %dma_start3A_83 = arith.constant 0 : i32
        %dma_start3A_84 = tpu.memref_slice %arg6[%rem3A_76, %dma_start3A_82, %dma_start3A_83] : memref<4x2x128xi32, #tpu.memory_space<vmem>> -> memref<1x2x128xi32, #tpu.memory_space<vmem>>
        %dma_start3A_85 = tpu.memref_squeeze %dma_start3A_84 : memref<1x2x128xi32, #tpu.memory_space<vmem>> -> memref<2x128xi32, #tpu.memory_space<vmem>>
        %dma_start3A_86 = arith.constant 0 : i32
        %dma_start3A_87 = tpu.memref_slice %arg2[%add3A_81, %dma_start3A_86] : memref<5120x128xi32, #tpu.memory_space<hbm>> -> memref<2x128xi32, #tpu.memory_space<hbm>>
        %dma_start3A_88 = arith.constant 0 : i32
        %dma_start3A_89 = arith.constant 0 : i32
        %dma_start3A_90 = tpu.memref_slice %arg6[%rem3A_76, %dma_start3A_88, %dma_start3A_89] : memref<4x2x128xi32, #tpu.memory_space<vmem>> -> memref<1x2x128xi32, #tpu.memory_space<vmem>>
        %dma_start3A_91 = tpu.memref_squeeze %dma_start3A_90 : memref<1x2x128xi32, #tpu.memory_space<vmem>> -> memref<2x128xi32, #tpu.memory_space<vmem>>
        %dma_start3A_92 = arith.constant 0 : i32
        %dma_start3A_93 = tpu.memref_slice %arg2[%add3A_81, %dma_start3A_92] : memref<5120x128xi32, #tpu.memory_space<hbm>> -> memref<2x128xi32, #tpu.memory_space<hbm>>
        tpu.enqueue_dma source(%dma_start3A_93 : memref<2x128xi32, #tpu.memory_space<hbm>>) target(%dma_start3A_91 : memref<2x128xi32, #tpu.memory_space<vmem>>) target_semaphore(%arg9 : memref<!tpu.dma_semaphore, #tpu.memory_space<semaphore_mem>>)
      } else {
      }
      %rem3A_71 = arith.constant 4 : i32
      %rem3A_72 = arith.remsi %add3A_52, %rem3A_71 : i32
      %run_scoped3A = arith.constant 1 : i32
      "tpu.region"() ({
        %run_scoped3A_73 = tpu.sem_alloc : memref<!tpu.dma_semaphore, #tpu.memory_space<semaphore_mem>>
        %dma_start3A_74 = arith.constant 0 : i32
        %dma_start3A_75 = tpu.memref_slice %arg6[%rem3A_72, %run_scoped3A, %dma_start3A_74] : memref<4x2x128xi32, #tpu.memory_space<vmem>> -> memref<1x1x128xi32, #tpu.memory_space<vmem>>
        %dma_start3A_76 = tpu.memref_squeeze %dma_start3A_75 : memref<1x1x128xi32, #tpu.memory_space<vmem>> -> memref<128xi32, #tpu.memory_space<vmem>>
        %dma_start3A_77 = arith.constant 0 : i32
        %dma_start3A_78 = arith.constant 0 : i32
        %dma_start3A_79 = tpu.memref_slice %arg8[%dma_start3A_77, %dma_start3A_78] : memref<10240x128xf32, #tpu.memory_space<vmem_shared>> -> memref<10240x128xf32, #tpu.memory_space<vmem_shared>>
        tpu.enqueue_indirect_dma source(%arg7 : memref<128x128xf32, #tpu.memory_space<vmem>>) target(%dma_start3A_79 : memref<10240x128xf32, #tpu.memory_space<vmem_shared>>) offsets(%dma_start3A_76 : memref<128xi32, #tpu.memory_space<vmem>>) semaphore(%run_scoped3A_73 : memref<!tpu.dma_semaphore, #tpu.memory_space<semaphore_mem>>) {add = true}
        %dma_wait3A_80 = arith.constant 0 : i32
        %dma_wait3A_81 = tpu.memref_slice %arg6[%rem3A_72, %run_scoped3A, %dma_wait3A_80] : memref<4x2x128xi32, #tpu.memory_space<vmem>> -> memref<1x1x128xi32, #tpu.memory_space<vmem>>
        %dma_wait3A_82 = tpu.memref_squeeze %dma_wait3A_81 : memref<1x1x128xi32, #tpu.memory_space<vmem>> -> memref<128xi32, #tpu.memory_space<vmem>>
        %dma_wait3A_83 = arith.constant 0 : i32
        %dma_wait3A_84 = arith.constant 0 : i32
        %dma_wait3A_85 = tpu.memref_slice %arg8[%dma_wait3A_83, %dma_wait3A_84] : memref<10240x128xf32, #tpu.memory_space<vmem_shared>> -> memref<10240x128xf32, #tpu.memory_space<vmem_shared>>
        tpu.wait_indirect_dma semaphore(%run_scoped3A_73 : memref<!tpu.dma_semaphore, #tpu.memory_space<semaphore_mem>>) src(%arg7 : memref<128x128xf32, #tpu.memory_space<vmem>>) dst(%dma_wait3A_85 : memref<10240x128xf32, #tpu.memory_space<vmem_shared>>)
        tpu.yield
      }) : () -> ()
    }
    %scan3A_39 = arith.constant 80 : i32
    %barrier3A_40 = arith.constant 0 : index
    tpu.barrier barrier_id(%barrier3A_40)
    %mul3A_41 = arith.constant 640 : i32
    %mul3A_42 = arith.muli %arg1, %mul3A_41 : i32
    %mul3A_43 = arith.constant 10240 : i32
    %mul3A_44 = arith.muli %arg0, %mul3A_43 : i32
    %mul3A_45 = arith.constant 640 : i32
    %mul3A_46 = arith.muli %arg1, %mul3A_45 : i32
    %add3A_47 = arith.addi %mul3A_44, %mul3A_46 : i32
    "tpu.region"() ({
      %run_scoped3A = tpu.sem_alloc : memref<!tpu.dma_semaphore, #tpu.memory_space<semaphore_mem>>
      %dma_start3A_48 = arith.constant 0 : i32
      %dma_start3A_49 = tpu.memref_slice %arg5[%add3A_47, %dma_start3A_48] : memref<20480x128xf32, #tpu.memory_space<hbm>> -> memref<640x128xf32, #tpu.memory_space<hbm>>
      %dma_start3A_50 = arith.constant 0 : i32
      %dma_start3A_51 = tpu.memref_slice %arg8[%mul3A_42, %dma_start3A_50] : memref<10240x128xf32, #tpu.memory_space<vmem_shared>> -> memref<640x128xf32, #tpu.memory_space<vmem_shared>>
      tpu.enqueue_dma source(%dma_start3A_51 : memref<640x128xf32, #tpu.memory_space<vmem_shared>>) target(%dma_start3A_49 : memref<640x128xf32, #tpu.memory_space<hbm>>) target_semaphore(%run_scoped3A : memref<!tpu.dma_semaphore, #tpu.memory_space<semaphore_mem>>)
      %dma_wait3A = arith.constant 0 : i32
      %dma_wait3A_52 = tpu.memref_slice %arg5[%add3A_47, %dma_wait3A] : memref<20480x128xf32, #tpu.memory_space<hbm>> -> memref<640x128xf32, #tpu.memory_space<hbm>>
      %dma_wait3A_53 = arith.constant 0 : i32
      %dma_wait3A_54 = tpu.memref_slice %arg8[%mul3A_42, %dma_wait3A_53] : memref<10240x128xf32, #tpu.memory_space<vmem_shared>> -> memref<640x128xf32, #tpu.memory_space<vmem_shared>>
      tpu.wait_dma2 semaphore(%run_scoped3A : memref<!tpu.dma_semaphore, #tpu.memory_space<semaphore_mem>>) src(%dma_wait3A_54 : memref<640x128xf32, #tpu.memory_space<vmem_shared>>) dst(%dma_wait3A_52 : memref<640x128xf32, #tpu.memory_space<hbm>>)
      tpu.yield
    }) : () -> ()
    return
  }
}

#map = affine_map<(d0, d1) -> (0, 0)>
module attributes {stable_mosaic.version = 14 : i64} {
  func.func @gin_agg(%arg0: i32, %arg1: i32, %arg2: memref<20480x128xf32, #tpu.memory_space<hbm>>, %arg3: memref<5120x128xi32, #tpu.memory_space<hbm>>, %arg4: memref<10240x128xf32, #tpu.memory_space<hbm>>, %arg5: memref<20480x128xf32, #tpu.memory_space<hbm>>, %arg6: memref<4x2x128xi32, #tpu.memory_space<vmem>>, %arg7: memref<128x128xf32, #tpu.memory_space<vmem>>, %arg8: memref<128x128xf32, #tpu.memory_space<vmem>>, %arg9: memref<10240x128xf32, #tpu.memory_space<vmem_shared>>, %arg10: memref<!tpu.dma_semaphore, #tpu.memory_space<semaphore_mem>>, %arg11: memref<!tpu.dma_semaphore, #tpu.memory_space<semaphore_mem>>, %arg12: memref<!tpu.dma_semaphore, #tpu.memory_space<semaphore_mem>>) attributes {dimension_semantics = [#tpu.dimension_semantics<core_parallel>, #tpu.dimension_semantics<subcore_parallel>], iteration_bounds = array<i64: 2, 16>, scalar_prefetch = 0 : i64, scratch_operands = 7 : i64, tpu.core_type = #tpu.core_type<sc_vector_subcore>, window_params = [{transform_indices = #map}, {transform_indices = #map}, {transform_indices = #map}, {transform_indices = #map}]} {
    %mul3A = arith.constant 16 : i32
    %mul3A_0 = arith.muli %arg0, %mul3A : i32
    %add3A = arith.addi %mul3A_0, %arg1 : i32
    %mul3A_1 = arith.constant 640 : i32
    %mul3A_2 = arith.muli %arg1, %mul3A_1 : i32
    %mul3A_3 = arith.constant 640 : i32
    %mul3A_4 = arith.muli %arg1, %mul3A_3 : i32
    "tpu.region"() ({
      %run_scoped3A_43 = tpu.sem_alloc : memref<!tpu.dma_semaphore, #tpu.memory_space<semaphore_mem>>
      %dma_start3A_44 = arith.constant 0 : i32
      %dma_start3A_45 = tpu.memref_slice %arg9[%mul3A_4, %dma_start3A_44] : memref<10240x128xf32, #tpu.memory_space<vmem_shared>> -> memref<640x128xf32, #tpu.memory_space<vmem_shared>>
      %dma_start3A_46 = arith.constant 0 : i32
      %dma_start3A_47 = tpu.memref_slice %arg4[%mul3A_2, %dma_start3A_46] : memref<10240x128xf32, #tpu.memory_space<hbm>> -> memref<640x128xf32, #tpu.memory_space<hbm>>
      tpu.enqueue_dma source(%dma_start3A_47 : memref<640x128xf32, #tpu.memory_space<hbm>>) target(%dma_start3A_45 : memref<640x128xf32, #tpu.memory_space<vmem_shared>>) target_semaphore(%run_scoped3A_43 : memref<!tpu.dma_semaphore, #tpu.memory_space<semaphore_mem>>)
      %dma_wait3A = arith.constant 0 : i32
      %dma_wait3A_48 = tpu.memref_slice %arg9[%mul3A_4, %dma_wait3A] : memref<10240x128xf32, #tpu.memory_space<vmem_shared>> -> memref<640x128xf32, #tpu.memory_space<vmem_shared>>
      %dma_wait3A_49 = arith.constant 0 : i32
      %dma_wait3A_50 = tpu.memref_slice %arg4[%mul3A_2, %dma_wait3A_49] : memref<10240x128xf32, #tpu.memory_space<hbm>> -> memref<640x128xf32, #tpu.memory_space<hbm>>
      tpu.wait_dma2 semaphore(%run_scoped3A_43 : memref<!tpu.dma_semaphore, #tpu.memory_space<semaphore_mem>>) src(%dma_wait3A_50 : memref<640x128xf32, #tpu.memory_space<hbm>>) dst(%dma_wait3A_48 : memref<640x128xf32, #tpu.memory_space<vmem_shared>>)
      tpu.yield
    }) : () -> ()
    %barrier3A = arith.constant 0 : index
    tpu.barrier barrier_id(%barrier3A)
    %mul3A_5 = arith.constant 80 : i32
    %mul3A_6 = arith.muli %add3A, %mul3A_5 : i32
    %mul3A_7 = arith.constant 2 : i32
    %mul3A_8 = arith.muli %mul3A_6, %mul3A_7 : i32
    %run_scoped3A = arith.constant 0 : i32
    "tpu.region"() ({
      %run_scoped3A_43 = tpu.sem_alloc : memref<!tpu.dma_semaphore, #tpu.memory_space<semaphore_mem>>
      %dma_start3A_44 = arith.constant 0 : i32
      %dma_start3A_45 = arith.constant 0 : i32
      %dma_start3A_46 = tpu.memref_slice %arg6[%run_scoped3A, %dma_start3A_44, %dma_start3A_45] : memref<4x2x128xi32, #tpu.memory_space<vmem>> -> memref<1x2x128xi32, #tpu.memory_space<vmem>>
      %dma_start3A_47 = tpu.memref_squeeze %dma_start3A_46 : memref<1x2x128xi32, #tpu.memory_space<vmem>> -> memref<2x128xi32, #tpu.memory_space<vmem>>
      %dma_start3A_48 = arith.constant 0 : i32
      %dma_start3A_49 = tpu.memref_slice %arg3[%mul3A_8, %dma_start3A_48] : memref<5120x128xi32, #tpu.memory_space<hbm>> -> memref<2x128xi32, #tpu.memory_space<hbm>>
      %dma_start3A_50 = arith.constant 0 : i32
      %dma_start3A_51 = arith.constant 0 : i32
      %dma_start3A_52 = tpu.memref_slice %arg6[%run_scoped3A, %dma_start3A_50, %dma_start3A_51] : memref<4x2x128xi32, #tpu.memory_space<vmem>> -> memref<1x2x128xi32, #tpu.memory_space<vmem>>
      %dma_start3A_53 = tpu.memref_squeeze %dma_start3A_52 : memref<1x2x128xi32, #tpu.memory_space<vmem>> -> memref<2x128xi32, #tpu.memory_space<vmem>>
      %dma_start3A_54 = arith.constant 0 : i32
      %dma_start3A_55 = tpu.memref_slice %arg3[%mul3A_8, %dma_start3A_54] : memref<5120x128xi32, #tpu.memory_space<hbm>> -> memref<2x128xi32, #tpu.memory_space<hbm>>
      tpu.enqueue_dma source(%dma_start3A_55 : memref<2x128xi32, #tpu.memory_space<hbm>>) target(%dma_start3A_53 : memref<2x128xi32, #tpu.memory_space<vmem>>) target_semaphore(%run_scoped3A_43 : memref<!tpu.dma_semaphore, #tpu.memory_space<semaphore_mem>>)
      %dma_wait3A = arith.constant 0 : i32
      %dma_wait3A_56 = arith.constant 0 : i32
      %dma_wait3A_57 = tpu.memref_slice %arg6[%run_scoped3A, %dma_wait3A, %dma_wait3A_56] : memref<4x2x128xi32, #tpu.memory_space<vmem>> -> memref<1x2x128xi32, #tpu.memory_space<vmem>>
      %dma_wait3A_58 = tpu.memref_squeeze %dma_wait3A_57 : memref<1x2x128xi32, #tpu.memory_space<vmem>> -> memref<2x128xi32, #tpu.memory_space<vmem>>
      %dma_wait3A_59 = arith.constant 0 : i32
      %dma_wait3A_60 = tpu.memref_slice %arg3[%mul3A_8, %dma_wait3A_59] : memref<5120x128xi32, #tpu.memory_space<hbm>> -> memref<2x128xi32, #tpu.memory_space<hbm>>
      %dma_wait3A_61 = arith.constant 0 : i32
      %dma_wait3A_62 = arith.constant 0 : i32
      %dma_wait3A_63 = tpu.memref_slice %arg6[%run_scoped3A, %dma_wait3A_61, %dma_wait3A_62] : memref<4x2x128xi32, #tpu.memory_space<vmem>> -> memref<1x2x128xi32, #tpu.memory_space<vmem>>
      %dma_wait3A_64 = tpu.memref_squeeze %dma_wait3A_63 : memref<1x2x128xi32, #tpu.memory_space<vmem>> -> memref<2x128xi32, #tpu.memory_space<vmem>>
      %dma_wait3A_65 = arith.constant 0 : i32
      %dma_wait3A_66 = tpu.memref_slice %arg3[%mul3A_8, %dma_wait3A_65] : memref<5120x128xi32, #tpu.memory_space<hbm>> -> memref<2x128xi32, #tpu.memory_space<hbm>>
      tpu.wait_dma2 semaphore(%run_scoped3A_43 : memref<!tpu.dma_semaphore, #tpu.memory_space<semaphore_mem>>) src(%dma_wait3A_66 : memref<2x128xi32, #tpu.memory_space<hbm>>) dst(%dma_wait3A_64 : memref<2x128xi32, #tpu.memory_space<vmem>>)
      tpu.yield
    }) : () -> ()
    %add3A_9 = arith.constant 2 : i32
    %add3A_10 = arith.addi %mul3A_8, %add3A_9 : i32
    %dma_start3A = arith.constant 1 : i32
    %dma_start3A_11 = arith.constant 0 : i32
    %dma_start3A_12 = arith.constant 0 : i32
    %dma_start3A_13 = tpu.memref_slice %arg6[%dma_start3A, %dma_start3A_11, %dma_start3A_12] : memref<4x2x128xi32, #tpu.memory_space<vmem>> -> memref<1x2x128xi32, #tpu.memory_space<vmem>>
    %dma_start3A_14 = tpu.memref_squeeze %dma_start3A_13 : memref<1x2x128xi32, #tpu.memory_space<vmem>> -> memref<2x128xi32, #tpu.memory_space<vmem>>
    %dma_start3A_15 = arith.constant 0 : i32
    %dma_start3A_16 = tpu.memref_slice %arg3[%add3A_10, %dma_start3A_15] : memref<5120x128xi32, #tpu.memory_space<hbm>> -> memref<2x128xi32, #tpu.memory_space<hbm>>
    %dma_start3A_17 = arith.constant 0 : i32
    %dma_start3A_18 = arith.constant 0 : i32
    %dma_start3A_19 = tpu.memref_slice %arg6[%dma_start3A, %dma_start3A_17, %dma_start3A_18] : memref<4x2x128xi32, #tpu.memory_space<vmem>> -> memref<1x2x128xi32, #tpu.memory_space<vmem>>
    %dma_start3A_20 = tpu.memref_squeeze %dma_start3A_19 : memref<1x2x128xi32, #tpu.memory_space<vmem>> -> memref<2x128xi32, #tpu.memory_space<vmem>>
    %dma_start3A_21 = arith.constant 0 : i32
    %dma_start3A_22 = tpu.memref_slice %arg3[%add3A_10, %dma_start3A_21] : memref<5120x128xi32, #tpu.memory_space<hbm>> -> memref<2x128xi32, #tpu.memory_space<hbm>>
    tpu.enqueue_dma source(%dma_start3A_22 : memref<2x128xi32, #tpu.memory_space<hbm>>) target(%dma_start3A_20 : memref<2x128xi32, #tpu.memory_space<vmem>>) target_semaphore(%arg12 : memref<!tpu.dma_semaphore, #tpu.memory_space<semaphore_mem>>)
    %dma_start3A_23 = arith.constant 0 : i32
    %dma_start3A_24 = arith.constant 0 : i32
    %dma_start3A_25 = arith.constant 0 : i32
    %dma_start3A_26 = tpu.memref_slice %arg6[%dma_start3A_23, %dma_start3A_24, %dma_start3A_25] : memref<4x2x128xi32, #tpu.memory_space<vmem>> -> memref<1x1x128xi32, #tpu.memory_space<vmem>>
    %dma_start3A_27 = tpu.memref_squeeze %dma_start3A_26 : memref<1x1x128xi32, #tpu.memory_space<vmem>> -> memref<128xi32, #tpu.memory_space<vmem>>
    %dma_start3A_28 = arith.constant 0 : i32
    %dma_start3A_29 = arith.constant 0 : i32
    %dma_start3A_30 = tpu.memref_slice %arg2[%dma_start3A_28, %dma_start3A_29] : memref<20480x128xf32, #tpu.memory_space<hbm>> -> memref<20480x128xf32, #tpu.memory_space<hbm>>
    tpu.enqueue_indirect_dma source(%dma_start3A_30 : memref<20480x128xf32, #tpu.memory_space<hbm>>) target(%arg7 : memref<128x128xf32, #tpu.memory_space<vmem>>) offsets(%dma_start3A_27 : memref<128xi32, #tpu.memory_space<vmem>>) semaphore(%arg10 : memref<!tpu.dma_semaphore, #tpu.memory_space<semaphore_mem>>)
    %scan3A = arith.constant 0 : i32
    %scan3A_31 = arith.constant 40 : i32
    %scan3A_32 = arith.addi %scan3A, %scan3A_31 : i32
    %scan3A_33 = arith.constant 1 : i32
    scf.for %scan3A_43 = %scan3A to %scan3A_32 step %scan3A_33  : i32 {
      %mul3A_44 = arith.constant 2 : i32
      %mul3A_45 = arith.muli %scan3A_43, %mul3A_44 : i32
      %add3A_46 = arith.constant 0 : i32
      %add3A_47 = arith.addi %add3A_46, %mul3A_45 : i32
      %add3A_48 = arith.constant 0 : i32
      %add3A_49 = arith.addi %add3A_47, %add3A_48 : i32
      %dma_wait3A = arith.constant 0 : i32
      %dma_wait3A_50 = arith.constant 0 : i32
      %dma_wait3A_51 = tpu.memref_slice %arg2[%dma_wait3A, %dma_wait3A_50] : memref<20480x128xf32, #tpu.memory_space<hbm>> -> memref<128x128xf32, #tpu.memory_space<hbm>>
      %dma_wait3A_52 = arith.constant 0 : i32
      %dma_wait3A_53 = arith.constant 0 : i32
      %dma_wait3A_54 = tpu.memref_slice %arg2[%dma_wait3A_52, %dma_wait3A_53] : memref<20480x128xf32, #tpu.memory_space<hbm>> -> memref<128x128xf32, #tpu.memory_space<hbm>>
      tpu.wait_dma2 semaphore(%arg10 : memref<!tpu.dma_semaphore, #tpu.memory_space<semaphore_mem>>) src(%dma_wait3A_54 : memref<128x128xf32, #tpu.memory_space<hbm>>) dst(%arg7 : memref<128x128xf32, #tpu.memory_space<vmem>>)
      %add3A_55 = arith.constant 1 : i32
      %add3A_56 = arith.addi %add3A_49, %add3A_55 : i32
      %lt3A = arith.constant 80 : i32
      %lt3A_57 = arith.cmpi slt, %add3A_56, %lt3A : i32
      %convert_element_type3A = arith.extui %lt3A_57 : i1 to i32
      %cond3A = arith.constant 0 : i32
      %cond3A_58 = arith.cmpi ne, %convert_element_type3A, %cond3A : i32
      scf.if %cond3A_58 {
        %rem3A_93 = arith.constant 4 : i32
        %rem3A_94 = arith.remsi %add3A_56, %rem3A_93 : i32
        %dma_wait3A_95 = arith.constant 0 : i32
        %dma_wait3A_96 = arith.constant 0 : i32
        %dma_wait3A_97 = tpu.memref_slice %arg6[%rem3A_94, %dma_wait3A_95, %dma_wait3A_96] : memref<4x2x128xi32, #tpu.memory_space<vmem>> -> memref<1x2x128xi32, #tpu.memory_space<vmem>>
        %dma_wait3A_98 = tpu.memref_squeeze %dma_wait3A_97 : memref<1x2x128xi32, #tpu.memory_space<vmem>> -> memref<2x128xi32, #tpu.memory_space<vmem>>
        %dma_wait3A_99 = arith.constant 0 : i32
        %dma_wait3A_100 = arith.constant 0 : i32
        %dma_wait3A_101 = tpu.memref_slice %arg3[%dma_wait3A_99, %dma_wait3A_100] : memref<5120x128xi32, #tpu.memory_space<hbm>> -> memref<2x128xi32, #tpu.memory_space<hbm>>
        %dma_wait3A_102 = arith.constant 0 : i32
        %dma_wait3A_103 = arith.constant 0 : i32
        %dma_wait3A_104 = tpu.memref_slice %arg6[%rem3A_94, %dma_wait3A_102, %dma_wait3A_103] : memref<4x2x128xi32, #tpu.memory_space<vmem>> -> memref<1x2x128xi32, #tpu.memory_space<vmem>>
        %dma_wait3A_105 = tpu.memref_squeeze %dma_wait3A_104 : memref<1x2x128xi32, #tpu.memory_space<vmem>> -> memref<2x128xi32, #tpu.memory_space<vmem>>
        %dma_wait3A_106 = arith.constant 0 : i32
        %dma_wait3A_107 = arith.constant 0 : i32
        %dma_wait3A_108 = tpu.memref_slice %arg3[%dma_wait3A_106, %dma_wait3A_107] : memref<5120x128xi32, #tpu.memory_space<hbm>> -> memref<2x128xi32, #tpu.memory_space<hbm>>
        tpu.wait_dma2 semaphore(%arg12 : memref<!tpu.dma_semaphore, #tpu.memory_space<semaphore_mem>>) src(%dma_wait3A_108 : memref<2x128xi32, #tpu.memory_space<hbm>>) dst(%dma_wait3A_105 : memref<2x128xi32, #tpu.memory_space<vmem>>)
        %dma_start3A_109 = arith.constant 0 : i32
        %dma_start3A_110 = arith.constant 0 : i32
        %dma_start3A_111 = tpu.memref_slice %arg6[%rem3A_94, %dma_start3A_109, %dma_start3A_110] : memref<4x2x128xi32, #tpu.memory_space<vmem>> -> memref<1x1x128xi32, #tpu.memory_space<vmem>>
        %dma_start3A_112 = tpu.memref_squeeze %dma_start3A_111 : memref<1x1x128xi32, #tpu.memory_space<vmem>> -> memref<128xi32, #tpu.memory_space<vmem>>
        %dma_start3A_113 = arith.constant 0 : i32
        %dma_start3A_114 = arith.constant 0 : i32
        %dma_start3A_115 = tpu.memref_slice %arg2[%dma_start3A_113, %dma_start3A_114] : memref<20480x128xf32, #tpu.memory_space<hbm>> -> memref<20480x128xf32, #tpu.memory_space<hbm>>
        tpu.enqueue_indirect_dma source(%dma_start3A_115 : memref<20480x128xf32, #tpu.memory_space<hbm>>) target(%arg8 : memref<128x128xf32, #tpu.memory_space<vmem>>) offsets(%dma_start3A_112 : memref<128xi32, #tpu.memory_space<vmem>>) semaphore(%arg11 : memref<!tpu.dma_semaphore, #tpu.memory_space<semaphore_mem>>)
      } else {
      }
      %add3A_59 = arith.constant 2 : i32
      %add3A_60 = arith.addi %add3A_49, %add3A_59 : i32
      %lt3A_61 = arith.constant 80 : i32
      %lt3A_62 = arith.cmpi slt, %add3A_60, %lt3A_61 : i32
      %convert_element_type3A_63 = arith.extui %lt3A_62 : i1 to i32
      %cond3A_64 = arith.constant 0 : i32
      %cond3A_65 = arith.cmpi ne, %convert_element_type3A_63, %cond3A_64 : i32
      scf.if %cond3A_65 {
        %add3A_93 = arith.constant 2 : i32
        %add3A_94 = arith.addi %add3A_49, %add3A_93 : i32
        %rem3A_95 = arith.constant 4 : i32
        %rem3A_96 = arith.remsi %add3A_94, %rem3A_95 : i32
        %add3A_97 = arith.constant 2 : i32
        %add3A_98 = arith.addi %add3A_49, %add3A_97 : i32
        %mul3A_99 = arith.constant 2 : i32
        %mul3A_100 = arith.muli %add3A_98, %mul3A_99 : i32
        %add3A_101 = arith.addi %mul3A_8, %mul3A_100 : i32
        %dma_start3A_102 = arith.constant 0 : i32
        %dma_start3A_103 = arith.constant 0 : i32
        %dma_start3A_104 = tpu.memref_slice %arg6[%rem3A_96, %dma_start3A_102, %dma_start3A_103] : memref<4x2x128xi32, #tpu.memory_space<vmem>> -> memref<1x2x128xi32, #tpu.memory_space<vmem>>
        %dma_start3A_105 = tpu.memref_squeeze %dma_start3A_104 : memref<1x2x128xi32, #tpu.memory_space<vmem>> -> memref<2x128xi32, #tpu.memory_space<vmem>>
        %dma_start3A_106 = arith.constant 0 : i32
        %dma_start3A_107 = tpu.memref_slice %arg3[%add3A_101, %dma_start3A_106] : memref<5120x128xi32, #tpu.memory_space<hbm>> -> memref<2x128xi32, #tpu.memory_space<hbm>>
        %dma_start3A_108 = arith.constant 0 : i32
        %dma_start3A_109 = arith.constant 0 : i32
        %dma_start3A_110 = tpu.memref_slice %arg6[%rem3A_96, %dma_start3A_108, %dma_start3A_109] : memref<4x2x128xi32, #tpu.memory_space<vmem>> -> memref<1x2x128xi32, #tpu.memory_space<vmem>>
        %dma_start3A_111 = tpu.memref_squeeze %dma_start3A_110 : memref<1x2x128xi32, #tpu.memory_space<vmem>> -> memref<2x128xi32, #tpu.memory_space<vmem>>
        %dma_start3A_112 = arith.constant 0 : i32
        %dma_start3A_113 = tpu.memref_slice %arg3[%add3A_101, %dma_start3A_112] : memref<5120x128xi32, #tpu.memory_space<hbm>> -> memref<2x128xi32, #tpu.memory_space<hbm>>
        tpu.enqueue_dma source(%dma_start3A_113 : memref<2x128xi32, #tpu.memory_space<hbm>>) target(%dma_start3A_111 : memref<2x128xi32, #tpu.memory_space<vmem>>) target_semaphore(%arg12 : memref<!tpu.dma_semaphore, #tpu.memory_space<semaphore_mem>>)
      } else {
      }
      %rem3A = arith.constant 4 : i32
      %rem3A_66 = arith.remsi %add3A_49, %rem3A : i32
      %run_scoped3A_67 = arith.constant 1 : i32
      "tpu.region"() ({
        %run_scoped3A_93 = tpu.sem_alloc : memref<!tpu.dma_semaphore, #tpu.memory_space<semaphore_mem>>
        %dma_start3A_94 = arith.constant 0 : i32
        %dma_start3A_95 = tpu.memref_slice %arg6[%rem3A_66, %run_scoped3A_67, %dma_start3A_94] : memref<4x2x128xi32, #tpu.memory_space<vmem>> -> memref<1x1x128xi32, #tpu.memory_space<vmem>>
        %dma_start3A_96 = tpu.memref_squeeze %dma_start3A_95 : memref<1x1x128xi32, #tpu.memory_space<vmem>> -> memref<128xi32, #tpu.memory_space<vmem>>
        %dma_start3A_97 = arith.constant 0 : i32
        %dma_start3A_98 = arith.constant 0 : i32
        %dma_start3A_99 = tpu.memref_slice %arg9[%dma_start3A_97, %dma_start3A_98] : memref<10240x128xf32, #tpu.memory_space<vmem_shared>> -> memref<10240x128xf32, #tpu.memory_space<vmem_shared>>
        tpu.enqueue_indirect_dma source(%arg7 : memref<128x128xf32, #tpu.memory_space<vmem>>) target(%dma_start3A_99 : memref<10240x128xf32, #tpu.memory_space<vmem_shared>>) offsets(%dma_start3A_96 : memref<128xi32, #tpu.memory_space<vmem>>) semaphore(%run_scoped3A_93 : memref<!tpu.dma_semaphore, #tpu.memory_space<semaphore_mem>>) {add = true}
        %dma_wait3A_100 = arith.constant 0 : i32
        %dma_wait3A_101 = tpu.memref_slice %arg6[%rem3A_66, %run_scoped3A_67, %dma_wait3A_100] : memref<4x2x128xi32, #tpu.memory_space<vmem>> -> memref<1x1x128xi32, #tpu.memory_space<vmem>>
        %dma_wait3A_102 = tpu.memref_squeeze %dma_wait3A_101 : memref<1x1x128xi32, #tpu.memory_space<vmem>> -> memref<128xi32, #tpu.memory_space<vmem>>
        %dma_wait3A_103 = arith.constant 0 : i32
        %dma_wait3A_104 = arith.constant 0 : i32
        %dma_wait3A_105 = tpu.memref_slice %arg9[%dma_wait3A_103, %dma_wait3A_104] : memref<10240x128xf32, #tpu.memory_space<vmem_shared>> -> memref<10240x128xf32, #tpu.memory_space<vmem_shared>>
        tpu.wait_indirect_dma semaphore(%run_scoped3A_93 : memref<!tpu.dma_semaphore, #tpu.memory_space<semaphore_mem>>) src(%arg7 : memref<128x128xf32, #tpu.memory_space<vmem>>) dst(%dma_wait3A_105 : memref<10240x128xf32, #tpu.memory_space<vmem_shared>>)
        tpu.yield
      }) : () -> ()
      %add3A_68 = arith.constant 1 : i32
      %add3A_69 = arith.addi %add3A_47, %add3A_68 : i32
      %dma_wait3A_70 = arith.constant 0 : i32
      %dma_wait3A_71 = arith.constant 0 : i32
      %dma_wait3A_72 = tpu.memref_slice %arg2[%dma_wait3A_70, %dma_wait3A_71] : memref<20480x128xf32, #tpu.memory_space<hbm>> -> memref<128x128xf32, #tpu.memory_space<hbm>>
      %dma_wait3A_73 = arith.constant 0 : i32
      %dma_wait3A_74 = arith.constant 0 : i32
      %dma_wait3A_75 = tpu.memref_slice %arg2[%dma_wait3A_73, %dma_wait3A_74] : memref<20480x128xf32, #tpu.memory_space<hbm>> -> memref<128x128xf32, #tpu.memory_space<hbm>>
      tpu.wait_dma2 semaphore(%arg11 : memref<!tpu.dma_semaphore, #tpu.memory_space<semaphore_mem>>) src(%dma_wait3A_75 : memref<128x128xf32, #tpu.memory_space<hbm>>) dst(%arg8 : memref<128x128xf32, #tpu.memory_space<vmem>>)
      %add3A_76 = arith.constant 1 : i32
      %add3A_77 = arith.addi %add3A_69, %add3A_76 : i32
      %lt3A_78 = arith.constant 80 : i32
      %lt3A_79 = arith.cmpi slt, %add3A_77, %lt3A_78 : i32
      %convert_element_type3A_80 = arith.extui %lt3A_79 : i1 to i32
      %cond3A_81 = arith.constant 0 : i32
      %cond3A_82 = arith.cmpi ne, %convert_element_type3A_80, %cond3A_81 : i32
      scf.if %cond3A_82 {
        %rem3A_93 = arith.constant 4 : i32
        %rem3A_94 = arith.remsi %add3A_77, %rem3A_93 : i32
        %dma_wait3A_95 = arith.constant 0 : i32
        %dma_wait3A_96 = arith.constant 0 : i32
        %dma_wait3A_97 = tpu.memref_slice %arg6[%rem3A_94, %dma_wait3A_95, %dma_wait3A_96] : memref<4x2x128xi32, #tpu.memory_space<vmem>> -> memref<1x2x128xi32, #tpu.memory_space<vmem>>
        %dma_wait3A_98 = tpu.memref_squeeze %dma_wait3A_97 : memref<1x2x128xi32, #tpu.memory_space<vmem>> -> memref<2x128xi32, #tpu.memory_space<vmem>>
        %dma_wait3A_99 = arith.constant 0 : i32
        %dma_wait3A_100 = arith.constant 0 : i32
        %dma_wait3A_101 = tpu.memref_slice %arg3[%dma_wait3A_99, %dma_wait3A_100] : memref<5120x128xi32, #tpu.memory_space<hbm>> -> memref<2x128xi32, #tpu.memory_space<hbm>>
        %dma_wait3A_102 = arith.constant 0 : i32
        %dma_wait3A_103 = arith.constant 0 : i32
        %dma_wait3A_104 = tpu.memref_slice %arg6[%rem3A_94, %dma_wait3A_102, %dma_wait3A_103] : memref<4x2x128xi32, #tpu.memory_space<vmem>> -> memref<1x2x128xi32, #tpu.memory_space<vmem>>
        %dma_wait3A_105 = tpu.memref_squeeze %dma_wait3A_104 : memref<1x2x128xi32, #tpu.memory_space<vmem>> -> memref<2x128xi32, #tpu.memory_space<vmem>>
        %dma_wait3A_106 = arith.constant 0 : i32
        %dma_wait3A_107 = arith.constant 0 : i32
        %dma_wait3A_108 = tpu.memref_slice %arg3[%dma_wait3A_106, %dma_wait3A_107] : memref<5120x128xi32, #tpu.memory_space<hbm>> -> memref<2x128xi32, #tpu.memory_space<hbm>>
        tpu.wait_dma2 semaphore(%arg12 : memref<!tpu.dma_semaphore, #tpu.memory_space<semaphore_mem>>) src(%dma_wait3A_108 : memref<2x128xi32, #tpu.memory_space<hbm>>) dst(%dma_wait3A_105 : memref<2x128xi32, #tpu.memory_space<vmem>>)
        %dma_start3A_109 = arith.constant 0 : i32
        %dma_start3A_110 = arith.constant 0 : i32
        %dma_start3A_111 = tpu.memref_slice %arg6[%rem3A_94, %dma_start3A_109, %dma_start3A_110] : memref<4x2x128xi32, #tpu.memory_space<vmem>> -> memref<1x1x128xi32, #tpu.memory_space<vmem>>
        %dma_start3A_112 = tpu.memref_squeeze %dma_start3A_111 : memref<1x1x128xi32, #tpu.memory_space<vmem>> -> memref<128xi32, #tpu.memory_space<vmem>>
        %dma_start3A_113 = arith.constant 0 : i32
        %dma_start3A_114 = arith.constant 0 : i32
        %dma_start3A_115 = tpu.memref_slice %arg2[%dma_start3A_113, %dma_start3A_114] : memref<20480x128xf32, #tpu.memory_space<hbm>> -> memref<20480x128xf32, #tpu.memory_space<hbm>>
        tpu.enqueue_indirect_dma source(%dma_start3A_115 : memref<20480x128xf32, #tpu.memory_space<hbm>>) target(%arg7 : memref<128x128xf32, #tpu.memory_space<vmem>>) offsets(%dma_start3A_112 : memref<128xi32, #tpu.memory_space<vmem>>) semaphore(%arg10 : memref<!tpu.dma_semaphore, #tpu.memory_space<semaphore_mem>>)
      } else {
      }
      %add3A_83 = arith.constant 2 : i32
      %add3A_84 = arith.addi %add3A_69, %add3A_83 : i32
      %lt3A_85 = arith.constant 80 : i32
      %lt3A_86 = arith.cmpi slt, %add3A_84, %lt3A_85 : i32
      %convert_element_type3A_87 = arith.extui %lt3A_86 : i1 to i32
      %cond3A_88 = arith.constant 0 : i32
      %cond3A_89 = arith.cmpi ne, %convert_element_type3A_87, %cond3A_88 : i32
      scf.if %cond3A_89 {
        %add3A_93 = arith.constant 2 : i32
        %add3A_94 = arith.addi %add3A_69, %add3A_93 : i32
        %rem3A_95 = arith.constant 4 : i32
        %rem3A_96 = arith.remsi %add3A_94, %rem3A_95 : i32
        %add3A_97 = arith.constant 2 : i32
        %add3A_98 = arith.addi %add3A_69, %add3A_97 : i32
        %mul3A_99 = arith.constant 2 : i32
        %mul3A_100 = arith.muli %add3A_98, %mul3A_99 : i32
        %add3A_101 = arith.addi %mul3A_8, %mul3A_100 : i32
        %dma_start3A_102 = arith.constant 0 : i32
        %dma_start3A_103 = arith.constant 0 : i32
        %dma_start3A_104 = tpu.memref_slice %arg6[%rem3A_96, %dma_start3A_102, %dma_start3A_103] : memref<4x2x128xi32, #tpu.memory_space<vmem>> -> memref<1x2x128xi32, #tpu.memory_space<vmem>>
        %dma_start3A_105 = tpu.memref_squeeze %dma_start3A_104 : memref<1x2x128xi32, #tpu.memory_space<vmem>> -> memref<2x128xi32, #tpu.memory_space<vmem>>
        %dma_start3A_106 = arith.constant 0 : i32
        %dma_start3A_107 = tpu.memref_slice %arg3[%add3A_101, %dma_start3A_106] : memref<5120x128xi32, #tpu.memory_space<hbm>> -> memref<2x128xi32, #tpu.memory_space<hbm>>
        %dma_start3A_108 = arith.constant 0 : i32
        %dma_start3A_109 = arith.constant 0 : i32
        %dma_start3A_110 = tpu.memref_slice %arg6[%rem3A_96, %dma_start3A_108, %dma_start3A_109] : memref<4x2x128xi32, #tpu.memory_space<vmem>> -> memref<1x2x128xi32, #tpu.memory_space<vmem>>
        %dma_start3A_111 = tpu.memref_squeeze %dma_start3A_110 : memref<1x2x128xi32, #tpu.memory_space<vmem>> -> memref<2x128xi32, #tpu.memory_space<vmem>>
        %dma_start3A_112 = arith.constant 0 : i32
        %dma_start3A_113 = tpu.memref_slice %arg3[%add3A_101, %dma_start3A_112] : memref<5120x128xi32, #tpu.memory_space<hbm>> -> memref<2x128xi32, #tpu.memory_space<hbm>>
        tpu.enqueue_dma source(%dma_start3A_113 : memref<2x128xi32, #tpu.memory_space<hbm>>) target(%dma_start3A_111 : memref<2x128xi32, #tpu.memory_space<vmem>>) target_semaphore(%arg12 : memref<!tpu.dma_semaphore, #tpu.memory_space<semaphore_mem>>)
      } else {
      }
      %rem3A_90 = arith.constant 4 : i32
      %rem3A_91 = arith.remsi %add3A_69, %rem3A_90 : i32
      %run_scoped3A_92 = arith.constant 1 : i32
      "tpu.region"() ({
        %run_scoped3A_93 = tpu.sem_alloc : memref<!tpu.dma_semaphore, #tpu.memory_space<semaphore_mem>>
        %dma_start3A_94 = arith.constant 0 : i32
        %dma_start3A_95 = tpu.memref_slice %arg6[%rem3A_91, %run_scoped3A_92, %dma_start3A_94] : memref<4x2x128xi32, #tpu.memory_space<vmem>> -> memref<1x1x128xi32, #tpu.memory_space<vmem>>
        %dma_start3A_96 = tpu.memref_squeeze %dma_start3A_95 : memref<1x1x128xi32, #tpu.memory_space<vmem>> -> memref<128xi32, #tpu.memory_space<vmem>>
        %dma_start3A_97 = arith.constant 0 : i32
        %dma_start3A_98 = arith.constant 0 : i32
        %dma_start3A_99 = tpu.memref_slice %arg9[%dma_start3A_97, %dma_start3A_98] : memref<10240x128xf32, #tpu.memory_space<vmem_shared>> -> memref<10240x128xf32, #tpu.memory_space<vmem_shared>>
        tpu.enqueue_indirect_dma source(%arg8 : memref<128x128xf32, #tpu.memory_space<vmem>>) target(%dma_start3A_99 : memref<10240x128xf32, #tpu.memory_space<vmem_shared>>) offsets(%dma_start3A_96 : memref<128xi32, #tpu.memory_space<vmem>>) semaphore(%run_scoped3A_93 : memref<!tpu.dma_semaphore, #tpu.memory_space<semaphore_mem>>) {add = true}
        %dma_wait3A_100 = arith.constant 0 : i32
        %dma_wait3A_101 = tpu.memref_slice %arg6[%rem3A_91, %run_scoped3A_92, %dma_wait3A_100] : memref<4x2x128xi32, #tpu.memory_space<vmem>> -> memref<1x1x128xi32, #tpu.memory_space<vmem>>
        %dma_wait3A_102 = tpu.memref_squeeze %dma_wait3A_101 : memref<1x1x128xi32, #tpu.memory_space<vmem>> -> memref<128xi32, #tpu.memory_space<vmem>>
        %dma_wait3A_103 = arith.constant 0 : i32
        %dma_wait3A_104 = arith.constant 0 : i32
        %dma_wait3A_105 = tpu.memref_slice %arg9[%dma_wait3A_103, %dma_wait3A_104] : memref<10240x128xf32, #tpu.memory_space<vmem_shared>> -> memref<10240x128xf32, #tpu.memory_space<vmem_shared>>
        tpu.wait_indirect_dma semaphore(%run_scoped3A_93 : memref<!tpu.dma_semaphore, #tpu.memory_space<semaphore_mem>>) src(%arg8 : memref<128x128xf32, #tpu.memory_space<vmem>>) dst(%dma_wait3A_105 : memref<10240x128xf32, #tpu.memory_space<vmem_shared>>)
        tpu.yield
      }) : () -> ()
    }
    %scan3A_34 = arith.constant 40 : i32
    %barrier3A_35 = arith.constant 0 : index
    tpu.barrier barrier_id(%barrier3A_35)
    %mul3A_36 = arith.constant 640 : i32
    %mul3A_37 = arith.muli %arg1, %mul3A_36 : i32
    %mul3A_38 = arith.constant 10240 : i32
    %mul3A_39 = arith.muli %arg0, %mul3A_38 : i32
    %mul3A_40 = arith.constant 640 : i32
    %mul3A_41 = arith.muli %arg1, %mul3A_40 : i32
    %add3A_42 = arith.addi %mul3A_39, %mul3A_41 : i32
    "tpu.region"() ({
      %run_scoped3A_43 = tpu.sem_alloc : memref<!tpu.dma_semaphore, #tpu.memory_space<semaphore_mem>>
      %dma_start3A_44 = arith.constant 0 : i32
      %dma_start3A_45 = tpu.memref_slice %arg5[%add3A_42, %dma_start3A_44] : memref<20480x128xf32, #tpu.memory_space<hbm>> -> memref<640x128xf32, #tpu.memory_space<hbm>>
      %dma_start3A_46 = arith.constant 0 : i32
      %dma_start3A_47 = tpu.memref_slice %arg9[%mul3A_37, %dma_start3A_46] : memref<10240x128xf32, #tpu.memory_space<vmem_shared>> -> memref<640x128xf32, #tpu.memory_space<vmem_shared>>
      tpu.enqueue_dma source(%dma_start3A_47 : memref<640x128xf32, #tpu.memory_space<vmem_shared>>) target(%dma_start3A_45 : memref<640x128xf32, #tpu.memory_space<hbm>>) target_semaphore(%run_scoped3A_43 : memref<!tpu.dma_semaphore, #tpu.memory_space<semaphore_mem>>)
      %dma_wait3A = arith.constant 0 : i32
      %dma_wait3A_48 = tpu.memref_slice %arg5[%add3A_42, %dma_wait3A] : memref<20480x128xf32, #tpu.memory_space<hbm>> -> memref<640x128xf32, #tpu.memory_space<hbm>>
      %dma_wait3A_49 = arith.constant 0 : i32
      %dma_wait3A_50 = tpu.memref_slice %arg9[%mul3A_37, %dma_wait3A_49] : memref<10240x128xf32, #tpu.memory_space<vmem_shared>> -> memref<640x128xf32, #tpu.memory_space<vmem_shared>>
      tpu.wait_dma2 semaphore(%run_scoped3A_43 : memref<!tpu.dma_semaphore, #tpu.memory_space<semaphore_mem>>) src(%dma_wait3A_50 : memref<640x128xf32, #tpu.memory_space<vmem_shared>>) dst(%dma_wait3A_48 : memref<640x128xf32, #tpu.memory_space<hbm>>)
      tpu.yield
    }) : () -> ()
    return
  }
}

#map = affine_map<(d0, d1) -> (0, 0)>
module attributes {stable_mosaic.version = 14 : i64} {
  func.func @gin_agg(%arg0: i32, %arg1: i32, %arg2: memref<20480x128xf32, #tpu.memory_space<hbm>>, %arg3: memref<5120x128xi32, #tpu.memory_space<hbm>>, %arg4: memref<10240x128xf32, #tpu.memory_space<hbm>>, %arg5: memref<20480x128xf32, #tpu.memory_space<hbm>>, %arg6: memref<4x2x128xi32, #tpu.memory_space<vmem>>, %arg7: memref<128x128xf32, #tpu.memory_space<vmem>>, %arg8: memref<128x128xf32, #tpu.memory_space<vmem>>, %arg9: memref<10240x128xf32, #tpu.memory_space<vmem_shared>>, %arg10: memref<!tpu.dma_semaphore, #tpu.memory_space<semaphore_mem>>, %arg11: memref<!tpu.dma_semaphore, #tpu.memory_space<semaphore_mem>>, %arg12: memref<!tpu.dma_semaphore, #tpu.memory_space<semaphore_mem>>) attributes {dimension_semantics = [#tpu.dimension_semantics<core_parallel>, #tpu.dimension_semantics<subcore_parallel>], iteration_bounds = array<i64: 2, 16>, scalar_prefetch = 0 : i64, scratch_operands = 7 : i64, tpu.core_type = #tpu.core_type<sc_vector_subcore>, window_params = [{transform_indices = #map}, {transform_indices = #map}, {transform_indices = #map}, {transform_indices = #map}]} {
    %mul3A = arith.constant 16 : i32
    %mul3A_0 = arith.muli %arg0, %mul3A : i32
    %add3A = arith.addi %mul3A_0, %arg1 : i32
    %mul3A_1 = arith.constant 640 : i32
    %mul3A_2 = arith.muli %arg1, %mul3A_1 : i32
    %mul3A_3 = arith.constant 640 : i32
    %mul3A_4 = arith.muli %arg1, %mul3A_3 : i32
    "tpu.region"() ({
      %run_scoped3A_43 = tpu.sem_alloc : memref<!tpu.dma_semaphore, #tpu.memory_space<semaphore_mem>>
      %dma_start3A_44 = arith.constant 0 : i32
      %dma_start3A_45 = tpu.memref_slice %arg9[%mul3A_4, %dma_start3A_44] : memref<10240x128xf32, #tpu.memory_space<vmem_shared>> -> memref<640x128xf32, #tpu.memory_space<vmem_shared>>
      %dma_start3A_46 = arith.constant 0 : i32
      %dma_start3A_47 = tpu.memref_slice %arg4[%mul3A_2, %dma_start3A_46] : memref<10240x128xf32, #tpu.memory_space<hbm>> -> memref<640x128xf32, #tpu.memory_space<hbm>>
      tpu.enqueue_dma source(%dma_start3A_47 : memref<640x128xf32, #tpu.memory_space<hbm>>) target(%dma_start3A_45 : memref<640x128xf32, #tpu.memory_space<vmem_shared>>) target_semaphore(%run_scoped3A_43 : memref<!tpu.dma_semaphore, #tpu.memory_space<semaphore_mem>>)
      %dma_wait3A = arith.constant 0 : i32
      %dma_wait3A_48 = tpu.memref_slice %arg9[%mul3A_4, %dma_wait3A] : memref<10240x128xf32, #tpu.memory_space<vmem_shared>> -> memref<640x128xf32, #tpu.memory_space<vmem_shared>>
      %dma_wait3A_49 = arith.constant 0 : i32
      %dma_wait3A_50 = tpu.memref_slice %arg4[%mul3A_2, %dma_wait3A_49] : memref<10240x128xf32, #tpu.memory_space<hbm>> -> memref<640x128xf32, #tpu.memory_space<hbm>>
      tpu.wait_dma2 semaphore(%run_scoped3A_43 : memref<!tpu.dma_semaphore, #tpu.memory_space<semaphore_mem>>) src(%dma_wait3A_50 : memref<640x128xf32, #tpu.memory_space<hbm>>) dst(%dma_wait3A_48 : memref<640x128xf32, #tpu.memory_space<vmem_shared>>)
      tpu.yield
    }) : () -> ()
    %barrier3A = arith.constant 0 : index
    tpu.barrier barrier_id(%barrier3A)
    %mul3A_5 = arith.constant 80 : i32
    %mul3A_6 = arith.muli %add3A, %mul3A_5 : i32
    %mul3A_7 = arith.constant 2 : i32
    %mul3A_8 = arith.muli %mul3A_6, %mul3A_7 : i32
    %run_scoped3A = arith.constant 0 : i32
    "tpu.region"() ({
      %run_scoped3A_43 = tpu.sem_alloc : memref<!tpu.dma_semaphore, #tpu.memory_space<semaphore_mem>>
      %dma_start3A_44 = arith.constant 0 : i32
      %dma_start3A_45 = arith.constant 0 : i32
      %dma_start3A_46 = tpu.memref_slice %arg6[%run_scoped3A, %dma_start3A_44, %dma_start3A_45] : memref<4x2x128xi32, #tpu.memory_space<vmem>> -> memref<1x2x128xi32, #tpu.memory_space<vmem>>
      %dma_start3A_47 = tpu.memref_squeeze %dma_start3A_46 : memref<1x2x128xi32, #tpu.memory_space<vmem>> -> memref<2x128xi32, #tpu.memory_space<vmem>>
      %dma_start3A_48 = arith.constant 0 : i32
      %dma_start3A_49 = tpu.memref_slice %arg3[%mul3A_8, %dma_start3A_48] : memref<5120x128xi32, #tpu.memory_space<hbm>> -> memref<2x128xi32, #tpu.memory_space<hbm>>
      %dma_start3A_50 = arith.constant 0 : i32
      %dma_start3A_51 = arith.constant 0 : i32
      %dma_start3A_52 = tpu.memref_slice %arg6[%run_scoped3A, %dma_start3A_50, %dma_start3A_51] : memref<4x2x128xi32, #tpu.memory_space<vmem>> -> memref<1x2x128xi32, #tpu.memory_space<vmem>>
      %dma_start3A_53 = tpu.memref_squeeze %dma_start3A_52 : memref<1x2x128xi32, #tpu.memory_space<vmem>> -> memref<2x128xi32, #tpu.memory_space<vmem>>
      %dma_start3A_54 = arith.constant 0 : i32
      %dma_start3A_55 = tpu.memref_slice %arg3[%mul3A_8, %dma_start3A_54] : memref<5120x128xi32, #tpu.memory_space<hbm>> -> memref<2x128xi32, #tpu.memory_space<hbm>>
      tpu.enqueue_dma source(%dma_start3A_55 : memref<2x128xi32, #tpu.memory_space<hbm>>) target(%dma_start3A_53 : memref<2x128xi32, #tpu.memory_space<vmem>>) target_semaphore(%run_scoped3A_43 : memref<!tpu.dma_semaphore, #tpu.memory_space<semaphore_mem>>)
      %dma_wait3A = arith.constant 0 : i32
      %dma_wait3A_56 = arith.constant 0 : i32
      %dma_wait3A_57 = tpu.memref_slice %arg6[%run_scoped3A, %dma_wait3A, %dma_wait3A_56] : memref<4x2x128xi32, #tpu.memory_space<vmem>> -> memref<1x2x128xi32, #tpu.memory_space<vmem>>
      %dma_wait3A_58 = tpu.memref_squeeze %dma_wait3A_57 : memref<1x2x128xi32, #tpu.memory_space<vmem>> -> memref<2x128xi32, #tpu.memory_space<vmem>>
      %dma_wait3A_59 = arith.constant 0 : i32
      %dma_wait3A_60 = tpu.memref_slice %arg3[%mul3A_8, %dma_wait3A_59] : memref<5120x128xi32, #tpu.memory_space<hbm>> -> memref<2x128xi32, #tpu.memory_space<hbm>>
      %dma_wait3A_61 = arith.constant 0 : i32
      %dma_wait3A_62 = arith.constant 0 : i32
      %dma_wait3A_63 = tpu.memref_slice %arg6[%run_scoped3A, %dma_wait3A_61, %dma_wait3A_62] : memref<4x2x128xi32, #tpu.memory_space<vmem>> -> memref<1x2x128xi32, #tpu.memory_space<vmem>>
      %dma_wait3A_64 = tpu.memref_squeeze %dma_wait3A_63 : memref<1x2x128xi32, #tpu.memory_space<vmem>> -> memref<2x128xi32, #tpu.memory_space<vmem>>
      %dma_wait3A_65 = arith.constant 0 : i32
      %dma_wait3A_66 = tpu.memref_slice %arg3[%mul3A_8, %dma_wait3A_65] : memref<5120x128xi32, #tpu.memory_space<hbm>> -> memref<2x128xi32, #tpu.memory_space<hbm>>
      tpu.wait_dma2 semaphore(%run_scoped3A_43 : memref<!tpu.dma_semaphore, #tpu.memory_space<semaphore_mem>>) src(%dma_wait3A_66 : memref<2x128xi32, #tpu.memory_space<hbm>>) dst(%dma_wait3A_64 : memref<2x128xi32, #tpu.memory_space<vmem>>)
      tpu.yield
    }) : () -> ()
    %add3A_9 = arith.constant 2 : i32
    %add3A_10 = arith.addi %mul3A_8, %add3A_9 : i32
    %dma_start3A = arith.constant 1 : i32
    %dma_start3A_11 = arith.constant 0 : i32
    %dma_start3A_12 = arith.constant 0 : i32
    %dma_start3A_13 = tpu.memref_slice %arg6[%dma_start3A, %dma_start3A_11, %dma_start3A_12] : memref<4x2x128xi32, #tpu.memory_space<vmem>> -> memref<1x2x128xi32, #tpu.memory_space<vmem>>
    %dma_start3A_14 = tpu.memref_squeeze %dma_start3A_13 : memref<1x2x128xi32, #tpu.memory_space<vmem>> -> memref<2x128xi32, #tpu.memory_space<vmem>>
    %dma_start3A_15 = arith.constant 0 : i32
    %dma_start3A_16 = tpu.memref_slice %arg3[%add3A_10, %dma_start3A_15] : memref<5120x128xi32, #tpu.memory_space<hbm>> -> memref<2x128xi32, #tpu.memory_space<hbm>>
    %dma_start3A_17 = arith.constant 0 : i32
    %dma_start3A_18 = arith.constant 0 : i32
    %dma_start3A_19 = tpu.memref_slice %arg6[%dma_start3A, %dma_start3A_17, %dma_start3A_18] : memref<4x2x128xi32, #tpu.memory_space<vmem>> -> memref<1x2x128xi32, #tpu.memory_space<vmem>>
    %dma_start3A_20 = tpu.memref_squeeze %dma_start3A_19 : memref<1x2x128xi32, #tpu.memory_space<vmem>> -> memref<2x128xi32, #tpu.memory_space<vmem>>
    %dma_start3A_21 = arith.constant 0 : i32
    %dma_start3A_22 = tpu.memref_slice %arg3[%add3A_10, %dma_start3A_21] : memref<5120x128xi32, #tpu.memory_space<hbm>> -> memref<2x128xi32, #tpu.memory_space<hbm>>
    tpu.enqueue_dma source(%dma_start3A_22 : memref<2x128xi32, #tpu.memory_space<hbm>>) target(%dma_start3A_20 : memref<2x128xi32, #tpu.memory_space<vmem>>) target_semaphore(%arg12 : memref<!tpu.dma_semaphore, #tpu.memory_space<semaphore_mem>>)
    %dma_start3A_23 = arith.constant 0 : i32
    %dma_start3A_24 = arith.constant 0 : i32
    %dma_start3A_25 = arith.constant 0 : i32
    %dma_start3A_26 = tpu.memref_slice %arg6[%dma_start3A_23, %dma_start3A_24, %dma_start3A_25] : memref<4x2x128xi32, #tpu.memory_space<vmem>> -> memref<1x1x128xi32, #tpu.memory_space<vmem>>
    %dma_start3A_27 = tpu.memref_squeeze %dma_start3A_26 : memref<1x1x128xi32, #tpu.memory_space<vmem>> -> memref<128xi32, #tpu.memory_space<vmem>>
    %dma_start3A_28 = arith.constant 0 : i32
    %dma_start3A_29 = arith.constant 0 : i32
    %dma_start3A_30 = tpu.memref_slice %arg2[%dma_start3A_28, %dma_start3A_29] : memref<20480x128xf32, #tpu.memory_space<hbm>> -> memref<20480x128xf32, #tpu.memory_space<hbm>>
    tpu.enqueue_indirect_dma source(%dma_start3A_30 : memref<20480x128xf32, #tpu.memory_space<hbm>>) target(%arg7 : memref<128x128xf32, #tpu.memory_space<vmem>>) offsets(%dma_start3A_27 : memref<128xi32, #tpu.memory_space<vmem>>) semaphore(%arg10 : memref<!tpu.dma_semaphore, #tpu.memory_space<semaphore_mem>>)
    %scan3A = arith.constant 0 : i32
    %scan3A_31 = arith.constant 40 : i32
    %scan3A_32 = arith.addi %scan3A, %scan3A_31 : i32
    %scan3A_33 = arith.constant 1 : i32
    scf.for %scan3A_43 = %scan3A to %scan3A_32 step %scan3A_33  : i32 {
      %mul3A_44 = arith.constant 2 : i32
      %mul3A_45 = arith.muli %scan3A_43, %mul3A_44 : i32
      %add3A_46 = arith.constant 0 : i32
      %add3A_47 = arith.addi %add3A_46, %mul3A_45 : i32
      %add3A_48 = arith.constant 0 : i32
      %add3A_49 = arith.addi %add3A_47, %add3A_48 : i32
      %dma_wait3A = arith.constant 0 : i32
      %dma_wait3A_50 = arith.constant 0 : i32
      %dma_wait3A_51 = tpu.memref_slice %arg2[%dma_wait3A, %dma_wait3A_50] : memref<20480x128xf32, #tpu.memory_space<hbm>> -> memref<128x128xf32, #tpu.memory_space<hbm>>
      %dma_wait3A_52 = arith.constant 0 : i32
      %dma_wait3A_53 = arith.constant 0 : i32
      %dma_wait3A_54 = tpu.memref_slice %arg2[%dma_wait3A_52, %dma_wait3A_53] : memref<20480x128xf32, #tpu.memory_space<hbm>> -> memref<128x128xf32, #tpu.memory_space<hbm>>
      tpu.wait_dma2 semaphore(%arg10 : memref<!tpu.dma_semaphore, #tpu.memory_space<semaphore_mem>>) src(%dma_wait3A_54 : memref<128x128xf32, #tpu.memory_space<hbm>>) dst(%arg7 : memref<128x128xf32, #tpu.memory_space<vmem>>)
      %add3A_55 = arith.constant 1 : i32
      %add3A_56 = arith.addi %add3A_49, %add3A_55 : i32
      %lt3A = arith.constant 80 : i32
      %lt3A_57 = arith.cmpi slt, %add3A_56, %lt3A : i32
      %convert_element_type3A = arith.extui %lt3A_57 : i1 to i32
      %cond3A = arith.constant 0 : i32
      %cond3A_58 = arith.cmpi ne, %convert_element_type3A, %cond3A : i32
      scf.if %cond3A_58 {
        %rem3A_93 = arith.constant 4 : i32
        %rem3A_94 = arith.remsi %add3A_56, %rem3A_93 : i32
        %dma_wait3A_95 = arith.constant 0 : i32
        %dma_wait3A_96 = arith.constant 0 : i32
        %dma_wait3A_97 = tpu.memref_slice %arg6[%rem3A_94, %dma_wait3A_95, %dma_wait3A_96] : memref<4x2x128xi32, #tpu.memory_space<vmem>> -> memref<1x2x128xi32, #tpu.memory_space<vmem>>
        %dma_wait3A_98 = tpu.memref_squeeze %dma_wait3A_97 : memref<1x2x128xi32, #tpu.memory_space<vmem>> -> memref<2x128xi32, #tpu.memory_space<vmem>>
        %dma_wait3A_99 = arith.constant 0 : i32
        %dma_wait3A_100 = arith.constant 0 : i32
        %dma_wait3A_101 = tpu.memref_slice %arg3[%dma_wait3A_99, %dma_wait3A_100] : memref<5120x128xi32, #tpu.memory_space<hbm>> -> memref<2x128xi32, #tpu.memory_space<hbm>>
        %dma_wait3A_102 = arith.constant 0 : i32
        %dma_wait3A_103 = arith.constant 0 : i32
        %dma_wait3A_104 = tpu.memref_slice %arg6[%rem3A_94, %dma_wait3A_102, %dma_wait3A_103] : memref<4x2x128xi32, #tpu.memory_space<vmem>> -> memref<1x2x128xi32, #tpu.memory_space<vmem>>
        %dma_wait3A_105 = tpu.memref_squeeze %dma_wait3A_104 : memref<1x2x128xi32, #tpu.memory_space<vmem>> -> memref<2x128xi32, #tpu.memory_space<vmem>>
        %dma_wait3A_106 = arith.constant 0 : i32
        %dma_wait3A_107 = arith.constant 0 : i32
        %dma_wait3A_108 = tpu.memref_slice %arg3[%dma_wait3A_106, %dma_wait3A_107] : memref<5120x128xi32, #tpu.memory_space<hbm>> -> memref<2x128xi32, #tpu.memory_space<hbm>>
        tpu.wait_dma2 semaphore(%arg12 : memref<!tpu.dma_semaphore, #tpu.memory_space<semaphore_mem>>) src(%dma_wait3A_108 : memref<2x128xi32, #tpu.memory_space<hbm>>) dst(%dma_wait3A_105 : memref<2x128xi32, #tpu.memory_space<vmem>>)
        %dma_start3A_109 = arith.constant 0 : i32
        %dma_start3A_110 = arith.constant 0 : i32
        %dma_start3A_111 = tpu.memref_slice %arg6[%rem3A_94, %dma_start3A_109, %dma_start3A_110] : memref<4x2x128xi32, #tpu.memory_space<vmem>> -> memref<1x1x128xi32, #tpu.memory_space<vmem>>
        %dma_start3A_112 = tpu.memref_squeeze %dma_start3A_111 : memref<1x1x128xi32, #tpu.memory_space<vmem>> -> memref<128xi32, #tpu.memory_space<vmem>>
        %dma_start3A_113 = arith.constant 0 : i32
        %dma_start3A_114 = arith.constant 0 : i32
        %dma_start3A_115 = tpu.memref_slice %arg2[%dma_start3A_113, %dma_start3A_114] : memref<20480x128xf32, #tpu.memory_space<hbm>> -> memref<20480x128xf32, #tpu.memory_space<hbm>>
        tpu.enqueue_indirect_dma source(%dma_start3A_115 : memref<20480x128xf32, #tpu.memory_space<hbm>>) target(%arg8 : memref<128x128xf32, #tpu.memory_space<vmem>>) offsets(%dma_start3A_112 : memref<128xi32, #tpu.memory_space<vmem>>) semaphore(%arg11 : memref<!tpu.dma_semaphore, #tpu.memory_space<semaphore_mem>>)
      } else {
      }
      %add3A_59 = arith.constant 2 : i32
      %add3A_60 = arith.addi %add3A_49, %add3A_59 : i32
      %lt3A_61 = arith.constant 80 : i32
      %lt3A_62 = arith.cmpi slt, %add3A_60, %lt3A_61 : i32
      %convert_element_type3A_63 = arith.extui %lt3A_62 : i1 to i32
      %cond3A_64 = arith.constant 0 : i32
      %cond3A_65 = arith.cmpi ne, %convert_element_type3A_63, %cond3A_64 : i32
      scf.if %cond3A_65 {
        %add3A_93 = arith.constant 2 : i32
        %add3A_94 = arith.addi %add3A_49, %add3A_93 : i32
        %rem3A_95 = arith.constant 4 : i32
        %rem3A_96 = arith.remsi %add3A_94, %rem3A_95 : i32
        %add3A_97 = arith.constant 2 : i32
        %add3A_98 = arith.addi %add3A_49, %add3A_97 : i32
        %mul3A_99 = arith.constant 2 : i32
        %mul3A_100 = arith.muli %add3A_98, %mul3A_99 : i32
        %add3A_101 = arith.addi %mul3A_8, %mul3A_100 : i32
        %dma_start3A_102 = arith.constant 0 : i32
        %dma_start3A_103 = arith.constant 0 : i32
        %dma_start3A_104 = tpu.memref_slice %arg6[%rem3A_96, %dma_start3A_102, %dma_start3A_103] : memref<4x2x128xi32, #tpu.memory_space<vmem>> -> memref<1x2x128xi32, #tpu.memory_space<vmem>>
        %dma_start3A_105 = tpu.memref_squeeze %dma_start3A_104 : memref<1x2x128xi32, #tpu.memory_space<vmem>> -> memref<2x128xi32, #tpu.memory_space<vmem>>
        %dma_start3A_106 = arith.constant 0 : i32
        %dma_start3A_107 = tpu.memref_slice %arg3[%add3A_101, %dma_start3A_106] : memref<5120x128xi32, #tpu.memory_space<hbm>> -> memref<2x128xi32, #tpu.memory_space<hbm>>
        %dma_start3A_108 = arith.constant 0 : i32
        %dma_start3A_109 = arith.constant 0 : i32
        %dma_start3A_110 = tpu.memref_slice %arg6[%rem3A_96, %dma_start3A_108, %dma_start3A_109] : memref<4x2x128xi32, #tpu.memory_space<vmem>> -> memref<1x2x128xi32, #tpu.memory_space<vmem>>
        %dma_start3A_111 = tpu.memref_squeeze %dma_start3A_110 : memref<1x2x128xi32, #tpu.memory_space<vmem>> -> memref<2x128xi32, #tpu.memory_space<vmem>>
        %dma_start3A_112 = arith.constant 0 : i32
        %dma_start3A_113 = tpu.memref_slice %arg3[%add3A_101, %dma_start3A_112] : memref<5120x128xi32, #tpu.memory_space<hbm>> -> memref<2x128xi32, #tpu.memory_space<hbm>>
        tpu.enqueue_dma source(%dma_start3A_113 : memref<2x128xi32, #tpu.memory_space<hbm>>) target(%dma_start3A_111 : memref<2x128xi32, #tpu.memory_space<vmem>>) target_semaphore(%arg12 : memref<!tpu.dma_semaphore, #tpu.memory_space<semaphore_mem>>)
      } else {
      }
      %rem3A = arith.constant 4 : i32
      %rem3A_66 = arith.remsi %add3A_49, %rem3A : i32
      %run_scoped3A_67 = arith.constant 1 : i32
      "tpu.region"() ({
        %run_scoped3A_93 = tpu.sem_alloc : memref<!tpu.dma_semaphore, #tpu.memory_space<semaphore_mem>>
        %dma_start3A_94 = arith.constant 0 : i32
        %dma_start3A_95 = tpu.memref_slice %arg6[%rem3A_66, %run_scoped3A_67, %dma_start3A_94] : memref<4x2x128xi32, #tpu.memory_space<vmem>> -> memref<1x1x128xi32, #tpu.memory_space<vmem>>
        %dma_start3A_96 = tpu.memref_squeeze %dma_start3A_95 : memref<1x1x128xi32, #tpu.memory_space<vmem>> -> memref<128xi32, #tpu.memory_space<vmem>>
        %dma_start3A_97 = arith.constant 0 : i32
        %dma_start3A_98 = arith.constant 0 : i32
        %dma_start3A_99 = tpu.memref_slice %arg9[%dma_start3A_97, %dma_start3A_98] : memref<10240x128xf32, #tpu.memory_space<vmem_shared>> -> memref<10240x128xf32, #tpu.memory_space<vmem_shared>>
        tpu.enqueue_indirect_dma source(%arg7 : memref<128x128xf32, #tpu.memory_space<vmem>>) target(%dma_start3A_99 : memref<10240x128xf32, #tpu.memory_space<vmem_shared>>) offsets(%dma_start3A_96 : memref<128xi32, #tpu.memory_space<vmem>>) semaphore(%run_scoped3A_93 : memref<!tpu.dma_semaphore, #tpu.memory_space<semaphore_mem>>) {add = true}
        %dma_wait3A_100 = arith.constant 0 : i32
        %dma_wait3A_101 = tpu.memref_slice %arg6[%rem3A_66, %run_scoped3A_67, %dma_wait3A_100] : memref<4x2x128xi32, #tpu.memory_space<vmem>> -> memref<1x1x128xi32, #tpu.memory_space<vmem>>
        %dma_wait3A_102 = tpu.memref_squeeze %dma_wait3A_101 : memref<1x1x128xi32, #tpu.memory_space<vmem>> -> memref<128xi32, #tpu.memory_space<vmem>>
        %dma_wait3A_103 = arith.constant 0 : i32
        %dma_wait3A_104 = arith.constant 0 : i32
        %dma_wait3A_105 = tpu.memref_slice %arg9[%dma_wait3A_103, %dma_wait3A_104] : memref<10240x128xf32, #tpu.memory_space<vmem_shared>> -> memref<10240x128xf32, #tpu.memory_space<vmem_shared>>
        tpu.wait_indirect_dma semaphore(%run_scoped3A_93 : memref<!tpu.dma_semaphore, #tpu.memory_space<semaphore_mem>>) src(%arg7 : memref<128x128xf32, #tpu.memory_space<vmem>>) dst(%dma_wait3A_105 : memref<10240x128xf32, #tpu.memory_space<vmem_shared>>)
        tpu.yield
      }) : () -> ()
      %add3A_68 = arith.constant 1 : i32
      %add3A_69 = arith.addi %add3A_47, %add3A_68 : i32
      %dma_wait3A_70 = arith.constant 0 : i32
      %dma_wait3A_71 = arith.constant 0 : i32
      %dma_wait3A_72 = tpu.memref_slice %arg2[%dma_wait3A_70, %dma_wait3A_71] : memref<20480x128xf32, #tpu.memory_space<hbm>> -> memref<128x128xf32, #tpu.memory_space<hbm>>
      %dma_wait3A_73 = arith.constant 0 : i32
      %dma_wait3A_74 = arith.constant 0 : i32
      %dma_wait3A_75 = tpu.memref_slice %arg2[%dma_wait3A_73, %dma_wait3A_74] : memref<20480x128xf32, #tpu.memory_space<hbm>> -> memref<128x128xf32, #tpu.memory_space<hbm>>
      tpu.wait_dma2 semaphore(%arg11 : memref<!tpu.dma_semaphore, #tpu.memory_space<semaphore_mem>>) src(%dma_wait3A_75 : memref<128x128xf32, #tpu.memory_space<hbm>>) dst(%arg8 : memref<128x128xf32, #tpu.memory_space<vmem>>)
      %add3A_76 = arith.constant 1 : i32
      %add3A_77 = arith.addi %add3A_69, %add3A_76 : i32
      %lt3A_78 = arith.constant 80 : i32
      %lt3A_79 = arith.cmpi slt, %add3A_77, %lt3A_78 : i32
      %convert_element_type3A_80 = arith.extui %lt3A_79 : i1 to i32
      %cond3A_81 = arith.constant 0 : i32
      %cond3A_82 = arith.cmpi ne, %convert_element_type3A_80, %cond3A_81 : i32
      scf.if %cond3A_82 {
        %rem3A_93 = arith.constant 4 : i32
        %rem3A_94 = arith.remsi %add3A_77, %rem3A_93 : i32
        %dma_wait3A_95 = arith.constant 0 : i32
        %dma_wait3A_96 = arith.constant 0 : i32
        %dma_wait3A_97 = tpu.memref_slice %arg6[%rem3A_94, %dma_wait3A_95, %dma_wait3A_96] : memref<4x2x128xi32, #tpu.memory_space<vmem>> -> memref<1x2x128xi32, #tpu.memory_space<vmem>>
        %dma_wait3A_98 = tpu.memref_squeeze %dma_wait3A_97 : memref<1x2x128xi32, #tpu.memory_space<vmem>> -> memref<2x128xi32, #tpu.memory_space<vmem>>
        %dma_wait3A_99 = arith.constant 0 : i32
        %dma_wait3A_100 = arith.constant 0 : i32
        %dma_wait3A_101 = tpu.memref_slice %arg3[%dma_wait3A_99, %dma_wait3A_100] : memref<5120x128xi32, #tpu.memory_space<hbm>> -> memref<2x128xi32, #tpu.memory_space<hbm>>
        %dma_wait3A_102 = arith.constant 0 : i32
        %dma_wait3A_103 = arith.constant 0 : i32
        %dma_wait3A_104 = tpu.memref_slice %arg6[%rem3A_94, %dma_wait3A_102, %dma_wait3A_103] : memref<4x2x128xi32, #tpu.memory_space<vmem>> -> memref<1x2x128xi32, #tpu.memory_space<vmem>>
        %dma_wait3A_105 = tpu.memref_squeeze %dma_wait3A_104 : memref<1x2x128xi32, #tpu.memory_space<vmem>> -> memref<2x128xi32, #tpu.memory_space<vmem>>
        %dma_wait3A_106 = arith.constant 0 : i32
        %dma_wait3A_107 = arith.constant 0 : i32
        %dma_wait3A_108 = tpu.memref_slice %arg3[%dma_wait3A_106, %dma_wait3A_107] : memref<5120x128xi32, #tpu.memory_space<hbm>> -> memref<2x128xi32, #tpu.memory_space<hbm>>
        tpu.wait_dma2 semaphore(%arg12 : memref<!tpu.dma_semaphore, #tpu.memory_space<semaphore_mem>>) src(%dma_wait3A_108 : memref<2x128xi32, #tpu.memory_space<hbm>>) dst(%dma_wait3A_105 : memref<2x128xi32, #tpu.memory_space<vmem>>)
        %dma_start3A_109 = arith.constant 0 : i32
        %dma_start3A_110 = arith.constant 0 : i32
        %dma_start3A_111 = tpu.memref_slice %arg6[%rem3A_94, %dma_start3A_109, %dma_start3A_110] : memref<4x2x128xi32, #tpu.memory_space<vmem>> -> memref<1x1x128xi32, #tpu.memory_space<vmem>>
        %dma_start3A_112 = tpu.memref_squeeze %dma_start3A_111 : memref<1x1x128xi32, #tpu.memory_space<vmem>> -> memref<128xi32, #tpu.memory_space<vmem>>
        %dma_start3A_113 = arith.constant 0 : i32
        %dma_start3A_114 = arith.constant 0 : i32
        %dma_start3A_115 = tpu.memref_slice %arg2[%dma_start3A_113, %dma_start3A_114] : memref<20480x128xf32, #tpu.memory_space<hbm>> -> memref<20480x128xf32, #tpu.memory_space<hbm>>
        tpu.enqueue_indirect_dma source(%dma_start3A_115 : memref<20480x128xf32, #tpu.memory_space<hbm>>) target(%arg7 : memref<128x128xf32, #tpu.memory_space<vmem>>) offsets(%dma_start3A_112 : memref<128xi32, #tpu.memory_space<vmem>>) semaphore(%arg10 : memref<!tpu.dma_semaphore, #tpu.memory_space<semaphore_mem>>)
      } else {
      }
      %add3A_83 = arith.constant 2 : i32
      %add3A_84 = arith.addi %add3A_69, %add3A_83 : i32
      %lt3A_85 = arith.constant 80 : i32
      %lt3A_86 = arith.cmpi slt, %add3A_84, %lt3A_85 : i32
      %convert_element_type3A_87 = arith.extui %lt3A_86 : i1 to i32
      %cond3A_88 = arith.constant 0 : i32
      %cond3A_89 = arith.cmpi ne, %convert_element_type3A_87, %cond3A_88 : i32
      scf.if %cond3A_89 {
        %add3A_93 = arith.constant 2 : i32
        %add3A_94 = arith.addi %add3A_69, %add3A_93 : i32
        %rem3A_95 = arith.constant 4 : i32
        %rem3A_96 = arith.remsi %add3A_94, %rem3A_95 : i32
        %add3A_97 = arith.constant 2 : i32
        %add3A_98 = arith.addi %add3A_69, %add3A_97 : i32
        %mul3A_99 = arith.constant 2 : i32
        %mul3A_100 = arith.muli %add3A_98, %mul3A_99 : i32
        %add3A_101 = arith.addi %mul3A_8, %mul3A_100 : i32
        %dma_start3A_102 = arith.constant 0 : i32
        %dma_start3A_103 = arith.constant 0 : i32
        %dma_start3A_104 = tpu.memref_slice %arg6[%rem3A_96, %dma_start3A_102, %dma_start3A_103] : memref<4x2x128xi32, #tpu.memory_space<vmem>> -> memref<1x2x128xi32, #tpu.memory_space<vmem>>
        %dma_start3A_105 = tpu.memref_squeeze %dma_start3A_104 : memref<1x2x128xi32, #tpu.memory_space<vmem>> -> memref<2x128xi32, #tpu.memory_space<vmem>>
        %dma_start3A_106 = arith.constant 0 : i32
        %dma_start3A_107 = tpu.memref_slice %arg3[%add3A_101, %dma_start3A_106] : memref<5120x128xi32, #tpu.memory_space<hbm>> -> memref<2x128xi32, #tpu.memory_space<hbm>>
        %dma_start3A_108 = arith.constant 0 : i32
        %dma_start3A_109 = arith.constant 0 : i32
        %dma_start3A_110 = tpu.memref_slice %arg6[%rem3A_96, %dma_start3A_108, %dma_start3A_109] : memref<4x2x128xi32, #tpu.memory_space<vmem>> -> memref<1x2x128xi32, #tpu.memory_space<vmem>>
        %dma_start3A_111 = tpu.memref_squeeze %dma_start3A_110 : memref<1x2x128xi32, #tpu.memory_space<vmem>> -> memref<2x128xi32, #tpu.memory_space<vmem>>
        %dma_start3A_112 = arith.constant 0 : i32
        %dma_start3A_113 = tpu.memref_slice %arg3[%add3A_101, %dma_start3A_112] : memref<5120x128xi32, #tpu.memory_space<hbm>> -> memref<2x128xi32, #tpu.memory_space<hbm>>
        tpu.enqueue_dma source(%dma_start3A_113 : memref<2x128xi32, #tpu.memory_space<hbm>>) target(%dma_start3A_111 : memref<2x128xi32, #tpu.memory_space<vmem>>) target_semaphore(%arg12 : memref<!tpu.dma_semaphore, #tpu.memory_space<semaphore_mem>>)
      } else {
      }
      %rem3A_90 = arith.constant 4 : i32
      %rem3A_91 = arith.remsi %add3A_69, %rem3A_90 : i32
      %run_scoped3A_92 = arith.constant 1 : i32
      "tpu.region"() ({
        %run_scoped3A_93 = tpu.sem_alloc : memref<!tpu.dma_semaphore, #tpu.memory_space<semaphore_mem>>
        %dma_start3A_94 = arith.constant 0 : i32
        %dma_start3A_95 = tpu.memref_slice %arg6[%rem3A_91, %run_scoped3A_92, %dma_start3A_94] : memref<4x2x128xi32, #tpu.memory_space<vmem>> -> memref<1x1x128xi32, #tpu.memory_space<vmem>>
        %dma_start3A_96 = tpu.memref_squeeze %dma_start3A_95 : memref<1x1x128xi32, #tpu.memory_space<vmem>> -> memref<128xi32, #tpu.memory_space<vmem>>
        %dma_start3A_97 = arith.constant 0 : i32
        %dma_start3A_98 = arith.constant 0 : i32
        %dma_start3A_99 = tpu.memref_slice %arg9[%dma_start3A_97, %dma_start3A_98] : memref<10240x128xf32, #tpu.memory_space<vmem_shared>> -> memref<10240x128xf32, #tpu.memory_space<vmem_shared>>
        tpu.enqueue_indirect_dma source(%arg8 : memref<128x128xf32, #tpu.memory_space<vmem>>) target(%dma_start3A_99 : memref<10240x128xf32, #tpu.memory_space<vmem_shared>>) offsets(%dma_start3A_96 : memref<128xi32, #tpu.memory_space<vmem>>) semaphore(%run_scoped3A_93 : memref<!tpu.dma_semaphore, #tpu.memory_space<semaphore_mem>>) {add = true}
        %dma_wait3A_100 = arith.constant 0 : i32
        %dma_wait3A_101 = tpu.memref_slice %arg6[%rem3A_91, %run_scoped3A_92, %dma_wait3A_100] : memref<4x2x128xi32, #tpu.memory_space<vmem>> -> memref<1x1x128xi32, #tpu.memory_space<vmem>>
        %dma_wait3A_102 = tpu.memref_squeeze %dma_wait3A_101 : memref<1x1x128xi32, #tpu.memory_space<vmem>> -> memref<128xi32, #tpu.memory_space<vmem>>
        %dma_wait3A_103 = arith.constant 0 : i32
        %dma_wait3A_104 = arith.constant 0 : i32
        %dma_wait3A_105 = tpu.memref_slice %arg9[%dma_wait3A_103, %dma_wait3A_104] : memref<10240x128xf32, #tpu.memory_space<vmem_shared>> -> memref<10240x128xf32, #tpu.memory_space<vmem_shared>>
        tpu.wait_indirect_dma semaphore(%run_scoped3A_93 : memref<!tpu.dma_semaphore, #tpu.memory_space<semaphore_mem>>) src(%arg8 : memref<128x128xf32, #tpu.memory_space<vmem>>) dst(%dma_wait3A_105 : memref<10240x128xf32, #tpu.memory_space<vmem_shared>>)
        tpu.yield
      }) : () -> ()
    }
    %scan3A_34 = arith.constant 40 : i32
    %barrier3A_35 = arith.constant 0 : index
    tpu.barrier barrier_id(%barrier3A_35)
    %mul3A_36 = arith.constant 640 : i32
    %mul3A_37 = arith.muli %arg1, %mul3A_36 : i32
    %mul3A_38 = arith.constant 10240 : i32
    %mul3A_39 = arith.muli %arg0, %mul3A_38 : i32
    %mul3A_40 = arith.constant 640 : i32
    %mul3A_41 = arith.muli %arg1, %mul3A_40 : i32
    %add3A_42 = arith.addi %mul3A_39, %mul3A_41 : i32
    "tpu.region"() ({
      %run_scoped3A_43 = tpu.sem_alloc : memref<!tpu.dma_semaphore, #tpu.memory_space<semaphore_mem>>
      %dma_start3A_44 = arith.constant 0 : i32
      %dma_start3A_45 = tpu.memref_slice %arg5[%add3A_42, %dma_start3A_44] : memref<20480x128xf32, #tpu.memory_space<hbm>> -> memref<640x128xf32, #tpu.memory_space<hbm>>
      %dma_start3A_46 = arith.constant 0 : i32
      %dma_start3A_47 = tpu.memref_slice %arg9[%mul3A_37, %dma_start3A_46] : memref<10240x128xf32, #tpu.memory_space<vmem_shared>> -> memref<640x128xf32, #tpu.memory_space<vmem_shared>>
      tpu.enqueue_dma source(%dma_start3A_47 : memref<640x128xf32, #tpu.memory_space<vmem_shared>>) target(%dma_start3A_45 : memref<640x128xf32, #tpu.memory_space<hbm>>) target_semaphore(%run_scoped3A_43 : memref<!tpu.dma_semaphore, #tpu.memory_space<semaphore_mem>>)
      %dma_wait3A = arith.constant 0 : i32
      %dma_wait3A_48 = tpu.memref_slice %arg5[%add3A_42, %dma_wait3A] : memref<20480x128xf32, #tpu.memory_space<hbm>> -> memref<640x128xf32, #tpu.memory_space<hbm>>
      %dma_wait3A_49 = arith.constant 0 : i32
      %dma_wait3A_50 = tpu.memref_slice %arg9[%mul3A_37, %dma_wait3A_49] : memref<10240x128xf32, #tpu.memory_space<vmem_shared>> -> memref<640x128xf32, #tpu.memory_space<vmem_shared>>
      tpu.wait_dma2 semaphore(%run_scoped3A_43 : memref<!tpu.dma_semaphore, #tpu.memory_space<semaphore_mem>>) src(%dma_wait3A_50 : memref<640x128xf32, #tpu.memory_space<vmem_shared>>) dst(%dma_wait3A_48 : memref<640x128xf32, #tpu.memory_space<hbm>>)
      tpu.yield
    }) : () -> ()
    return
  }
}

module attributes {stable_mosaic.version = 14 : i64} {
  func.func @_mm_body(%arg0: i32, %arg1: memref<1024x128xf32, #tpu.memory_space<vmem>>, %arg2: memref<128x128xf32, #tpu.memory_space<vmem>>, %arg3: memref<1024x128xf32, #tpu.memory_space<vmem>>) attributes {dimension_semantics = [#tpu.dimension_semantics<arbitrary>], iteration_bounds = array<i64: 10>, scalar_prefetch = 0 : i64, scratch_operands = 0 : i64, tpu.core_type = #tpu.core_type<tc>, window_params = [{transform_indices = @transform_0, window_bounds = array<i64: 1024, 128>}, {pipeline_mode = #tpu.pipeline_mode<synchronous>, transform_indices = @transform_1, window_bounds = array<i64: 128, 128>}, {transform_indices = @transform_2, window_bounds = array<i64: 1024, 128>}]} {
    %get3A = arith.constant 0 : index
    %get3A_0 = arith.constant 0 : index
    %get3A_1 = vector.load %arg1[%get3A, %get3A_0] : memref<1024x128xf32, #tpu.memory_space<vmem>>, vector<1024x128xf32>
    %get3A_2 = arith.constant 0 : index
    %get3A_3 = arith.constant 0 : index
    %get3A_4 = vector.load %arg2[%get3A_2, %get3A_3] : memref<128x128xf32, #tpu.memory_space<vmem>>, vector<128x128xf32>
    %dot_general3A = arith.constant dense<0.000000e+00> : vector<1024x128xf32>
    %dot_general3A_5 = tpu.matmul %get3A_1, %get3A_4, %dot_general3A {dimension_numbers = #tpu.dot_dimension_numbers<[1], [1], [0], [0], [0, 0, 1, 0], [], []>, transpose_lhs_hint = false} : vector<1024x128xf32>, vector<128x128xf32>, vector<1024x128xf32> -> vector<1024x128xf32>
    %swap3A = arith.constant 0 : index
    %swap3A_6 = arith.constant 0 : index
    %swap3A_7 = vector.load %arg3[%swap3A, %swap3A_6] : memref<1024x128xf32, #tpu.memory_space<vmem>>, vector<1024x128xf32>
    tpu.vector_store %arg3[%swap3A, %swap3A_6], %dot_general3A_5 {strides = array<i32>} : memref<1024x128xf32, #tpu.memory_space<vmem>>, vector<1024x128xf32>,
    return
  }
  func.func @transform_0(%arg0: i32) -> (i32, i32) {
    %c0_i32 = arith.constant 0 : i32
    %c0_i32_0 = arith.constant 0 : i32
    return %arg0, %c0_i32 : i32, i32
  }
  func.func @transform_1(%arg0: i32) -> (i32, i32) {
    %c0_i32 = arith.constant 0 : i32
    %c0_i32_0 = arith.constant 0 : i32
    %c0_i32_1 = arith.constant 0 : i32
    return %c0_i32, %c0_i32_0 : i32, i32
  }
  func.func @transform_2(%arg0: i32) -> (i32, i32) {
    %c0_i32 = arith.constant 0 : i32
    %c0_i32_0 = arith.constant 0 : i32
    return %arg0, %c0_i32 : i32, i32
  }
}

module attributes {stable_mosaic.version = 14 : i64} {
  func.func @_combine_mm_body(%arg0: i32, %arg1: memref<1024x128xf32, #tpu.memory_space<vmem>>, %arg2: memref<1024x128xf32, #tpu.memory_space<vmem>>, %arg3: memref<1024x128xf32, #tpu.memory_space<vmem>>, %arg4: memref<1024x128xf32, #tpu.memory_space<vmem>>, %arg5: memref<1024x128xf32, #tpu.memory_space<vmem>>, %arg6: memref<1x128xf32, #tpu.memory_space<vmem>>, %arg7: memref<128x128xf32, #tpu.memory_space<vmem>>, %arg8: memref<1024x128xf32, #tpu.memory_space<vmem>>) attributes {dimension_semantics = [#tpu.dimension_semantics<arbitrary>], iteration_bounds = array<i64: 10>, scalar_prefetch = 0 : i64, scratch_operands = 0 : i64, tpu.core_type = #tpu.core_type<tc>, window_params = [{transform_indices = @transform_0, window_bounds = array<i64: 1024, 128>}, {transform_indices = @transform_1, window_bounds = array<i64: 1024, 128>}, {transform_indices = @transform_2, window_bounds = array<i64: 1024, 128>}, {transform_indices = @transform_3, window_bounds = array<i64: 1024, 128>}, {transform_indices = @transform_4, window_bounds = array<i64: 1024, 128>}, {pipeline_mode = #tpu.pipeline_mode<synchronous>, transform_indices = @transform_5, window_bounds = array<i64: 1, 128>}, {pipeline_mode = #tpu.pipeline_mode<synchronous>, transform_indices = @transform_6, window_bounds = array<i64: 128, 128>}, {transform_indices = @transform_7, window_bounds = array<i64: 1024, 128>}]} {
    %get3A = arith.constant 0 : index
    %get3A_0 = arith.constant 0 : index
    %get3A_1 = vector.load %arg4[%get3A, %get3A_0] : memref<1024x128xf32, #tpu.memory_space<vmem>>, vector<1024x1xf32>
    %get3A_2 = arith.constant 0 : index
    %get3A_3 = arith.constant 0 : index
    %get3A_4 = vector.load %arg5[%get3A_2, %get3A_3] : memref<1024x128xf32, #tpu.memory_space<vmem>>, vector<1024x1xf32>
    %add3A = arith.addf %get3A_1, %get3A_4 : vector<1024x1xf32>
    %max3A = arith.constant 1.000000e+00 : f32
    %max3A_5 = vector.broadcast %max3A : f32 to vector<1024x1xf32>
    %max3A_6 = arith.maximumf %add3A, %max3A_5 : vector<1024x1xf32>
    %div3A = arith.constant 1.000000e+00 : f32
    %div3A_7 = vector.broadcast %div3A : f32 to vector<1024x1xf32>
    %div3A_8 = arith.divf %div3A_7, %max3A_6 : vector<1024x1xf32>
    %get3A_9 = arith.constant 0 : index
    %get3A_10 = arith.constant 0 : index
    %get3A_11 = vector.load %arg1[%get3A_9, %get3A_10] : memref<1024x128xf32, #tpu.memory_space<vmem>>, vector<1024x128xf32>
    %get3A_12 = arith.constant 0 : index
    %get3A_13 = arith.constant 0 : index
    %get3A_14 = vector.load %arg6[%get3A_12, %get3A_13] : memref<1x128xf32, #tpu.memory_space<vmem>>, vector<1x128xf32>
    %add3A_15 = vector.broadcast %get3A_14 : vector<1x128xf32> to vector<1024x128xf32>
    %add3A_16 = arith.addf %get3A_11, %add3A_15 : vector<1024x128xf32>
    %get3A_17 = arith.constant 0 : index
    %get3A_18 = arith.constant 0 : index
    %get3A_19 = vector.load %arg2[%get3A_17, %get3A_18] : memref<1024x128xf32, #tpu.memory_space<vmem>>, vector<1024x128xf32>
    %get3A_20 = arith.constant 0 : index
    %get3A_21 = arith.constant 0 : index
    %get3A_22 = vector.load %arg3[%get3A_20, %get3A_21] : memref<1024x128xf32, #tpu.memory_space<vmem>>, vector<1024x128xf32>
    %add3A_23 = arith.addf %get3A_19, %get3A_22 : vector<1024x128xf32>
    %mul3A = vector.broadcast %div3A_8 : vector<1024x1xf32> to vector<1024x128xf32>
    %mul3A_24 = arith.mulf %mul3A, %add3A_23 : vector<1024x128xf32>
    %add3A_25 = arith.addf %add3A_16, %mul3A_24 : vector<1024x128xf32>
    %max3A_26 = arith.constant 0.000000e+00 : f32
    %max3A_27 = vector.broadcast %max3A_26 : f32 to vector<1024x128xf32>
    %max3A_28 = arith.maximumf %add3A_25, %max3A_27 : vector<1024x128xf32>
    %get3A_29 = arith.constant 0 : index
    %get3A_30 = arith.constant 0 : index
    %get3A_31 = vector.load %arg7[%get3A_29, %get3A_30] : memref<128x128xf32, #tpu.memory_space<vmem>>, vector<128x128xf32>
    %dot_general3A = arith.constant dense<0.000000e+00> : vector<1024x128xf32>
    %dot_general3A_32 = tpu.matmul %max3A_28, %get3A_31, %dot_general3A {dimension_numbers = #tpu.dot_dimension_numbers<[1], [1], [0], [0], [0, 0, 1, 0], [], []>, transpose_lhs_hint = false} : vector<1024x128xf32>, vector<128x128xf32>, vector<1024x128xf32> -> vector<1024x128xf32>
    %swap3A = arith.constant 0 : index
    %swap3A_33 = arith.constant 0 : index
    %swap3A_34 = vector.load %arg8[%swap3A, %swap3A_33] : memref<1024x128xf32, #tpu.memory_space<vmem>>, vector<1024x128xf32>
    tpu.vector_store %arg8[%swap3A, %swap3A_33], %dot_general3A_32 {strides = array<i32>} : memref<1024x128xf32, #tpu.memory_space<vmem>>, vector<1024x128xf32>,
    return
  }
  func.func @transform_0(%arg0: i32) -> (i32, i32) {
    %c0_i32 = arith.constant 0 : i32
    %c0_i32_0 = arith.constant 0 : i32
    return %arg0, %c0_i32 : i32, i32
  }
  func.func @transform_1(%arg0: i32) -> (i32, i32) {
    %c0_i32 = arith.constant 0 : i32
    %c0_i32_0 = arith.constant 0 : i32
    return %arg0, %c0_i32 : i32, i32
  }
  func.func @transform_2(%arg0: i32) -> (i32, i32) {
    %add3A = arith.constant 10 : i32
    %add3A_0 = arith.addi %arg0, %add3A : i32
    %c0_i32 = arith.constant 0 : i32
    %c0_i32_1 = arith.constant 0 : i32
    return %add3A_0, %c0_i32 : i32, i32
  }
  func.func @transform_3(%arg0: i32) -> (i32, i32) {
    %c0_i32 = arith.constant 0 : i32
    %c0_i32_0 = arith.constant 0 : i32
    return %arg0, %c0_i32 : i32, i32
  }
  func.func @transform_4(%arg0: i32) -> (i32, i32) {
    %add3A = arith.constant 10 : i32
    %add3A_0 = arith.addi %arg0, %add3A : i32
    %c0_i32 = arith.constant 0 : i32
    %c0_i32_1 = arith.constant 0 : i32
    return %add3A_0, %c0_i32 : i32, i32
  }
  func.func @transform_5(%arg0: i32) -> (i32, i32) {
    %c0_i32 = arith.constant 0 : i32
    %c0_i32_0 = arith.constant 0 : i32
    %c0_i32_1 = arith.constant 0 : i32
    return %c0_i32, %c0_i32_0 : i32, i32
  }
  func.func @transform_6(%arg0: i32) -> (i32, i32) {
    %c0_i32 = arith.constant 0 : i32
    %c0_i32_0 = arith.constant 0 : i32
    %c0_i32_1 = arith.constant 0 : i32
    return %c0_i32, %c0_i32_0 : i32, i32
  }
  func.func @transform_7(%arg0: i32) -> (i32, i32) {
    %c0_i32 = arith.constant 0 : i32
    %c0_i32_0 = arith.constant 0 : i32
    return %arg0, %c0_i32 : i32, i32
  }
}

module attributes {stable_mosaic.version = 14 : i64} {
  func.func @_combine_out_body(%arg0: i32, %arg1: memref<1024x128xf32, #tpu.memory_space<vmem>>, %arg2: memref<1024x128xf32, #tpu.memory_space<vmem>>, %arg3: memref<1024x128xf32, #tpu.memory_space<vmem>>, %arg4: memref<1024x128xf32, #tpu.memory_space<vmem>>, %arg5: memref<1024x128xf32, #tpu.memory_space<vmem>>, %arg6: memref<1x128xf32, #tpu.memory_space<vmem>>, %arg7: memref<1024x128xf32, #tpu.memory_space<vmem>>) attributes {dimension_semantics = [#tpu.dimension_semantics<arbitrary>], iteration_bounds = array<i64: 10>, scalar_prefetch = 0 : i64, scratch_operands = 0 : i64, tpu.core_type = #tpu.core_type<tc>, window_params = [{transform_indices = @transform_0, window_bounds = array<i64: 1024, 128>}, {transform_indices = @transform_1, window_bounds = array<i64: 1024, 128>}, {transform_indices = @transform_2, window_bounds = array<i64: 1024, 128>}, {transform_indices = @transform_3, window_bounds = array<i64: 1024, 128>}, {transform_indices = @transform_4, window_bounds = array<i64: 1024, 128>}, {pipeline_mode = #tpu.pipeline_mode<synchronous>, transform_indices = @transform_5, window_bounds = array<i64: 1, 128>}, {transform_indices = @transform_6, window_bounds = array<i64: 1024, 128>}]} {
    %get3A = arith.constant 0 : index
    %get3A_0 = arith.constant 0 : index
    %get3A_1 = vector.load %arg4[%get3A, %get3A_0] : memref<1024x128xf32, #tpu.memory_space<vmem>>, vector<1024x1xf32>
    %get3A_2 = arith.constant 0 : index
    %get3A_3 = arith.constant 0 : index
    %get3A_4 = vector.load %arg5[%get3A_2, %get3A_3] : memref<1024x128xf32, #tpu.memory_space<vmem>>, vector<1024x1xf32>
    %add3A = arith.addf %get3A_1, %get3A_4 : vector<1024x1xf32>
    %max3A = arith.constant 1.000000e+00 : f32
    %max3A_5 = vector.broadcast %max3A : f32 to vector<1024x1xf32>
    %max3A_6 = arith.maximumf %add3A, %max3A_5 : vector<1024x1xf32>
    %div3A = arith.constant 1.000000e+00 : f32
    %div3A_7 = vector.broadcast %div3A : f32 to vector<1024x1xf32>
    %div3A_8 = arith.divf %div3A_7, %max3A_6 : vector<1024x1xf32>
    %get3A_9 = arith.constant 0 : index
    %get3A_10 = arith.constant 0 : index
    %get3A_11 = vector.load %arg1[%get3A_9, %get3A_10] : memref<1024x128xf32, #tpu.memory_space<vmem>>, vector<1024x128xf32>
    %get3A_12 = arith.constant 0 : index
    %get3A_13 = arith.constant 0 : index
    %get3A_14 = vector.load %arg6[%get3A_12, %get3A_13] : memref<1x128xf32, #tpu.memory_space<vmem>>, vector<1x128xf32>
    %add3A_15 = vector.broadcast %get3A_14 : vector<1x128xf32> to vector<1024x128xf32>
    %add3A_16 = arith.addf %get3A_11, %add3A_15 : vector<1024x128xf32>
    %get3A_17 = arith.constant 0 : index
    %get3A_18 = arith.constant 0 : index
    %get3A_19 = vector.load %arg2[%get3A_17, %get3A_18] : memref<1024x128xf32, #tpu.memory_space<vmem>>, vector<1024x128xf32>
    %get3A_20 = arith.constant 0 : index
    %get3A_21 = arith.constant 0 : index
    %get3A_22 = vector.load %arg3[%get3A_20, %get3A_21] : memref<1024x128xf32, #tpu.memory_space<vmem>>, vector<1024x128xf32>
    %add3A_23 = arith.addf %get3A_19, %get3A_22 : vector<1024x128xf32>
    %mul3A = vector.broadcast %div3A_8 : vector<1024x1xf32> to vector<1024x128xf32>
    %mul3A_24 = arith.mulf %mul3A, %add3A_23 : vector<1024x128xf32>
    %add3A_25 = arith.addf %add3A_16, %mul3A_24 : vector<1024x128xf32>
    %swap3A = arith.constant 0 : index
    %swap3A_26 = arith.constant 0 : index
    %swap3A_27 = vector.load %arg7[%swap3A, %swap3A_26] : memref<1024x128xf32, #tpu.memory_space<vmem>>, vector<1024x128xf32>
    tpu.vector_store %arg7[%swap3A, %swap3A_26], %add3A_25 {strides = array<i32>} : memref<1024x128xf32, #tpu.memory_space<vmem>>, vector<1024x128xf32>,
    return
  }
  func.func @transform_0(%arg0: i32) -> (i32, i32) {
    %c0_i32 = arith.constant 0 : i32
    %c0_i32_0 = arith.constant 0 : i32
    return %arg0, %c0_i32 : i32, i32
  }
  func.func @transform_1(%arg0: i32) -> (i32, i32) {
    %c0_i32 = arith.constant 0 : i32
    %c0_i32_0 = arith.constant 0 : i32
    return %arg0, %c0_i32 : i32, i32
  }
  func.func @transform_2(%arg0: i32) -> (i32, i32) {
    %add3A = arith.constant 10 : i32
    %add3A_0 = arith.addi %arg0, %add3A : i32
    %c0_i32 = arith.constant 0 : i32
    %c0_i32_1 = arith.constant 0 : i32
    return %add3A_0, %c0_i32 : i32, i32
  }
  func.func @transform_3(%arg0: i32) -> (i32, i32) {
    %c0_i32 = arith.constant 0 : i32
    %c0_i32_0 = arith.constant 0 : i32
    return %arg0, %c0_i32 : i32, i32
  }
  func.func @transform_4(%arg0: i32) -> (i32, i32) {
    %add3A = arith.constant 10 : i32
    %add3A_0 = arith.addi %arg0, %add3A : i32
    %c0_i32 = arith.constant 0 : i32
    %c0_i32_1 = arith.constant 0 : i32
    return %add3A_0, %c0_i32 : i32, i32
  }
  func.func @transform_5(%arg0: i32) -> (i32, i32) {
    %c0_i32 = arith.constant 0 : i32
    %c0_i32_0 = arith.constant 0 : i32
    %c0_i32_1 = arith.constant 0 : i32
    return %c0_i32, %c0_i32_0 : i32, i32
  }
  func.func @transform_6(%arg0: i32) -> (i32, i32) {
    %c0_i32 = arith.constant 0 : i32
    %c0_i32_0 = arith.constant 0 : i32
    return %arg0, %c0_i32 : i32, i32
  }
}

</mosaic_0001>

<sc_bundles>
// kernel: gin_agg.11.cloned.1.call-start
scs
__scs_entry_jumppad:
0x0: {  	(pc) =	sbr.rel $0x88, $3  }
0x1: {  	(tag) =	ssettag $0x0;
	lr =	simm.s32 $0x1  }
0x2: {  	[smem:$0x3F99] =	sst lr;
	_ =	strace $0xD0000000  }
0x3: {  	_ = 	snop  }
0x4: {  	_ = 	snop  }
0x5: {  	_ = 	snop  }
0x6: {  	_ = 	snop  }
0x7: {  	_ = 	snop  }
__scs_overlays_trampoline_lowered:
0x8: {  	[smem:$0x3FA8] =	sst s0  }
0x9: {  	[smem:$0x3FA9] =	sst s1  }
0xa: {  	[smem:$0x3FAA] =	sst s2  }
0xb: {  	[smem:$0x3FAB] =	sst s3  }
0xc: {  	[smem:$0x3FAC] =	sst s4  }
0xd: {  	[smem:$0x3FAD] =	sst s5  }
0xe: {  	[smem:$0x3FAE] =	sst s6  }
0xf: {  	[smem:$0x3FAF] =	sst s7  }
0x10: {  	[smem:$0x3FB0] =	sst s8  }
0x11: {  	[smem:$0x3FB1] =	sst s9;
	s0 =	simm.s32 @!p0 $0x0  }
0x12: {  	s1 =	sld [smem:$0x3F97];
	s0 =	simm.s32 @p0 $0x1  }
0x13: {  	[smem:$0x3FB2] =	sst s0;
	s0 =	simm.s32 @!p1 $0x0  }
0x14: {  	s2 =	sld [smem:$0x3F96];
	s0 =	simm.s32 @p1 $0x1  }
0x15: {  	[smem:$0x3FB3] =	sst s0;
	s0 =	simm.s32 @!p2 $0x0  }
0x16: {  	s3 =	sld [smem:$0x3FDB];
	s0 =	simm.s32 @p2 $0x1  }
0x17: {  	s4 =	simm.s32 $0x1BF5;
	[smem:$0x3FB5] =	sst s0  }
0x18: {  	s0 =	sld [smem:$0x3F98];
	_ =	swait.ge [sflag:s4], $0x0  }
0x19: {  	s7 =	sld [smem:$0x3F99]  }
0x1a: {  	s8 =	sadd.s32 $0xFFFFE003, lr  }
0x1b: {  	s9 =	sadd.s32 $0xFFFFFEF7, lr;
	s5 =	simm.s32 $0xFFFFFFFF;
	p2 =	slt.u32 s8, $0xFFFFF086  }
0x1c: {  	p1 =	slt.u32 s9, $0xF7A;
	s5 =	simm.s32 @!p2 $0x0  }
0x1d: {  	s5 =	simm.s32 @p1 $0x1;
	p0 =	seq.s32 s7, s2  }
0x1e: {  	s7 =	smul.u32 @!p0 $0xF7A, s2;
	p2 =	seq.s32 @!p0 s5, $0x0  }
0x1f: {  	s9 =	smul.u32 $0xF7A, s1;
	s8 =	simm.s32 @!p0 $0x1BF5;
	p2 =	por !p2, p0  }
0x20: {  	[sflag:s8] =	ssyncset.s32 @!p0 $0xFFFFF086;
	s6 =	sadd.s32 @!p0 s3, s7;
	s7 =	simm.s32 @!p0 $0x108  }
0x21: {  	s3 =	sadd.s32 s3, s9;
	s6 =	sadd.s32 @!p0 $0x88, s6;
	s7 =	simm.s32 @p2 $0x1082  }
0x22: {  	[simem:s7], [sflag:s8] =	dma.local @!p0 [hbm:s6], $0xF7A  }
0x23: {  	s9 =	sor.u32 $0xD0000000, s2;
	s6 =	simm.s32 $0x108;
	_ =	swait.ge @!p0 [sflag:s8], $0x0  }
0x24: {  	s3 =	sadd.s32 $0x88, s3;
	s6 =	simm.s32 @!p1 $0x1082;
	[sflag:s4] =	ssyncset.s32 $0xFFFFF086  }
0x25: {  	[simem:s6], [sflag:s4] =	dma.local [hbm:s3], $0xF7A  }
0x26: {  	[smem:$0x3F99] =	sst s1;
	(tag) =	ssettag s2;
	_ =	strace s9  }
0x27: {  	s1 =	sld [smem:$0x3FA9]  }
0x28: {  	s2 =	sld [smem:$0x3FAA]  }
0x29: {  	s4 =	sld [smem:$0x3FAC]  }
0x2a: {  	p0 =	seq.s32 s5, $0x0;
	s5 =	sld [smem:$0x3FAD]  }
0x2b: {  	s6 =	sld [smem:$0x3FAE]  }
0x2c: {  	s7 =	sld [smem:$0x3FAF]  }
0x2d: {  	s3 =	simm.s32 $0x108;
	s8 =	sld [smem:$0x3FB0]  }
0x2e: {  	s3 =	simm.s32 @!p0 $0x1082;
	s9 =	sld [smem:$0x3FB1]  }
0x2f: {  	lr =	sadd.s32 s0, s3;
	s0 =	sld [smem:$0x3FA8]  }
0x30: {  	s3 =	sld [smem:$0x3FAB]  }
0x31: {  	[smem:$0x3FB4] =	sst s10  }
0x32: {  	s10 =	sld [smem:$0x3FB2];
	_ =	sdelay $0x3  }
0x33: {  	p0 =	seq.s32 s10, $0x1;
	s10 =	sld [smem:$0x3FB4];
	_ =	sdelay $0x3  }
0x34: {  	[smem:$0x3FB4] =	sst s10  }
0x35: {  	s10 =	sld [smem:$0x3FB3];
	_ =	sdelay $0x3  }
0x36: {  	p1 =	seq.s32 s10, $0x1;
	s10 =	sld [smem:$0x3FB4];
	_ =	sdelay $0x3  }
0x37: {  	[smem:$0x3FB4] =	sst s10  }
0x38: {  	s10 =	sld [smem:$0x3FB5]  }
0x39: {  	_ = 	snop;
	(pc) =	sbr.ind lr, $3  }
0x3a: {  	_ = 	snop  }
0x3b: {  	_ = 	snop  }
0x3c: {  	p2 =	seq.s32 s10, $0x1;
	s10 =	sld [smem:$0x3FB4]  }
0x3d: {  	_ =	shalt  }
0x3e: {  	_ =	shalt  }
0x3f: {  	_ =	shalt  }
0x40: {  	_ =	shalt  }
0x41: {  	_ =	shalt  }
0x42: {  	_ =	shalt  }
0x43: {  	_ =	shalt  }
0x44: {  	_ =	shalt  }
0x45: {  	_ =	shalt  }
0x46: {  	_ =	shalt  }
0x47: {  	_ =	shalt  }
0x48: {  	_ =	shalt  }
0x49: {  	_ =	shalt  }
0x4a: {  	_ =	shalt  }
0x4b: {  	_ =	shalt  }
0x4c: {  	_ =	shalt  }
0x4d: {  	_ =	shalt  }
0x4e: {  	_ =	shalt  }
0x4f: {  	_ =	shalt  }
0x50: {  	_ =	shalt  }
0x51: {  	_ =	shalt  }
0x52: {  	_ =	shalt  }
0x53: {  	_ =	shalt  }
0x54: {  	_ =	shalt  }
0x55: {  	_ =	shalt  }
0x56: {  	_ =	shalt  }
0x57: {  	_ =	shalt  }
0x58: {  	_ =	shalt  }
0x59: {  	_ =	shalt  }
0x5a: {  	_ =	shalt  }
0x5b: {  	_ =	shalt  }
0x5c: {  	_ =	shalt  }
0x5d: {  	_ =	shalt  }
0x5e: {  	_ =	shalt  }
0x5f: {  	_ =	shalt  }
0x60: {  	_ =	shalt  }
0x61: {  	_ =	shalt  }
0x62: {  	_ =	shalt  }
0x63: {  	_ =	shalt  }
0x64: {  	_ =	shalt  }
0x65: {  	_ =	shalt  }
0x66: {  	_ =	shalt  }
0x67: {  	_ =	shalt  }
0x68: {  	_ =	shalt  }
0x69: {  	_ =	shalt  }
0x6a: {  	_ =	shalt  }
0x6b: {  	_ =	shalt  }
0x6c: {  	_ =	shalt  }
0x6d: {  	_ =	shalt  }
0x6e: {  	_ =	shalt  }
0x6f: {  	_ =	shalt  }
0x70: {  	_ =	shalt  }
0x71: {  	_ =	shalt  }
0x72: {  	_ =	shalt  }
0x73: {  	_ =	shalt  }
0x74: {  	_ =	shalt  }
0x75: {  	_ =	shalt  }
0x76: {  	_ =	shalt  }
0x77: {  	_ =	shalt  }
0x78: {  	_ =	shalt  }
0x79: {  	_ =	shalt  }
0x7a: {  	_ =	shalt  }
0x7b: {  	_ =	shalt  }
0x7c: {  	_ =	shalt  }
0x7d: {  	_ =	shalt  }
0x7e: {  	_ =	shalt  }
0x7f: {  	_ =	shalt  }
0x80: {  	_ =	shalt  }
0x81: {  	_ =	shalt  }
0x82: {  	_ =	shalt  }
0x83: {  	_ =	shalt  }
0x84: {  	_ =	shalt  }
0x85: {  	_ =	shalt  }
0x86: {  	_ =	shalt  }
0x87: {  	_ =	shalt  }
.Lfunc_end0:
.L_simem_size_0:
called_computation.3_lowered:
.L_overlay_start_0:
0x88: {  	s2 =	sld [smem:$0x3FD9]  }
0x89: {  	s3 =	sld [smem:$0x3FFE];
	_ =	sdelay $0x1  }
0x8a: {  	s1 =	srdreg.scid  }
0x8b: {  	s0 =	sand.u32 $0x1, s1  }
0x8c: {  	s17 =	sshll.u32 s0, $0xA;
	s2 =	sadd.s32 s3, s2  }
0x8d: {  	s2 =	sadd.s32 s2, s17  }
0x8e: {  	[smem:$0x3FC0] =	sst s2  }
0x8f: {  	_ = 	snop  }
0x90: {  	s2 =	sld [smem:$0x3FD0];
	(tm) =	ssettm $0x1  }
0x91: {  	s18 =	sld [smem:$0x3FFB];
	_ =	sdelay $0x3  }
0x92: {  	_ =	strace s18  }
0x93: {  	s3 =	sld [smem:$0x3FFC];
	_ =	sdelay $0x3  }
0x94: {  	_ =	strace s3  }
0x95: {  	s3 =	sld [smem:$0x3FFD];
	_ =	sdelay $0x3  }
0x96: {  	_ =	strace s3  }
0x97: {  	_ =	strace $0x8FFFFFFF  }
0x98: {  	s19 =	sld [smem:$0x3FDB];
	_ =	sdelay $0x1  }
0x99: {  	s4 =	simm.s32 $_scs_section_size  }
0x9a: {  	s5 =	simm.s32 $_size__tile_overlayer_lowered;
	s6 =	simm.s32 $_tile_overlayer_lowered  }
0x9b: {  	s22 =	simm.s32 $0x1BFF;
	s21 =	sshll.u32 s6, $0x1;
	s3 =	sadd.s32 s4, s19  }
0x9c: {  	s7 =	simm.s32 $0x0;
	s20 =	sshll.u32 s5, $0x1;
	s5 =	sadd.s32 s21, s3  }
0x9d: {  	[timem:s7], [sflag:s22] =	dma.local [hbm:s5], s20  }
0x9e: {  	_ =	swait.ge [sflag:s22], s20  }
0x9f: {  	s4 =	ssub.s32 $0x0, s20;
	[sflag:s22] =	ssyncset.done $0x0  }
0xa0: {  	[sflag:s22] =	ssyncadd.s32 s4;
	_ =	sdelay $0x1  }
0xa1: {  	s23 =	simm.s32 $0x1B8B  }
0xa2: {  	_ =	swait.ge [sflag:s23], $0x1  }
0xa3: {  	[sflag:s23] =	ssyncset.done $0x0  }
0xa4: {  	s25 =	simm.s32 $0x1B8E;
	s24 =	sld [smem:$0x3FFE];
	[sflag:s23] =	ssyncadd.s32 $0xFFFFFFFF  }
0xa5: {  	s26 =	simm.s32 $execute0_lowered;
	[smem:$0x3FD2] =	sst s25  }
0xa6: {  	s5 =	sshll.u32 s26, $0x1;
	_ =	strace $0x8000004F;
	[dreg:$0x1] =	wrdreg $0xFFFFFFFF  }
0xa7: {  	s28 =	simm.s32 $_size_execute0_lowered;
	s3 =	sadd.s32 s3, s5;
	[dreg:$0x0] =	wrdreg $0x0  }
0xa8: {  	s5 =	sshll.u32 s28, $0x1;
	[dreg:$0x2] =	wrdreg s3  }
0xa9: {  	[dreg:$0x3] =	wrdreg s5  }
0xaa: {  	[dreg:$0x4] =	wrdreg $0xC0  }
0xab: {  	_ =	task [dreg:s7], $0x5FFFF  }
0xac: {  	[dreg:$0x1] =	wrdreg $0xFFFFFFFF  }
0xad: {  	[dreg:$0x0] =	wrdreg $0x60  }
0xae: {  	[dreg:$0x2] =	wrdreg s24  }
0xaf: {  	[dreg:$0x3] =	wrdreg s2  }
0xb0: {  	[dreg:$0x4] =	wrdreg $0x84000  }
0xb1: {  	[dreg:$0x5] =	wrdreg $0x9  }
0xb2: {  	_ =	task.clear_ibuf [dreg:s7], $0x6FFFF;
	_ =	strace $0x9000004F  }
0xb3: {  	s29 =	simm.s32 $0x9;
	_ =	strace $0x80000051  }
0xb4: {  	_ =	swait.ge [sflag:s29], $0x1  }
0xb5: {  	[sflag:s29] =	ssyncadd.s32 $0xFFFFFFFF  }
0xb6: {  	_ =	strace $0x90000051  }
0xb7: {  	_ =	sfence  }
0xb8: {  	s30 =	sld [smem:$0x0];
	_ =	sdelay $0x2  }
0xb9: {  	s31 =	sshll.u32 s1, $0xD;
	s1 =	sshrl.u32 s1, $0x2  }
0xba: {  	s3 =	sand.u32 $0x4000, s31;
	s1 =	sadd.s32 s1, s30  }
0xbb: {  	s0 =	sor.u32 s3, s0;
	s1 =	sshll.u32 s1, $0x11  }
0xbc: {  	s0 =	sor.u32 s1, s0  }
0xbd: {  	s0 =	sadd.s32 $0x8F2B, s0  }
0xbe: {  	[sflag:s0] =	ssyncadd.remote.s32 $0x1  }
0xbf: {  	_ =	sfence.sel $0xFFFF  }
0xc0: {  	[dreg:$0x0] =	wrdreg $0xFFFFFFFF;
	(pc) =	sbr.abs _section_cstart, $3  }
0xc1: {  	[dreg:$0x1] =	wrdreg $0xFFFFFFFF  }
0xc2: {  	_ =	task.clear_ibuf [dreg:s7], $0x2FFFF;
	_ =	strace $0x9FFFFFFF  }
0xc3: {  	(tm) =	ssettm $0x7FFFFFFF  }
tec
execute0_lowered:
.L_overlay_start_1:
0x0: {  	(tag) =	ssettag $0x1  }
0x1: {  	s6 =	rddreg [dreg:$0x0]  }
0x2: {  	s2 =	rddreg [dreg:$0x1]  }
0x3: {  	s3 =	rddreg [dreg:$0x2]  }
0x4: {  	s0 =	stileid.u32;
	s5 =	srdreg.scid;
	s4 =	simm.s32 $0x0  }
0x5: {  	s16 =	simm.s32 $0x400;
	s17 =	simm.s32 $0x1;
	s18 =	simm.s32 $0x3  }
0x6: {  	s19 =	simm.s32 $0x4400;
	s20 =	simm.s32 $0x2;
	s21 =	simm.s32 $0x300  }
0x7: {  	s22 =	simm.s32 $0x280;
	s23 =	simm.s32 $0x380;
	s7 =	smul.u32 $0x2800, s0  }
0x8: {  	s24 =	simm.s32 $0x0;
	s8 =	sand.u32 $0x1, s5;
	s12 =	smul.u32 $0x50000, s0  }
0x9: {  	[smem:$0x7FF] =	sst s4;
	s5 =	sadd.s32 $0x1E00, s6;
	s15 =	smul.u32 $0x5000, s0  }
0xa: {  	s31 =	sshll.u32 s0, $0x6;
	s9 =	smul.u32 $0x28000, s8;
	_ =	strace $0x80000050  }
0xb: {  	s26 =	sshll.u32 s8, $0x4;
	s11 =	ssub.s32 $0x2, s8;
	s30 =	smul.u32 $0x50000, s8  }
0xc: {  	s10 =	sadd.s32 s7, s6;
	s28 =	sshrl.u32 s11, $0x1;
	s29 =	sshrl.u32 s12, $0x2  }
0xd: {  	s7 =	sadd.s32 s7, s9;
	s9 =	sor.u32 s0, s26;
	s11 =	ssub.s32 s11, s28  }
0xe: {  	s14 =	sadd.s32 s29, s3;
	s12 =	sadd.s32 s15, s30;
	s15 =	simm.s32 $0x80  }
0xf: {  	s13 =	sadd.s32 s7, s6;
	s9 =	smul.u32 $0xA00, s9;
	s6 =	sadd.s32 $0x51E00, s10  }
0x10: {  	s7 =	sor.u32 $0x1C04, s31;
	s11 =	smax.u32 s11, $0x1;
	[dreg:$0x4] =	wrdreg s12  }
0x11: {  	s12 =	sshrl.u32 s14, $0x3;
	s14 =	simm.s32 $0x100;
	s8 =	sadd.s32 s2, s9  }
0x12: {  	s10 =	sadd.s32 $0x79E00, s13;
	s13 =	simm.s32 $0x4;
	s9 =	sadd.s32 $0x20, s8  }
.LBB2_1:
0x13: {  	[spmem:s12], [sflag:s7] =	dma.local [hbm:s6], $0x2800  }
0x14: {  	_ =	swait.ge [sflag:s13], $0x2800  }
0x15: {  	[sflag:s13] =	ssyncset.done $0x0  }
0x16: {  	[sflag:s13] =	ssyncadd.s32 $0xFFFFD800  }
0x17: {  	[bflag:$0x0] =	sbarrier.arrive $0xFFFF  }
0x18: {  	[tilespmem:s4], [sflag:$0x4] =	stream.linear.gather [hbm4b:s8+s4], $0x100, $0x38;
	[tilespmem:$0x1C400] =	vst v63  }
0x19: {  	_ =	swait.ge [sflag:s13], $0x100  }
0x1a: {  	[sflag:s13] =	ssyncset.done $0x0  }
0x1b: {  	[sflag:s13] =	ssyncadd.s32 $0xFFFFFF00  }
0x1c: {  	[tilespmem:s14], [sflag:$0x3] =	stream.linear.gather [hbm4b:s9+s4], $0x100, $0x38;
	[tilespmem:$0x1C400] =	vst v63  }
0x1d: {  	_ = 	snop  }
0x1e: {  	[tilespmem:s16], [sflag:$0x1] =	stream.indirect.gather [hbm4b:s5+s15], $0x80, s4, s15, $0xb8;
	[tilespmem:$0x1C400] =	vst v63  }
0x1f: {  	_ =	swait.ge [sflag:s17], $0x4000  }
0x20: {  	[sflag:s17] =	ssyncset.done $0x0  }
0x21: {  	[sflag:s17] =	ssyncadd.s32 $0xFFFFC000  }
0x22: {  	s25 =	simm.s32 $0x0;
	_ =	swait.ge [sflag:s18], $0x100  }
0x23: {  	s26 =	sand.u32 $0x200, s25;
	[sflag:s18] =	ssyncset.done $0x0  }
0x24: {  	s28 =	sor.u32 $0x100, s26;
	s1 =	rddreg [dreg:$0x4];
	[sflag:s18] =	ssyncadd.s32 $0xFFFFFF00  }
0x25: {  	[tilespmem:s19], [sflag:$0x2] =	stream.indirect.gather [hbm4b:s5+s15], $0x80, s28, s15, $0xb8;
	[tilespmem:$0x1C400] =	vst v63  }
0x26: {  	s28 =	sadd.s32 $0x300, s1  }
0x27: {  	s31 =	simm.s32 $0x200;
	s29 =	sadd.s32 $0xFFFFFF00, s28  }
0x28: {  	s25 =	sand.u32 $0x200, s31;
	s29 =	sand.u32 $0x1FFC00, s29  }
0x29: {  	s29 =	sor.u32 s25, s29;
	s25 =	simm.s32 $0x800  }
0x2a: {  	s30 =	sand.u32 $0x800, s25;
	s29 =	sshrl.u32 s29, $0x3  }
0x2b: {  	s30 =	sshrl.u32 s30, $0x2;
	s29 =	sadd.s32 s2, s29  }
0x2c: {  	[tilespmem:s30], [sflag:$0x3] =	stream.linear.gather [hbm4b:s29+s4], $0x100, $0x38;
	[tilespmem:$0x1C400] =	vst v63  }
0x2d: {  	s29 =	sor.u32 $0x80, s26  }
0x2e: {  	[spmem:s3] =	stream.indirect.scatter.add.f32 [tilespmem:s16], [sflag:$0x4], $0x80, s29, s15, $0xb8;
	[tilespmem:$0x1C400] =	vst v63  }
0x2f: {  	_ =	swait.ge [sflag:s13], $0x4000  }
0x30: {  	[sflag:s13] =	ssyncset.done $0x0  }
0x31: {  	[sflag:s13] =	ssyncadd.s32 $0xFFFFC000  }
0x32: {  	_ =	swait.ge [sflag:s20], $0x4000  }
0x33: {  	[sflag:s20] =	ssyncset.done $0x0  }
0x34: {  	[sflag:s20] =	ssyncadd.s32 $0xFFFFC000  }
0x35: {  	_ =	swait.ge [sflag:s18], $0x100  }
0x36: {  	s28 =	sand.u32 $0x1FFC00, s28;
	s29 =	sand.u32 $0x300, s21;
	[sflag:s18] =	ssyncset.done $0x0  }
0x37: {  	s28 =	sor.u32 s29, s28;
	[sflag:s18] =	ssyncadd.s32 $0xFFFFFF00  }
0x38: {  	[tilespmem:s16], [sflag:$0x1] =	stream.indirect.gather [hbm4b:s5+s15], $0x80, s30, s15, $0xb8;
	[tilespmem:$0x1C400] =	vst v63  }
0x39: {  	s29 =	sshrl.u32 s28, $0x3;
	s30 =	simm.s32 $0xC00  }
0x3a: {  	s28 =	simm.s32 $0x500;
	s29 =	sadd.s32 s2, s29;
	s30 =	sand.u32 $0xC00, s30  }
.LBB2_2:
0x3b: {  	s30 =	sshrl.u32 s30, $0x2  }
0x3c: {  	[tilespmem:s30], [sflag:$0x3] =	stream.linear.gather [hbm4b:s29+s4], $0x100, $0x38;
	[tilespmem:$0x1C400] =	vst v63  }
0x3d: {  	s26 =	sor.u32 $0x180, s26  }
0x3e: {  	[spmem:s3] =	stream.indirect.scatter.add.f32 [tilespmem:s19], [sflag:$0x4], $0x80, s26, s15, $0xb8;
	[tilespmem:$0x1C400] =	vst v63  }
0x3f: {  	_ =	swait.ge [sflag:s13], $0x4000  }
0x40: {  	[sflag:s13] =	ssyncset.done $0x0  }
0x41: {  	[sflag:s13] =	ssyncadd.s32 $0xFFFFC000  }
0x42: {  	_ =	swait.ge [sflag:s17], $0x4000  }
0x43: {  	[sflag:s17] =	ssyncset.done $0x0  }
0x44: {  	[sflag:s17] =	ssyncadd.s32 $0xFFFFC000  }
0x45: {  	s1 =	sshrl.u32 s25, $0x2;
	_ =	swait.ge [sflag:s18], $0x100  }
0x46: {  	s30 =	smov.u32 s28;
	s26 =	sand.u32 $0x200, s1;
	[sflag:s18] =	ssyncset.done $0x0  }
0x47: {  	s0 =	sor.u32 $0x100, s26;
	s31 =	rddreg [dreg:$0x4];
	[sflag:s18] =	ssyncadd.s32 $0xFFFFFF00  }
0x48: {  	[tilespmem:s19], [sflag:$0x2] =	stream.indirect.gather [hbm4b:s5+s15], $0x80, s0, s15, $0xb8;
	[tilespmem:$0x1C400] =	vst v63  }
0x49: {  	s0 =	sadd.s32 s30, s31  }
0x4a: {  	s31 =	sand.u32 $0x300, s30;
	s30 =	sadd.s32 $0xFFFFFF00, s30;
	s1 =	sadd.s32 $0xFFFFFF00, s0  }
0x4b: {  	s30 =	sand.u32 $0x200, s30;
	s1 =	sand.u32 $0x1FFC00, s1  }
0x4c: {  	s29 =	smov.u32 s25;
	s25 =	sadd.s32 $0x800, s25;
	s1 =	sor.u32 s30, s1  }
0x4d: {  	s30 =	sand.u32 $0x800, s25;
	s1 =	sshrl.u32 s1, $0x3  }
0x4e: {  	s0 =	sand.u32 $0x1FFC00, s0;
	s30 =	sshrl.u32 s30, $0x2;
	s1 =	sadd.s32 s2, s1  }
0x4f: {  	[tilespmem:s30], [sflag:$0x3] =	stream.linear.gather [hbm4b:s1+s4], $0x100, $0x38;
	[tilespmem:$0x1C400] =	vst v63  }
0x50: {  	s0 =	sor.u32 s31, s0;
	s31 =	sor.u32 $0x80, s26  }
0x51: {  	[spmem:s3] =	stream.indirect.scatter.add.f32 [tilespmem:s16], [sflag:$0x4], $0x80, s31, s15, $0xb8;
	[tilespmem:$0x1C400] =	vst v63  }
0x52: {  	_ =	swait.ge [sflag:s13], $0x4000  }
0x53: {  	[sflag:s13] =	ssyncset.done $0x0  }
0x54: {  	[sflag:s13] =	ssyncadd.s32 $0xFFFFC000  }
0x55: {  	_ =	swait.ge [sflag:s20], $0x4000  }
0x56: {  	[sflag:s20] =	ssyncset.done $0x0  }
0x57: {  	p0 =	sne.s32 s28, $0x4F00;
	[sflag:s20] =	ssyncadd.s32 $0xFFFFC000  }
.Ltmp0:
0x58: {  	_ =	swait.ge [sflag:s18], $0x100;
	(pc) =	sbr.rel @p0 .LBB2_2-.Ltmp0, $4  }
0x59: {  	[sflag:s18] =	ssyncset.done $0x0  }
0x5a: {  	s0 =	sshrl.u32 s0, $0x3;
	s31 =	sadd.s32 $0xC00, s29;
	[sflag:s18] =	ssyncadd.s32 $0xFFFFFF00  }
0x5b: {  	[tilespmem:s16], [sflag:$0x1] =	stream.indirect.gather [hbm4b:s5+s15], $0x80, s30, s15, $0xb8;
	[tilespmem:$0x1C400] =	vst v63  }
0x5c: {  	s28 =	sadd.s32 $0x200, s28;
	s29 =	sadd.s32 s2, s0;
	s30 =	sand.u32 $0xC00, s31  }
0x5d: {  	s0 =	sshrl.u32 s30, $0x2  }
0x5e: {  	[tilespmem:s0], [sflag:$0x3] =	stream.linear.gather [hbm4b:s29+s4], $0x100, $0x38;
	[tilespmem:$0x1C400] =	vst v63  }
0x5f: {  	s31 =	sor.u32 $0x180, s26  }
0x60: {  	[spmem:s3] =	stream.indirect.scatter.add.f32 [tilespmem:s19], [sflag:$0x4], $0x80, s31, s15, $0xb8;
	[tilespmem:$0x1C400] =	vst v63  }
0x61: {  	_ =	swait.ge [sflag:s13], $0x4000  }
0x62: {  	[sflag:s13] =	ssyncset.done $0x0  }
0x63: {  	[sflag:s13] =	ssyncadd.s32 $0xFFFFC000  }
0x64: {  	_ =	swait.ge [sflag:s17], $0x4000  }
0x65: {  	[sflag:s17] =	ssyncset.done $0x0  }
0x66: {  	[sflag:s17] =	ssyncadd.s32 $0xFFFFC000  }
0x67: {  	_ =	swait.ge [sflag:s18], $0x100  }
0x68: {  	[sflag:s18] =	ssyncset.done $0x0  }
0x69: {  	[sflag:s18] =	ssyncadd.s32 $0xFFFFFF00  }
0x6a: {  	[tilespmem:s19], [sflag:$0x2] =	stream.indirect.gather [hbm4b:s5+s15], $0x80, s21, s15, $0xb8;
	[tilespmem:$0x1C400] =	vst v63  }
0x6b: {  	_ = 	snop  }
0x6c: {  	[spmem:s3] =	stream.indirect.scatter.add.f32 [tilespmem:s16], [sflag:$0x4], $0x80, s22, s15, $0xb8;
	[tilespmem:$0x1C400] =	vst v63  }
0x6d: {  	_ =	swait.ge [sflag:s13], $0x4000  }
0x6e: {  	[sflag:s13] =	ssyncset.done $0x0  }
0x6f: {  	[sflag:s13] =	ssyncadd.s32 $0xFFFFC000  }
0x70: {  	_ =	swait.ge [sflag:s20], $0x4000  }
0x71: {  	[sflag:s20] =	ssyncset.done $0x0  }
0x72: {  	[sflag:s20] =	ssyncadd.s32 $0xFFFFC000  }
0x73: {  	[spmem:s3] =	stream.indirect.scatter.add.f32 [tilespmem:s19], [sflag:$0x4], $0x80, s23, s15, $0xb8;
	[tilespmem:$0x1C400] =	vst v63  }
0x74: {  	_ =	swait.ge [sflag:s13], $0x4000  }
0x75: {  	s24 =	sadd.s32 $0x1, s24;
	[sflag:s13] =	ssyncset.done $0x0  }
0x76: {  	p0 =	sne.s32 s24, s11;
	[sflag:s13] =	ssyncadd.s32 $0xFFFFC000  }
.Ltmp1:
0x77: {  	[bflag:$0x0] =	sbarrier.arrive $0xFFFF;
	(pc) =	sbr.rel @p0 .LBB2_1-.Ltmp1, $4  }
0x78: {  	[hbm:s10], [sflag:s7] =	dma.local [spmem:s12], $0x2800  }
0x79: {  	_ =	swait.ge [sflag:s13], $0x2800  }
0x7a: {  	[sflag:s13] =	ssyncset.done $0x0  }
0x7b: {  	[sflag:s13] =	ssyncadd.s32 $0xFFFFD800  }
0x7c: {  	_ =	sfence.sel $0x180000  }
0x7d: {  	[bflag:$0x0] =	sbarrier.arrive $0xFFFF  }
0x7e: {  	_ =	strace $0x90000050  }
0x7f: {  	s0 =	stileid.u32;
	[bflag:$0x2] =	sbarrier.arrive $0xFFFF  }
0x80: {  	p0 =	sne.s32 s0, $0x0;
	s0 =	rddreg [dreg:$0x3]  }
0x81: {  	s0 =	sadd.s32 @!p0 $0x100000, s0  }
0x82: {  	[sflag:s0] =	ssyncadd.tile.s32 @!p0 $0x1;
	_ =	shalt  }
.Lfunc_end2:
_tile_overlayer_lowered:
.L_overlay_start_2:
0x83: {  	(tag) =	ssettag $0x2  }
0x84: {  	s0 =	rddreg [dreg:$0x0];
	s2 =	stileid.u32  }
0x85: {  	s1 =	rddreg [dreg:$0x1];
	p0 =	sne.s32 s2, $0x0  }
0x86: {  	s3 =	rddreg [dreg:$0x2];
	[bflag:$0x3] =	sbarrier.arrive $0xFFFF;
	s2 =	simm.s32 @!p0 $0x1C04  }
0x87: {  	[timem:s3], [sflag:s2] =	dma.local @!p0 [hbm:s0], s1  }
0x88: {  	s0 =	simm.s32 @!p0 $0x4  }
0x89: {  	_ =	swait.ge @!p0 [sflag:s0], s1  }
0x8a: {  	s1 =	ssub.s32 @!p0 $0x0, s1;
	[sflag:s0] =	ssyncset.done @!p0 $0x0  }
0x8b: {  	[sflag:s0] =	ssyncadd.s32 @!p0 s1  }
0x8c: {  	[bflag:$0x3] =	sbarrier.arrive $0xFFFF  }
0x8d: {  	_ =	shalt  }

// kernel: gin_agg.5.cloned.1.call-start
scs
__scs_entry_jumppad:
0x0: {  	(pc) =	sbr.rel $0x88, $3  }
0x1: {  	(tag) =	ssettag $0x0;
	lr =	simm.s32 $0x1  }
0x2: {  	[smem:$0x3F99] =	sst lr;
	_ =	strace $0xD0000000  }
0x3: {  	_ = 	snop  }
0x4: {  	_ = 	snop  }
0x5: {  	_ = 	snop  }
0x6: {  	_ = 	snop  }
0x7: {  	_ = 	snop  }
__scs_overlays_trampoline_lowered:
0x8: {  	[smem:$0x3FA8] =	sst s0  }
0x9: {  	[smem:$0x3FA9] =	sst s1  }
0xa: {  	[smem:$0x3FAA] =	sst s2  }
0xb: {  	[smem:$0x3FAB] =	sst s3  }
0xc: {  	[smem:$0x3FAC] =	sst s4  }
0xd: {  	[smem:$0x3FAD] =	sst s5  }
0xe: {  	[smem:$0x3FAE] =	sst s6  }
0xf: {  	[smem:$0x3FAF] =	sst s7  }
0x10: {  	[smem:$0x3FB0] =	sst s8  }
0x11: {  	[smem:$0x3FB1] =	sst s9;
	s0 =	simm.s32 @!p0 $0x0  }
0x12: {  	s1 =	sld [smem:$0x3F97];
	s0 =	simm.s32 @p0 $0x1  }
0x13: {  	[smem:$0x3FB2] =	sst s0;
	s0 =	simm.s32 @!p1 $0x0  }
0x14: {  	s2 =	sld [smem:$0x3F96];
	s0 =	simm.s32 @p1 $0x1  }
0x15: {  	[smem:$0x3FB3] =	sst s0;
	s0 =	simm.s32 @!p2 $0x0  }
0x16: {  	s3 =	sld [smem:$0x3FDB];
	s0 =	simm.s32 @p2 $0x1  }
0x17: {  	s4 =	simm.s32 $0x1BF5;
	[smem:$0x3FB5] =	sst s0  }
0x18: {  	s0 =	sld [smem:$0x3F98];
	_ =	swait.ge [sflag:s4], $0x0  }
0x19: {  	s7 =	sld [smem:$0x3F99]  }
0x1a: {  	s8 =	sadd.s32 $0xFFFFE003, lr  }
0x1b: {  	s9 =	sadd.s32 $0xFFFFFEF7, lr;
	s5 =	simm.s32 $0xFFFFFFFF;
	p2 =	slt.u32 s8, $0xFFFFF086  }
0x1c: {  	p1 =	slt.u32 s9, $0xF7A;
	s5 =	simm.s32 @!p2 $0x0  }
0x1d: {  	s5 =	simm.s32 @p1 $0x1;
	p0 =	seq.s32 s7, s2  }
0x1e: {  	s7 =	smul.u32 @!p0 $0xF7A, s2;
	p2 =	seq.s32 @!p0 s5, $0x0  }
0x1f: {  	s9 =	smul.u32 $0xF7A, s1;
	s8 =	simm.s32 @!p0 $0x1BF5;
	p2 =	por !p2, p0  }
0x20: {  	[sflag:s8] =	ssyncset.s32 @!p0 $0xFFFFF086;
	s6 =	sadd.s32 @!p0 s3, s7;
	s7 =	simm.s32 @!p0 $0x108  }
0x21: {  	s3 =	sadd.s32 s3, s9;
	s6 =	sadd.s32 @!p0 $0x88, s6;
	s7 =	simm.s32 @p2 $0x1082  }
0x22: {  	[simem:s7], [sflag:s8] =	dma.local @!p0 [hbm:s6], $0xF7A  }
0x23: {  	s9 =	sor.u32 $0xD0000000, s2;
	s6 =	simm.s32 $0x108;
	_ =	swait.ge @!p0 [sflag:s8], $0x0  }
0x24: {  	s3 =	sadd.s32 $0x88, s3;
	s6 =	simm.s32 @!p1 $0x1082;
	[sflag:s4] =	ssyncset.s32 $0xFFFFF086  }
0x25: {  	[simem:s6], [sflag:s4] =	dma.local [hbm:s3], $0xF7A  }
0x26: {  	[smem:$0x3F99] =	sst s1;
	(tag) =	ssettag s2;
	_ =	strace s9  }
0x27: {  	s1 =	sld [smem:$0x3FA9]  }
0x28: {  	s2 =	sld [smem:$0x3FAA]  }
0x29: {  	s4 =	sld [smem:$0x3FAC]  }
0x2a: {  	p0 =	seq.s32 s5, $0x0;
	s5 =	sld [smem:$0x3FAD]  }
0x2b: {  	s6 =	sld [smem:$0x3FAE]  }
0x2c: {  	s7 =	sld [smem:$0x3FAF]  }
0x2d: {  	s3 =	simm.s32 $0x108;
	s8 =	sld [smem:$0x3FB0]  }
0x2e: {  	s3 =	simm.s32 @!p0 $0x1082;
	s9 =	sld [smem:$0x3FB1]  }
0x2f: {  	lr =	sadd.s32 s0, s3;
	s0 =	sld [smem:$0x3FA8]  }
0x30: {  	s3 =	sld [smem:$0x3FAB]  }
0x31: {  	[smem:$0x3FB4] =	sst s10  }
0x32: {  	s10 =	sld [smem:$0x3FB2];
	_ =	sdelay $0x3  }
0x33: {  	p0 =	seq.s32 s10, $0x1;
	s10 =	sld [smem:$0x3FB4];
	_ =	sdelay $0x3  }
0x34: {  	[smem:$0x3FB4] =	sst s10  }
0x35: {  	s10 =	sld [smem:$0x3FB3];
	_ =	sdelay $0x3  }
0x36: {  	p1 =	seq.s32 s10, $0x1;
	s10 =	sld [smem:$0x3FB4];
	_ =	sdelay $0x3  }
0x37: {  	[smem:$0x3FB4] =	sst s10  }
0x38: {  	s10 =	sld [smem:$0x3FB5]  }
0x39: {  	_ = 	snop;
	(pc) =	sbr.ind lr, $3  }
0x3a: {  	_ = 	snop  }
0x3b: {  	_ = 	snop  }
0x3c: {  	p2 =	seq.s32 s10, $0x1;
	s10 =	sld [smem:$0x3FB4]  }
0x3d: {  	_ =	shalt  }
0x3e: {  	_ =	shalt  }
0x3f: {  	_ =	shalt  }
0x40: {  	_ =	shalt  }
0x41: {  	_ =	shalt  }
0x42: {  	_ =	shalt  }
0x43: {  	_ =	shalt  }
0x44: {  	_ =	shalt  }
0x45: {  	_ =	shalt  }
0x46: {  	_ =	shalt  }
0x47: {  	_ =	shalt  }
0x48: {  	_ =	shalt  }
0x49: {  	_ =	shalt  }
0x4a: {  	_ =	shalt  }
0x4b: {  	_ =	shalt  }
0x4c: {  	_ =	shalt  }
0x4d: {  	_ =	shalt  }
0x4e: {  	_ =	shalt  }
0x4f: {  	_ =	shalt  }
0x50: {  	_ =	shalt  }
0x51: {  	_ =	shalt  }
0x52: {  	_ =	shalt  }
0x53: {  	_ =	shalt  }
0x54: {  	_ =	shalt  }
0x55: {  	_ =	shalt  }
0x56: {  	_ =	shalt  }
0x57: {  	_ =	shalt  }
0x58: {  	_ =	shalt  }
0x59: {  	_ =	shalt  }
0x5a: {  	_ =	shalt  }
0x5b: {  	_ =	shalt  }
0x5c: {  	_ =	shalt  }
0x5d: {  	_ =	shalt  }
0x5e: {  	_ =	shalt  }
0x5f: {  	_ =	shalt  }
0x60: {  	_ =	shalt  }
0x61: {  	_ =	shalt  }
0x62: {  	_ =	shalt  }
0x63: {  	_ =	shalt  }
0x64: {  	_ =	shalt  }
0x65: {  	_ =	shalt  }
0x66: {  	_ =	shalt  }
0x67: {  	_ =	shalt  }
0x68: {  	_ =	shalt  }
0x69: {  	_ =	shalt  }
0x6a: {  	_ =	shalt  }
0x6b: {  	_ =	shalt  }
0x6c: {  	_ =	shalt  }
0x6d: {  	_ =	shalt  }
0x6e: {  	_ =	shalt  }
0x6f: {  	_ =	shalt  }
0x70: {  	_ =	shalt  }
0x71: {  	_ =	shalt  }
0x72: {  	_ =	shalt  }
0x73: {  	_ =	shalt  }
0x74: {  	_ =	shalt  }
0x75: {  	_ =	shalt  }
0x76: {  	_ =	shalt  }
0x77: {  	_ =	shalt  }
0x78: {  	_ =	shalt  }
0x79: {  	_ =	shalt  }
0x7a: {  	_ =	shalt  }
0x7b: {  	_ =	shalt  }
0x7c: {  	_ =	shalt  }
0x7d: {  	_ =	shalt  }
0x7e: {  	_ =	shalt  }
0x7f: {  	_ =	shalt  }
0x80: {  	_ =	shalt  }
0x81: {  	_ =	shalt  }
0x82: {  	_ =	shalt  }
0x83: {  	_ =	shalt  }
0x84: {  	_ =	shalt  }
0x85: {  	_ =	shalt  }
0x86: {  	_ =	shalt  }
0x87: {  	_ =	shalt  }
.Lfunc_end0:
.L_simem_size_0:
called_computation.1_lowered:
.L_overlay_start_0:
0x88: {  	s2 =	sld [smem:$0x3FD9]  }
0x89: {  	s3 =	sld [smem:$0x3FFE];
	_ =	sdelay $0x1  }
0x8a: {  	s1 =	srdreg.scid  }
0x8b: {  	s0 =	sand.u32 $0x1, s1  }
0x8c: {  	s17 =	sshll.u32 s0, $0xA;
	s2 =	sadd.s32 s3, s2  }
0x8d: {  	s2 =	sadd.s32 s2, s17  }
0x8e: {  	[smem:$0x3FC0] =	sst s2  }
0x8f: {  	_ = 	snop  }
0x90: {  	s2 =	sld [smem:$0x3FD0];
	(tm) =	ssettm $0x1  }
0x91: {  	s18 =	sld [smem:$0x3FFB];
	_ =	sdelay $0x3  }
0x92: {  	_ =	strace s18  }
0x93: {  	s3 =	sld [smem:$0x3FFC];
	_ =	sdelay $0x3  }
0x94: {  	_ =	strace s3  }
0x95: {  	s3 =	sld [smem:$0x3FFD];
	_ =	sdelay $0x3  }
0x96: {  	_ =	strace s3  }
0x97: {  	_ =	strace $0x8FFFFFFF  }
0x98: {  	s19 =	sld [smem:$0x3FDB];
	_ =	sdelay $0x1  }
0x99: {  	s4 =	simm.s32 $_scs_section_size  }
0x9a: {  	s5 =	simm.s32 $_size__tile_overlayer_lowered;
	s6 =	simm.s32 $_tile_overlayer_lowered  }
0x9b: {  	s22 =	simm.s32 $0x1BFF;
	s21 =	sshll.u32 s6, $0x1;
	s3 =	sadd.s32 s4, s19  }
0x9c: {  	s7 =	simm.s32 $0x0;
	s20 =	sshll.u32 s5, $0x1;
	s5 =	sadd.s32 s21, s3  }
0x9d: {  	[timem:s7], [sflag:s22] =	dma.local [hbm:s5], s20  }
0x9e: {  	_ =	swait.ge [sflag:s22], s20  }
0x9f: {  	s4 =	ssub.s32 $0x0, s20;
	[sflag:s22] =	ssyncset.done $0x0  }
0xa0: {  	[sflag:s22] =	ssyncadd.s32 s4;
	_ =	sdelay $0x1  }
0xa1: {  	s23 =	simm.s32 $0x1B8B  }
0xa2: {  	_ =	swait.ge [sflag:s23], $0x1  }
0xa3: {  	[sflag:s23] =	ssyncset.done $0x0  }
0xa4: {  	s25 =	simm.s32 $0x1B8E;
	s24 =	sld [smem:$0x3FFE];
	[sflag:s23] =	ssyncadd.s32 $0xFFFFFFFF  }
0xa5: {  	s26 =	simm.s32 $execute0_lowered;
	[smem:$0x3FD2] =	sst s25  }
0xa6: {  	s5 =	sshll.u32 s26, $0x1;
	_ =	strace $0x80000046;
	[dreg:$0x1] =	wrdreg $0xFFFFFFFF  }
0xa7: {  	s28 =	simm.s32 $_size_execute0_lowered;
	s3 =	sadd.s32 s3, s5;
	[dreg:$0x0] =	wrdreg $0x0  }
0xa8: {  	s5 =	sshll.u32 s28, $0x1;
	[dreg:$0x2] =	wrdreg s3  }
0xa9: {  	[dreg:$0x3] =	wrdreg s5  }
0xaa: {  	[dreg:$0x4] =	wrdreg $0xC0  }
0xab: {  	_ =	task [dreg:s7], $0x5FFFF  }
0xac: {  	[dreg:$0x1] =	wrdreg $0xFFFFFFFF  }
0xad: {  	[dreg:$0x0] =	wrdreg $0x60  }
0xae: {  	[dreg:$0x2] =	wrdreg s24  }
0xaf: {  	[dreg:$0x3] =	wrdreg s2  }
0xb0: {  	[dreg:$0x4] =	wrdreg $0x84000  }
0xb1: {  	[dreg:$0x5] =	wrdreg $0xA  }
0xb2: {  	_ =	task.clear_ibuf [dreg:s7], $0x6FFFF;
	_ =	strace $0x90000046  }
0xb3: {  	s29 =	simm.s32 $0xA;
	_ =	strace $0x80000048  }
0xb4: {  	_ =	swait.ge [sflag:s29], $0x1  }
0xb5: {  	[sflag:s29] =	ssyncadd.s32 $0xFFFFFFFF  }
0xb6: {  	_ =	strace $0x90000048  }
0xb7: {  	_ =	sfence  }
0xb8: {  	s30 =	sld [smem:$0x0];
	_ =	sdelay $0x2  }
0xb9: {  	s31 =	sshll.u32 s1, $0xD;
	s1 =	sshrl.u32 s1, $0x2  }
0xba: {  	s3 =	sand.u32 $0x4000, s31;
	s1 =	sadd.s32 s1, s30  }
0xbb: {  	s0 =	sor.u32 s3, s0;
	s1 =	sshll.u32 s1, $0x11  }
0xbc: {  	s0 =	sor.u32 s1, s0  }
0xbd: {  	s0 =	sadd.s32 $0x8F2B, s0  }
0xbe: {  	[sflag:s0] =	ssyncadd.remote.s32 $0x1  }
0xbf: {  	_ =	sfence.sel $0xFFFF  }
0xc0: {  	[dreg:$0x0] =	wrdreg $0xFFFFFFFF;
	(pc) =	sbr.abs _section_cstart, $3  }
0xc1: {  	[dreg:$0x1] =	wrdreg $0xFFFFFFFF  }
0xc2: {  	_ =	task.clear_ibuf [dreg:s7], $0x2FFFF;
	_ =	strace $0x9FFFFFFF  }
0xc3: {  	(tm) =	ssettm $0x7FFFFFFF  }
tec
execute0_lowered:
.L_overlay_start_1:
0x0: {  	(tag) =	ssettag $0x1  }
0x1: {  	s6 =	rddreg [dreg:$0x0]  }
0x2: {  	s2 =	rddreg [dreg:$0x1]  }
0x3: {  	s3 =	rddreg [dreg:$0x2]  }
0x4: {  	s0 =	stileid.u32;
	s5 =	srdreg.scid;
	s4 =	simm.s32 $0x0  }
0x5: {  	s16 =	simm.s32 $0x400;
	s17 =	simm.s32 $0x1;
	s18 =	simm.s32 $0x3  }
0x6: {  	s19 =	simm.s32 $0x4400;
	s20 =	simm.s32 $0x2;
	s21 =	simm.s32 $0x300  }
0x7: {  	s22 =	simm.s32 $0x280;
	s23 =	simm.s32 $0x380;
	s7 =	smul.u32 $0x2800, s0  }
0x8: {  	s24 =	simm.s32 $0x0;
	s8 =	sand.u32 $0x1, s5;
	s12 =	smul.u32 $0x50000, s0  }
0x9: {  	[smem:$0x7FF] =	sst s4;
	s5 =	sadd.s32 $0x1E00, s6;
	s15 =	smul.u32 $0x5000, s0  }
0xa: {  	s31 =	sshll.u32 s0, $0x6;
	s9 =	smul.u32 $0x28000, s8;
	_ =	strace $0x80000047  }
0xb: {  	s26 =	sshll.u32 s8, $0x4;
	s11 =	ssub.s32 $0x2, s8;
	s30 =	smul.u32 $0x50000, s8  }
0xc: {  	s10 =	sadd.s32 s7, s6;
	s28 =	sshrl.u32 s11, $0x1;
	s29 =	sshrl.u32 s12, $0x2  }
0xd: {  	s7 =	sadd.s32 s7, s9;
	s9 =	sor.u32 s0, s26;
	s11 =	ssub.s32 s11, s28  }
0xe: {  	s14 =	sadd.s32 s29, s3;
	s12 =	sadd.s32 s15, s30;
	s15 =	simm.s32 $0x80  }
0xf: {  	s13 =	sadd.s32 s7, s6;
	s9 =	smul.u32 $0xA00, s9;
	s6 =	sadd.s32 $0x51E00, s10  }
0x10: {  	s7 =	sor.u32 $0x1C04, s31;
	s11 =	smax.u32 s11, $0x1;
	[dreg:$0x4] =	wrdreg s12  }
0x11: {  	s12 =	sshrl.u32 s14, $0x3;
	s14 =	simm.s32 $0x100;
	s8 =	sadd.s32 s2, s9  }
0x12: {  	s10 =	sadd.s32 $0x79E00, s13;
	s13 =	simm.s32 $0x4;
	s9 =	sadd.s32 $0x20, s8  }
.LBB2_1:
0x13: {  	[spmem:s12], [sflag:s7] =	dma.local [hbm:s6], $0x2800  }
0x14: {  	_ =	swait.ge [sflag:s13], $0x2800  }
0x15: {  	[sflag:s13] =	ssyncset.done $0x0  }
0x16: {  	[sflag:s13] =	ssyncadd.s32 $0xFFFFD800  }
0x17: {  	[bflag:$0x0] =	sbarrier.arrive $0xFFFF  }
0x18: {  	[tilespmem:s4], [sflag:$0x4] =	stream.linear.gather [hbm4b:s8+s4], $0x100, $0x38;
	[tilespmem:$0x1C400] =	vst v63  }
0x19: {  	_ =	swait.ge [sflag:s13], $0x100  }
0x1a: {  	[sflag:s13] =	ssyncset.done $0x0  }
0x1b: {  	[sflag:s13] =	ssyncadd.s32 $0xFFFFFF00  }
0x1c: {  	[tilespmem:s14], [sflag:$0x3] =	stream.linear.gather [hbm4b:s9+s4], $0x100, $0x38;
	[tilespmem:$0x1C400] =	vst v63  }
0x1d: {  	_ = 	snop  }
0x1e: {  	[tilespmem:s16], [sflag:$0x1] =	stream.indirect.gather [hbm4b:s5+s15], $0x80, s4, s15, $0xb8;
	[tilespmem:$0x1C400] =	vst v63  }
0x1f: {  	_ =	swait.ge [sflag:s17], $0x4000  }
0x20: {  	[sflag:s17] =	ssyncset.done $0x0  }
0x21: {  	[sflag:s17] =	ssyncadd.s32 $0xFFFFC000  }
0x22: {  	s25 =	simm.s32 $0x0;
	_ =	swait.ge [sflag:s18], $0x100  }
0x23: {  	s26 =	sand.u32 $0x200, s25;
	[sflag:s18] =	ssyncset.done $0x0  }
0x24: {  	s28 =	sor.u32 $0x100, s26;
	s1 =	rddreg [dreg:$0x4];
	[sflag:s18] =	ssyncadd.s32 $0xFFFFFF00  }
0x25: {  	[tilespmem:s19], [sflag:$0x2] =	stream.indirect.gather [hbm4b:s5+s15], $0x80, s28, s15, $0xb8;
	[tilespmem:$0x1C400] =	vst v63  }
0x26: {  	s28 =	sadd.s32 $0x300, s1  }
0x27: {  	s31 =	simm.s32 $0x200;
	s29 =	sadd.s32 $0xFFFFFF00, s28  }
0x28: {  	s25 =	sand.u32 $0x200, s31;
	s29 =	sand.u32 $0x1FFC00, s29  }
0x29: {  	s29 =	sor.u32 s25, s29;
	s25 =	simm.s32 $0x800  }
0x2a: {  	s30 =	sand.u32 $0x800, s25;
	s29 =	sshrl.u32 s29, $0x3  }
0x2b: {  	s30 =	sshrl.u32 s30, $0x2;
	s29 =	sadd.s32 s2, s29  }
0x2c: {  	[tilespmem:s30], [sflag:$0x3] =	stream.linear.gather [hbm4b:s29+s4], $0x100, $0x38;
	[tilespmem:$0x1C400] =	vst v63  }
0x2d: {  	s29 =	sor.u32 $0x80, s26  }
0x2e: {  	[spmem:s3] =	stream.indirect.scatter.add.f32 [tilespmem:s16], [sflag:$0x4], $0x80, s29, s15, $0xb8;
	[tilespmem:$0x1C400] =	vst v63  }
0x2f: {  	_ =	swait.ge [sflag:s13], $0x4000  }
0x30: {  	[sflag:s13] =	ssyncset.done $0x0  }
0x31: {  	[sflag:s13] =	ssyncadd.s32 $0xFFFFC000  }
0x32: {  	_ =	swait.ge [sflag:s20], $0x4000  }
0x33: {  	[sflag:s20] =	ssyncset.done $0x0  }
0x34: {  	[sflag:s20] =	ssyncadd.s32 $0xFFFFC000  }
0x35: {  	_ =	swait.ge [sflag:s18], $0x100  }
0x36: {  	s28 =	sand.u32 $0x1FFC00, s28;
	s29 =	sand.u32 $0x300, s21;
	[sflag:s18] =	ssyncset.done $0x0  }
0x37: {  	s28 =	sor.u32 s29, s28;
	[sflag:s18] =	ssyncadd.s32 $0xFFFFFF00  }
0x38: {  	[tilespmem:s16], [sflag:$0x1] =	stream.indirect.gather [hbm4b:s5+s15], $0x80, s30, s15, $0xb8;
	[tilespmem:$0x1C400] =	vst v63  }
0x39: {  	s29 =	sshrl.u32 s28, $0x3;
	s30 =	simm.s32 $0xC00  }
0x3a: {  	s28 =	simm.s32 $0x500;
	s29 =	sadd.s32 s2, s29;
	s30 =	sand.u32 $0xC00, s30  }
.LBB2_2:
0x3b: {  	s30 =	sshrl.u32 s30, $0x2  }
0x3c: {  	[tilespmem:s30], [sflag:$0x3] =	stream.linear.gather [hbm4b:s29+s4], $0x100, $0x38;
	[tilespmem:$0x1C400] =	vst v63  }
0x3d: {  	s26 =	sor.u32 $0x180, s26  }
0x3e: {  	[spmem:s3] =	stream.indirect.scatter.add.f32 [tilespmem:s19], [sflag:$0x4], $0x80, s26, s15, $0xb8;
	[tilespmem:$0x1C400] =	vst v63  }
0x3f: {  	_ =	swait.ge [sflag:s13], $0x4000  }
0x40: {  	[sflag:s13] =	ssyncset.done $0x0  }
0x41: {  	[sflag:s13] =	ssyncadd.s32 $0xFFFFC000  }
0x42: {  	_ =	swait.ge [sflag:s17], $0x4000  }
0x43: {  	[sflag:s17] =	ssyncset.done $0x0  }
0x44: {  	[sflag:s17] =	ssyncadd.s32 $0xFFFFC000  }
0x45: {  	s1 =	sshrl.u32 s25, $0x2;
	_ =	swait.ge [sflag:s18], $0x100  }
0x46: {  	s30 =	smov.u32 s28;
	s26 =	sand.u32 $0x200, s1;
	[sflag:s18] =	ssyncset.done $0x0  }
0x47: {  	s0 =	sor.u32 $0x100, s26;
	s31 =	rddreg [dreg:$0x4];
	[sflag:s18] =	ssyncadd.s32 $0xFFFFFF00  }
0x48: {  	[tilespmem:s19], [sflag:$0x2] =	stream.indirect.gather [hbm4b:s5+s15], $0x80, s0, s15, $0xb8;
	[tilespmem:$0x1C400] =	vst v63  }
0x49: {  	s0 =	sadd.s32 s30, s31  }
0x4a: {  	s31 =	sand.u32 $0x300, s30;
	s30 =	sadd.s32 $0xFFFFFF00, s30;
	s1 =	sadd.s32 $0xFFFFFF00, s0  }
0x4b: {  	s30 =	sand.u32 $0x200, s30;
	s1 =	sand.u32 $0x1FFC00, s1  }
0x4c: {  	s29 =	smov.u32 s25;
	s25 =	sadd.s32 $0x800, s25;
	s1 =	sor.u32 s30, s1  }
0x4d: {  	s30 =	sand.u32 $0x800, s25;
	s1 =	sshrl.u32 s1, $0x3  }
0x4e: {  	s0 =	sand.u32 $0x1FFC00, s0;
	s30 =	sshrl.u32 s30, $0x2;
	s1 =	sadd.s32 s2, s1  }
0x4f: {  	[tilespmem:s30], [sflag:$0x3] =	stream.linear.gather [hbm4b:s1+s4], $0x100, $0x38;
	[tilespmem:$0x1C400] =	vst v63  }
0x50: {  	s0 =	sor.u32 s31, s0;
	s31 =	sor.u32 $0x80, s26  }
0x51: {  	[spmem:s3] =	stream.indirect.scatter.add.f32 [tilespmem:s16], [sflag:$0x4], $0x80, s31, s15, $0xb8;
	[tilespmem:$0x1C400] =	vst v63  }
0x52: {  	_ =	swait.ge [sflag:s13], $0x4000  }
0x53: {  	[sflag:s13] =	ssyncset.done $0x0  }
0x54: {  	[sflag:s13] =	ssyncadd.s32 $0xFFFFC000  }
0x55: {  	_ =	swait.ge [sflag:s20], $0x4000  }
0x56: {  	[sflag:s20] =	ssyncset.done $0x0  }
0x57: {  	p0 =	sne.s32 s28, $0x4F00;
	[sflag:s20] =	ssyncadd.s32 $0xFFFFC000  }
.Ltmp0:
0x58: {  	_ =	swait.ge [sflag:s18], $0x100;
	(pc) =	sbr.rel @p0 .LBB2_2-.Ltmp0, $4  }
0x59: {  	[sflag:s18] =	ssyncset.done $0x0  }
0x5a: {  	s0 =	sshrl.u32 s0, $0x3;
	s31 =	sadd.s32 $0xC00, s29;
	[sflag:s18] =	ssyncadd.s32 $0xFFFFFF00  }
0x5b: {  	[tilespmem:s16], [sflag:$0x1] =	stream.indirect.gather [hbm4b:s5+s15], $0x80, s30, s15, $0xb8;
	[tilespmem:$0x1C400] =	vst v63  }
0x5c: {  	s28 =	sadd.s32 $0x200, s28;
	s29 =	sadd.s32 s2, s0;
	s30 =	sand.u32 $0xC00, s31  }
0x5d: {  	s0 =	sshrl.u32 s30, $0x2  }
0x5e: {  	[tilespmem:s0], [sflag:$0x3] =	stream.linear.gather [hbm4b:s29+s4], $0x100, $0x38;
	[tilespmem:$0x1C400] =	vst v63  }
0x5f: {  	s31 =	sor.u32 $0x180, s26  }
0x60: {  	[spmem:s3] =	stream.indirect.scatter.add.f32 [tilespmem:s19], [sflag:$0x4], $0x80, s31, s15, $0xb8;
	[tilespmem:$0x1C400] =	vst v63  }
0x61: {  	_ =	swait.ge [sflag:s13], $0x4000  }
0x62: {  	[sflag:s13] =	ssyncset.done $0x0  }
0x63: {  	[sflag:s13] =	ssyncadd.s32 $0xFFFFC000  }
0x64: {  	_ =	swait.ge [sflag:s17], $0x4000  }
0x65: {  	[sflag:s17] =	ssyncset.done $0x0  }
0x66: {  	[sflag:s17] =	ssyncadd.s32 $0xFFFFC000  }
0x67: {  	_ =	swait.ge [sflag:s18], $0x100  }
0x68: {  	[sflag:s18] =	ssyncset.done $0x0  }
0x69: {  	[sflag:s18] =	ssyncadd.s32 $0xFFFFFF00  }
0x6a: {  	[tilespmem:s19], [sflag:$0x2] =	stream.indirect.gather [hbm4b:s5+s15], $0x80, s21, s15, $0xb8;
	[tilespmem:$0x1C400] =	vst v63  }
0x6b: {  	_ = 	snop  }
0x6c: {  	[spmem:s3] =	stream.indirect.scatter.add.f32 [tilespmem:s16], [sflag:$0x4], $0x80, s22, s15, $0xb8;
	[tilespmem:$0x1C400] =	vst v63  }
0x6d: {  	_ =	swait.ge [sflag:s13], $0x4000  }
0x6e: {  	[sflag:s13] =	ssyncset.done $0x0  }
0x6f: {  	[sflag:s13] =	ssyncadd.s32 $0xFFFFC000  }
0x70: {  	_ =	swait.ge [sflag:s20], $0x4000  }
0x71: {  	[sflag:s20] =	ssyncset.done $0x0  }
0x72: {  	[sflag:s20] =	ssyncadd.s32 $0xFFFFC000  }
0x73: {  	[spmem:s3] =	stream.indirect.scatter.add.f32 [tilespmem:s19], [sflag:$0x4], $0x80, s23, s15, $0xb8;
	[tilespmem:$0x1C400] =	vst v63  }
0x74: {  	_ =	swait.ge [sflag:s13], $0x4000  }
0x75: {  	s24 =	sadd.s32 $0x1, s24;
	[sflag:s13] =	ssyncset.done $0x0  }
0x76: {  	p0 =	sne.s32 s24, s11;
	[sflag:s13] =	ssyncadd.s32 $0xFFFFC000  }
.Ltmp1:
0x77: {  	[bflag:$0x0] =	sbarrier.arrive $0xFFFF;
	(pc) =	sbr.rel @p0 .LBB2_1-.Ltmp1, $4  }
0x78: {  	[hbm:s10], [sflag:s7] =	dma.local [spmem:s12], $0x2800  }
0x79: {  	_ =	swait.ge [sflag:s13], $0x2800  }
0x7a: {  	[sflag:s13] =	ssyncset.done $0x0  }
0x7b: {  	[sflag:s13] =	ssyncadd.s32 $0xFFFFD800  }
0x7c: {  	_ =	sfence.sel $0x180000  }
0x7d: {  	[bflag:$0x0] =	sbarrier.arrive $0xFFFF  }
0x7e: {  	_ =	strace $0x90000047  }
0x7f: {  	s0 =	stileid.u32;
	[bflag:$0x2] =	sbarrier.arrive $0xFFFF  }
0x80: {  	p0 =	sne.s32 s0, $0x0;
	s0 =	rddreg [dreg:$0x3]  }
0x81: {  	s0 =	sadd.s32 @!p0 $0x100000, s0  }
0x82: {  	[sflag:s0] =	ssyncadd.tile.s32 @!p0 $0x1;
	_ =	shalt  }
.Lfunc_end2:
_tile_overlayer_lowered:
.L_overlay_start_2:
0x83: {  	(tag) =	ssettag $0x2  }
0x84: {  	s0 =	rddreg [dreg:$0x0];
	s2 =	stileid.u32  }
0x85: {  	s1 =	rddreg [dreg:$0x1];
	p0 =	sne.s32 s2, $0x0  }
0x86: {  	s3 =	rddreg [dreg:$0x2];
	[bflag:$0x3] =	sbarrier.arrive $0xFFFF;
	s2 =	simm.s32 @!p0 $0x1C04  }
0x87: {  	[timem:s3], [sflag:s2] =	dma.local @!p0 [hbm:s0], s1  }
0x88: {  	s0 =	simm.s32 @!p0 $0x4  }
0x89: {  	_ =	swait.ge @!p0 [sflag:s0], s1  }
0x8a: {  	s1 =	ssub.s32 @!p0 $0x0, s1;
	[sflag:s0] =	ssyncset.done @!p0 $0x0  }
0x8b: {  	[sflag:s0] =	ssyncadd.s32 @!p0 s1  }
0x8c: {  	[bflag:$0x3] =	sbarrier.arrive $0xFFFF  }
0x8d: {  	_ =	shalt  }

// kernel: gin_agg.8.cloned.1.call-start
scs
__scs_entry_jumppad:
0x0: {  	(pc) =	sbr.rel $0x88, $3  }
0x1: {  	(tag) =	ssettag $0x0;
	lr =	simm.s32 $0x1  }
0x2: {  	[smem:$0x3F99] =	sst lr;
	_ =	strace $0xD0000000  }
0x3: {  	_ = 	snop  }
0x4: {  	_ = 	snop  }
0x5: {  	_ = 	snop  }
0x6: {  	_ = 	snop  }
0x7: {  	_ = 	snop  }
__scs_overlays_trampoline_lowered:
0x8: {  	[smem:$0x3FA8] =	sst s0  }
0x9: {  	[smem:$0x3FA9] =	sst s1  }
0xa: {  	[smem:$0x3FAA] =	sst s2  }
0xb: {  	[smem:$0x3FAB] =	sst s3  }
0xc: {  	[smem:$0x3FAC] =	sst s4  }
0xd: {  	[smem:$0x3FAD] =	sst s5  }
0xe: {  	[smem:$0x3FAE] =	sst s6  }
0xf: {  	[smem:$0x3FAF] =	sst s7  }
0x10: {  	[smem:$0x3FB0] =	sst s8  }
0x11: {  	[smem:$0x3FB1] =	sst s9;
	s0 =	simm.s32 @!p0 $0x0  }
0x12: {  	s1 =	sld [smem:$0x3F97];
	s0 =	simm.s32 @p0 $0x1  }
0x13: {  	[smem:$0x3FB2] =	sst s0;
	s0 =	simm.s32 @!p1 $0x0  }
0x14: {  	s2 =	sld [smem:$0x3F96];
	s0 =	simm.s32 @p1 $0x1  }
0x15: {  	[smem:$0x3FB3] =	sst s0;
	s0 =	simm.s32 @!p2 $0x0  }
0x16: {  	s3 =	sld [smem:$0x3FDB];
	s0 =	simm.s32 @p2 $0x1  }
0x17: {  	s4 =	simm.s32 $0x1BF5;
	[smem:$0x3FB5] =	sst s0  }
0x18: {  	s0 =	sld [smem:$0x3F98];
	_ =	swait.ge [sflag:s4], $0x0  }
0x19: {  	s7 =	sld [smem:$0x3F99]  }
0x1a: {  	s8 =	sadd.s32 $0xFFFFE003, lr  }
0x1b: {  	s9 =	sadd.s32 $0xFFFFFEF7, lr;
	s5 =	simm.s32 $0xFFFFFFFF;
	p2 =	slt.u32 s8, $0xFFFFF086  }
0x1c: {  	p1 =	slt.u32 s9, $0xF7A;
	s5 =	simm.s32 @!p2 $0x0  }
0x1d: {  	s5 =	simm.s32 @p1 $0x1;
	p0 =	seq.s32 s7, s2  }
0x1e: {  	s7 =	smul.u32 @!p0 $0xF7A, s2;
	p2 =	seq.s32 @!p0 s5, $0x0  }
0x1f: {  	s9 =	smul.u32 $0xF7A, s1;
	s8 =	simm.s32 @!p0 $0x1BF5;
	p2 =	por !p2, p0  }
0x20: {  	[sflag:s8] =	ssyncset.s32 @!p0 $0xFFFFF086;
	s6 =	sadd.s32 @!p0 s3, s7;
	s7 =	simm.s32 @!p0 $0x108  }
0x21: {  	s3 =	sadd.s32 s3, s9;
	s6 =	sadd.s32 @!p0 $0x88, s6;
	s7 =	simm.s32 @p2 $0x1082  }
0x22: {  	[simem:s7], [sflag:s8] =	dma.local @!p0 [hbm:s6], $0xF7A  }
0x23: {  	s9 =	sor.u32 $0xD0000000, s2;
	s6 =	simm.s32 $0x108;
	_ =	swait.ge @!p0 [sflag:s8], $0x0  }
0x24: {  	s3 =	sadd.s32 $0x88, s3;
	s6 =	simm.s32 @!p1 $0x1082;
	[sflag:s4] =	ssyncset.s32 $0xFFFFF086  }
0x25: {  	[simem:s6], [sflag:s4] =	dma.local [hbm:s3], $0xF7A  }
0x26: {  	[smem:$0x3F99] =	sst s1;
	(tag) =	ssettag s2;
	_ =	strace s9  }
0x27: {  	s1 =	sld [smem:$0x3FA9]  }
0x28: {  	s2 =	sld [smem:$0x3FAA]  }
0x29: {  	s4 =	sld [smem:$0x3FAC]  }
0x2a: {  	p0 =	seq.s32 s5, $0x0;
	s5 =	sld [smem:$0x3FAD]  }
0x2b: {  	s6 =	sld [smem:$0x3FAE]  }
0x2c: {  	s7 =	sld [smem:$0x3FAF]  }
0x2d: {  	s3 =	simm.s32 $0x108;
	s8 =	sld [smem:$0x3FB0]  }
0x2e: {  	s3 =	simm.s32 @!p0 $0x1082;
	s9 =	sld [smem:$0x3FB1]  }
0x2f: {  	lr =	sadd.s32 s0, s3;
	s0 =	sld [smem:$0x3FA8]  }
0x30: {  	s3 =	sld [smem:$0x3FAB]  }
0x31: {  	[smem:$0x3FB4] =	sst s10  }
0x32: {  	s10 =	sld [smem:$0x3FB2];
	_ =	sdelay $0x3  }
0x33: {  	p0 =	seq.s32 s10, $0x1;
	s10 =	sld [smem:$0x3FB4];
	_ =	sdelay $0x3  }
0x34: {  	[smem:$0x3FB4] =	sst s10  }
0x35: {  	s10 =	sld [smem:$0x3FB3];
	_ =	sdelay $0x3  }
0x36: {  	p1 =	seq.s32 s10, $0x1;
	s10 =	sld [smem:$0x3FB4];
	_ =	sdelay $0x3  }
0x37: {  	[smem:$0x3FB4] =	sst s10  }
0x38: {  	s10 =	sld [smem:$0x3FB5]  }
0x39: {  	_ = 	snop;
	(pc) =	sbr.ind lr, $3  }
0x3a: {  	_ = 	snop  }
0x3b: {  	_ = 	snop  }
0x3c: {  	p2 =	seq.s32 s10, $0x1;
	s10 =	sld [smem:$0x3FB4]  }
0x3d: {  	_ =	shalt  }
0x3e: {  	_ =	shalt  }
0x3f: {  	_ =	shalt  }
0x40: {  	_ =	shalt  }
0x41: {  	_ =	shalt  }
0x42: {  	_ =	shalt  }
0x43: {  	_ =	shalt  }
0x44: {  	_ =	shalt  }
0x45: {  	_ =	shalt  }
0x46: {  	_ =	shalt  }
0x47: {  	_ =	shalt  }
0x48: {  	_ =	shalt  }
0x49: {  	_ =	shalt  }
0x4a: {  	_ =	shalt  }
0x4b: {  	_ =	shalt  }
0x4c: {  	_ =	shalt  }
0x4d: {  	_ =	shalt  }
0x4e: {  	_ =	shalt  }
0x4f: {  	_ =	shalt  }
0x50: {  	_ =	shalt  }
0x51: {  	_ =	shalt  }
0x52: {  	_ =	shalt  }
0x53: {  	_ =	shalt  }
0x54: {  	_ =	shalt  }
0x55: {  	_ =	shalt  }
0x56: {  	_ =	shalt  }
0x57: {  	_ =	shalt  }
0x58: {  	_ =	shalt  }
0x59: {  	_ =	shalt  }
0x5a: {  	_ =	shalt  }
0x5b: {  	_ =	shalt  }
0x5c: {  	_ =	shalt  }
0x5d: {  	_ =	shalt  }
0x5e: {  	_ =	shalt  }
0x5f: {  	_ =	shalt  }
0x60: {  	_ =	shalt  }
0x61: {  	_ =	shalt  }
0x62: {  	_ =	shalt  }
0x63: {  	_ =	shalt  }
0x64: {  	_ =	shalt  }
0x65: {  	_ =	shalt  }
0x66: {  	_ =	shalt  }
0x67: {  	_ =	shalt  }
0x68: {  	_ =	shalt  }
0x69: {  	_ =	shalt  }
0x6a: {  	_ =	shalt  }
0x6b: {  	_ =	shalt  }
0x6c: {  	_ =	shalt  }
0x6d: {  	_ =	shalt  }
0x6e: {  	_ =	shalt  }
0x6f: {  	_ =	shalt  }
0x70: {  	_ =	shalt  }
0x71: {  	_ =	shalt  }
0x72: {  	_ =	shalt  }
0x73: {  	_ =	shalt  }
0x74: {  	_ =	shalt  }
0x75: {  	_ =	shalt  }
0x76: {  	_ =	shalt  }
0x77: {  	_ =	shalt  }
0x78: {  	_ =	shalt  }
0x79: {  	_ =	shalt  }
0x7a: {  	_ =	shalt  }
0x7b: {  	_ =	shalt  }
0x7c: {  	_ =	shalt  }
0x7d: {  	_ =	shalt  }
0x7e: {  	_ =	shalt  }
0x7f: {  	_ =	shalt  }
0x80: {  	_ =	shalt  }
0x81: {  	_ =	shalt  }
0x82: {  	_ =	shalt  }
0x83: {  	_ =	shalt  }
0x84: {  	_ =	shalt  }
0x85: {  	_ =	shalt  }
0x86: {  	_ =	shalt  }
0x87: {  	_ =	shalt  }
.Lfunc_end0:
.L_simem_size_0:
called_computation.2_lowered:
.L_overlay_start_0:
0x88: {  	s2 =	sld [smem:$0x3FD9]  }
0x89: {  	s3 =	sld [smem:$0x3FFE];
	_ =	sdelay $0x1  }
0x8a: {  	s1 =	srdreg.scid  }
0x8b: {  	s0 =	sand.u32 $0x1, s1  }
0x8c: {  	s17 =	sshll.u32 s0, $0xA;
	s2 =	sadd.s32 s3, s2  }
0x8d: {  	s2 =	sadd.s32 s2, s17  }
0x8e: {  	[smem:$0x3FC0] =	sst s2  }
0x8f: {  	_ = 	snop  }
0x90: {  	s2 =	sld [smem:$0x3FD0];
	(tm) =	ssettm $0x1  }
0x91: {  	s18 =	sld [smem:$0x3FFB];
	_ =	sdelay $0x3  }
0x92: {  	_ =	strace s18  }
0x93: {  	s3 =	sld [smem:$0x3FFC];
	_ =	sdelay $0x3  }
0x94: {  	_ =	strace s3  }
0x95: {  	s3 =	sld [smem:$0x3FFD];
	_ =	sdelay $0x3  }
0x96: {  	_ =	strace s3  }
0x97: {  	_ =	strace $0x8FFFFFFF  }
0x98: {  	s19 =	sld [smem:$0x3FDB];
	_ =	sdelay $0x1  }
0x99: {  	s4 =	simm.s32 $_scs_section_size  }
0x9a: {  	s5 =	simm.s32 $_size__tile_overlayer_lowered;
	s6 =	simm.s32 $_tile_overlayer_lowered  }
0x9b: {  	s22 =	simm.s32 $0x1BFF;
	s21 =	sshll.u32 s6, $0x1;
	s3 =	sadd.s32 s4, s19  }
0x9c: {  	s7 =	simm.s32 $0x0;
	s20 =	sshll.u32 s5, $0x1;
	s5 =	sadd.s32 s21, s3  }
0x9d: {  	[timem:s7], [sflag:s22] =	dma.local [hbm:s5], s20  }
0x9e: {  	_ =	swait.ge [sflag:s22], s20  }
0x9f: {  	s4 =	ssub.s32 $0x0, s20;
	[sflag:s22] =	ssyncset.done $0x0  }
0xa0: {  	[sflag:s22] =	ssyncadd.s32 s4;
	_ =	sdelay $0x1  }
0xa1: {  	s23 =	simm.s32 $0x1B8B  }
0xa2: {  	_ =	swait.ge [sflag:s23], $0x1  }
0xa3: {  	[sflag:s23] =	ssyncset.done $0x0  }
0xa4: {  	s25 =	simm.s32 $0x1B8E;
	s24 =	sld [smem:$0x3FFE];
	[sflag:s23] =	ssyncadd.s32 $0xFFFFFFFF  }
0xa5: {  	s26 =	simm.s32 $execute0_lowered;
	[smem:$0x3FD2] =	sst s25  }
0xa6: {  	s5 =	sshll.u32 s26, $0x1;
	_ =	strace $0x8000004C;
	[dreg:$0x1] =	wrdreg $0xFFFFFFFF  }
0xa7: {  	s28 =	simm.s32 $_size_execute0_lowered;
	s3 =	sadd.s32 s3, s5;
	[dreg:$0x0] =	wrdreg $0x0  }
0xa8: {  	s5 =	sshll.u32 s28, $0x1;
	[dreg:$0x2] =	wrdreg s3  }
0xa9: {  	[dreg:$0x3] =	wrdreg s5  }
0xaa: {  	[dreg:$0x4] =	wrdreg $0xC0  }
0xab: {  	_ =	task [dreg:s7], $0x5FFFF  }
0xac: {  	[dreg:$0x1] =	wrdreg $0xFFFFFFFF  }
0xad: {  	[dreg:$0x0] =	wrdreg $0x60  }
0xae: {  	[dreg:$0x2] =	wrdreg s24  }
0xaf: {  	[dreg:$0x3] =	wrdreg s2  }
0xb0: {  	[dreg:$0x4] =	wrdreg $0x84000  }
0xb1: {  	[dreg:$0x5] =	wrdreg $0x9  }
0xb2: {  	_ =	task.clear_ibuf [dreg:s7], $0x6FFFF;
	_ =	strace $0x9000004C  }
0xb3: {  	s29 =	simm.s32 $0x9;
	_ =	strace $0x8000004E  }
0xb4: {  	_ =	swait.ge [sflag:s29], $0x1  }
0xb5: {  	[sflag:s29] =	ssyncadd.s32 $0xFFFFFFFF  }
0xb6: {  	_ =	strace $0x9000004E  }
0xb7: {  	_ =	sfence  }
0xb8: {  	s30 =	sld [smem:$0x0];
	_ =	sdelay $0x2  }
0xb9: {  	s31 =	sshll.u32 s1, $0xD;
	s1 =	sshrl.u32 s1, $0x2  }
0xba: {  	s3 =	sand.u32 $0x4000, s31;
	s1 =	sadd.s32 s1, s30  }
0xbb: {  	s0 =	sor.u32 s3, s0;
	s1 =	sshll.u32 s1, $0x11  }
0xbc: {  	s0 =	sor.u32 s1, s0  }
0xbd: {  	s0 =	sadd.s32 $0x8F2B, s0  }
0xbe: {  	[sflag:s0] =	ssyncadd.remote.s32 $0x1  }
0xbf: {  	_ =	sfence.sel $0xFFFF  }
0xc0: {  	[dreg:$0x0] =	wrdreg $0xFFFFFFFF;
	(pc) =	sbr.abs _section_cstart, $3  }
0xc1: {  	[dreg:$0x1] =	wrdreg $0xFFFFFFFF  }
0xc2: {  	_ =	task.clear_ibuf [dreg:s7], $0x2FFFF;
	_ =	strace $0x9FFFFFFF  }
0xc3: {  	(tm) =	ssettm $0x7FFFFFFF  }
tec
execute0_lowered:
.L_overlay_start_1:
0x0: {  	(tag) =	ssettag $0x1  }
0x1: {  	s6 =	rddreg [dreg:$0x0]  }
0x2: {  	s2 =	rddreg [dreg:$0x1]  }
0x3: {  	s3 =	rddreg [dreg:$0x2]  }
0x4: {  	s0 =	stileid.u32;
	s5 =	srdreg.scid;
	s4 =	simm.s32 $0x0  }
0x5: {  	s16 =	simm.s32 $0x400;
	s17 =	simm.s32 $0x1;
	s18 =	simm.s32 $0x3  }
0x6: {  	s19 =	simm.s32 $0x4400;
	s20 =	simm.s32 $0x2;
	s21 =	simm.s32 $0x300  }
0x7: {  	s22 =	simm.s32 $0x280;
	s23 =	simm.s32 $0x380;
	s7 =	smul.u32 $0x2800, s0  }
0x8: {  	s24 =	simm.s32 $0x0;
	s8 =	sand.u32 $0x1, s5;
	s12 =	smul.u32 $0x50000, s0  }
0x9: {  	[smem:$0x7FF] =	sst s4;
	s5 =	sadd.s32 $0x1E00, s6;
	s15 =	smul.u32 $0x5000, s0  }
0xa: {  	s31 =	sshll.u32 s0, $0x6;
	s9 =	smul.u32 $0x28000, s8;
	_ =	strace $0x8000004D  }
0xb: {  	s26 =	sshll.u32 s8, $0x4;
	s11 =	ssub.s32 $0x2, s8;
	s30 =	smul.u32 $0x50000, s8  }
0xc: {  	s10 =	sadd.s32 s7, s6;
	s28 =	sshrl.u32 s11, $0x1;
	s29 =	sshrl.u32 s12, $0x2  }
0xd: {  	s7 =	sadd.s32 s7, s9;
	s9 =	sor.u32 s0, s26;
	s11 =	ssub.s32 s11, s28  }
0xe: {  	s14 =	sadd.s32 s29, s3;
	s12 =	sadd.s32 s15, s30;
	s15 =	simm.s32 $0x80  }
0xf: {  	s13 =	sadd.s32 s7, s6;
	s9 =	smul.u32 $0xA00, s9;
	s6 =	sadd.s32 $0x51E00, s10  }
0x10: {  	s7 =	sor.u32 $0x1C04, s31;
	s11 =	smax.u32 s11, $0x1;
	[dreg:$0x4] =	wrdreg s12  }
0x11: {  	s12 =	sshrl.u32 s14, $0x3;
	s14 =	simm.s32 $0x100;
	s8 =	sadd.s32 s2, s9  }
0x12: {  	s10 =	sadd.s32 $0x79E00, s13;
	s13 =	simm.s32 $0x4;
	s9 =	sadd.s32 $0x20, s8  }
.LBB2_1:
0x13: {  	[spmem:s12], [sflag:s7] =	dma.local [hbm:s6], $0x2800  }
0x14: {  	_ =	swait.ge [sflag:s13], $0x2800  }
0x15: {  	[sflag:s13] =	ssyncset.done $0x0  }
0x16: {  	[sflag:s13] =	ssyncadd.s32 $0xFFFFD800  }
0x17: {  	[bflag:$0x0] =	sbarrier.arrive $0xFFFF  }
0x18: {  	[tilespmem:s4], [sflag:$0x4] =	stream.linear.gather [hbm4b:s8+s4], $0x100, $0x38;
	[tilespmem:$0x1C400] =	vst v63  }
0x19: {  	_ =	swait.ge [sflag:s13], $0x100  }
0x1a: {  	[sflag:s13] =	ssyncset.done $0x0  }
0x1b: {  	[sflag:s13] =	ssyncadd.s32 $0xFFFFFF00  }
0x1c: {  	[tilespmem:s14], [sflag:$0x3] =	stream.linear.gather [hbm4b:s9+s4], $0x100, $0x38;
	[tilespmem:$0x1C400] =	vst v63  }
0x1d: {  	_ = 	snop  }
0x1e: {  	[tilespmem:s16], [sflag:$0x1] =	stream.indirect.gather [hbm4b:s5+s15], $0x80, s4, s15, $0xb8;
	[tilespmem:$0x1C400] =	vst v63  }
0x1f: {  	_ =	swait.ge [sflag:s17], $0x4000  }
0x20: {  	[sflag:s17] =	ssyncset.done $0x0  }
0x21: {  	[sflag:s17] =	ssyncadd.s32 $0xFFFFC000  }
0x22: {  	s25 =	simm.s32 $0x0;
	_ =	swait.ge [sflag:s18], $0x100  }
0x23: {  	s26 =	sand.u32 $0x200, s25;
	[sflag:s18] =	ssyncset.done $0x0  }
0x24: {  	s28 =	sor.u32 $0x100, s26;
	s1 =	rddreg [dreg:$0x4];
	[sflag:s18] =	ssyncadd.s32 $0xFFFFFF00  }
0x25: {  	[tilespmem:s19], [sflag:$0x2] =	stream.indirect.gather [hbm4b:s5+s15], $0x80, s28, s15, $0xb8;
	[tilespmem:$0x1C400] =	vst v63  }
0x26: {  	s28 =	sadd.s32 $0x300, s1  }
0x27: {  	s31 =	simm.s32 $0x200;
	s29 =	sadd.s32 $0xFFFFFF00, s28  }
0x28: {  	s25 =	sand.u32 $0x200, s31;
	s29 =	sand.u32 $0x1FFC00, s29  }
0x29: {  	s29 =	sor.u32 s25, s29;
	s25 =	simm.s32 $0x800  }
0x2a: {  	s30 =	sand.u32 $0x800, s25;
	s29 =	sshrl.u32 s29, $0x3  }
0x2b: {  	s30 =	sshrl.u32 s30, $0x2;
	s29 =	sadd.s32 s2, s29  }
0x2c: {  	[tilespmem:s30], [sflag:$0x3] =	stream.linear.gather [hbm4b:s29+s4], $0x100, $0x38;
	[tilespmem:$0x1C400] =	vst v63  }
0x2d: {  	s29 =	sor.u32 $0x80, s26  }
0x2e: {  	[spmem:s3] =	stream.indirect.scatter.add.f32 [tilespmem:s16], [sflag:$0x4], $0x80, s29, s15, $0xb8;
	[tilespmem:$0x1C400] =	vst v63  }
0x2f: {  	_ =	swait.ge [sflag:s13], $0x4000  }
0x30: {  	[sflag:s13] =	ssyncset.done $0x0  }
0x31: {  	[sflag:s13] =	ssyncadd.s32 $0xFFFFC000  }
0x32: {  	_ =	swait.ge [sflag:s20], $0x4000  }
0x33: {  	[sflag:s20] =	ssyncset.done $0x0  }
0x34: {  	[sflag:s20] =	ssyncadd.s32 $0xFFFFC000  }
0x35: {  	_ =	swait.ge [sflag:s18], $0x100  }
0x36: {  	s28 =	sand.u32 $0x1FFC00, s28;
	s29 =	sand.u32 $0x300, s21;
	[sflag:s18] =	ssyncset.done $0x0  }
0x37: {  	s28 =	sor.u32 s29, s28;
	[sflag:s18] =	ssyncadd.s32 $0xFFFFFF00  }
0x38: {  	[tilespmem:s16], [sflag:$0x1] =	stream.indirect.gather [hbm4b:s5+s15], $0x80, s30, s15, $0xb8;
	[tilespmem:$0x1C400] =	vst v63  }
0x39: {  	s29 =	sshrl.u32 s28, $0x3;
	s30 =	simm.s32 $0xC00  }
0x3a: {  	s28 =	simm.s32 $0x500;
	s29 =	sadd.s32 s2, s29;
	s30 =	sand.u32 $0xC00, s30  }
.LBB2_2:
0x3b: {  	s30 =	sshrl.u32 s30, $0x2  }
0x3c: {  	[tilespmem:s30], [sflag:$0x3] =	stream.linear.gather [hbm4b:s29+s4], $0x100, $0x38;
	[tilespmem:$0x1C400] =	vst v63  }
0x3d: {  	s26 =	sor.u32 $0x180, s26  }
0x3e: {  	[spmem:s3] =	stream.indirect.scatter.add.f32 [tilespmem:s19], [sflag:$0x4], $0x80, s26, s15, $0xb8;
	[tilespmem:$0x1C400] =	vst v63  }
0x3f: {  	_ =	swait.ge [sflag:s13], $0x4000  }
0x40: {  	[sflag:s13] =	ssyncset.done $0x0  }
0x41: {  	[sflag:s13] =	ssyncadd.s32 $0xFFFFC000  }
0x42: {  	_ =	swait.ge [sflag:s17], $0x4000  }
0x43: {  	[sflag:s17] =	ssyncset.done $0x0  }
0x44: {  	[sflag:s17] =	ssyncadd.s32 $0xFFFFC000  }
0x45: {  	s1 =	sshrl.u32 s25, $0x2;
	_ =	swait.ge [sflag:s18], $0x100  }
0x46: {  	s30 =	smov.u32 s28;
	s26 =	sand.u32 $0x200, s1;
	[sflag:s18] =	ssyncset.done $0x0  }
0x47: {  	s0 =	sor.u32 $0x100, s26;
	s31 =	rddreg [dreg:$0x4];
	[sflag:s18] =	ssyncadd.s32 $0xFFFFFF00  }
0x48: {  	[tilespmem:s19], [sflag:$0x2] =	stream.indirect.gather [hbm4b:s5+s15], $0x80, s0, s15, $0xb8;
	[tilespmem:$0x1C400] =	vst v63  }
0x49: {  	s0 =	sadd.s32 s30, s31  }
0x4a: {  	s31 =	sand.u32 $0x300, s30;
	s30 =	sadd.s32 $0xFFFFFF00, s30;
	s1 =	sadd.s32 $0xFFFFFF00, s0  }
0x4b: {  	s30 =	sand.u32 $0x200, s30;
	s1 =	sand.u32 $0x1FFC00, s1  }
0x4c: {  	s29 =	smov.u32 s25;
	s25 =	sadd.s32 $0x800, s25;
	s1 =	sor.u32 s30, s1  }
0x4d: {  	s30 =	sand.u32 $0x800, s25;
	s1 =	sshrl.u32 s1, $0x3  }
0x4e: {  	s0 =	sand.u32 $0x1FFC00, s0;
	s30 =	sshrl.u32 s30, $0x2;
	s1 =	sadd.s32 s2, s1  }
0x4f: {  	[tilespmem:s30], [sflag:$0x3] =	stream.linear.gather [hbm4b:s1+s4], $0x100, $0x38;
	[tilespmem:$0x1C400] =	vst v63  }
0x50: {  	s0 =	sor.u32 s31, s0;
	s31 =	sor.u32 $0x80, s26  }
0x51: {  	[spmem:s3] =	stream.indirect.scatter.add.f32 [tilespmem:s16], [sflag:$0x4], $0x80, s31, s15, $0xb8;
	[tilespmem:$0x1C400] =	vst v63  }
0x52: {  	_ =	swait.ge [sflag:s13], $0x4000  }
0x53: {  	[sflag:s13] =	ssyncset.done $0x0  }
0x54: {  	[sflag:s13] =	ssyncadd.s32 $0xFFFFC000  }
0x55: {  	_ =	swait.ge [sflag:s20], $0x4000  }
0x56: {  	[sflag:s20] =	ssyncset.done $0x0  }
0x57: {  	p0 =	sne.s32 s28, $0x4F00;
	[sflag:s20] =	ssyncadd.s32 $0xFFFFC000  }
.Ltmp0:
0x58: {  	_ =	swait.ge [sflag:s18], $0x100;
	(pc) =	sbr.rel @p0 .LBB2_2-.Ltmp0, $4  }
0x59: {  	[sflag:s18] =	ssyncset.done $0x0  }
0x5a: {  	s0 =	sshrl.u32 s0, $0x3;
	s31 =	sadd.s32 $0xC00, s29;
	[sflag:s18] =	ssyncadd.s32 $0xFFFFFF00  }
0x5b: {  	[tilespmem:s16], [sflag:$0x1] =	stream.indirect.gather [hbm4b:s5+s15], $0x80, s30, s15, $0xb8;
	[tilespmem:$0x1C400] =	vst v63  }
0x5c: {  	s28 =	sadd.s32 $0x200, s28;
	s29 =	sadd.s32 s2, s0;
	s30 =	sand.u32 $0xC00, s31  }
0x5d: {  	s0 =	sshrl.u32 s30, $0x2  }
0x5e: {  	[tilespmem:s0], [sflag:$0x3] =	stream.linear.gather [hbm4b:s29+s4], $0x100, $0x38;
	[tilespmem:$0x1C400] =	vst v63  }
0x5f: {  	s31 =	sor.u32 $0x180, s26  }
0x60: {  	[spmem:s3] =	stream.indirect.scatter.add.f32 [tilespmem:s19], [sflag:$0x4], $0x80, s31, s15, $0xb8;
	[tilespmem:$0x1C400] =	vst v63  }
0x61: {  	_ =	swait.ge [sflag:s13], $0x4000  }
0x62: {  	[sflag:s13] =	ssyncset.done $0x0  }
0x63: {  	[sflag:s13] =	ssyncadd.s32 $0xFFFFC000  }
0x64: {  	_ =	swait.ge [sflag:s17], $0x4000  }
0x65: {  	[sflag:s17] =	ssyncset.done $0x0  }
0x66: {  	[sflag:s17] =	ssyncadd.s32 $0xFFFFC000  }
0x67: {  	_ =	swait.ge [sflag:s18], $0x100  }
0x68: {  	[sflag:s18] =	ssyncset.done $0x0  }
0x69: {  	[sflag:s18] =	ssyncadd.s32 $0xFFFFFF00  }
0x6a: {  	[tilespmem:s19], [sflag:$0x2] =	stream.indirect.gather [hbm4b:s5+s15], $0x80, s21, s15, $0xb8;
	[tilespmem:$0x1C400] =	vst v63  }
0x6b: {  	_ = 	snop  }
0x6c: {  	[spmem:s3] =	stream.indirect.scatter.add.f32 [tilespmem:s16], [sflag:$0x4], $0x80, s22, s15, $0xb8;
	[tilespmem:$0x1C400] =	vst v63  }
0x6d: {  	_ =	swait.ge [sflag:s13], $0x4000  }
0x6e: {  	[sflag:s13] =	ssyncset.done $0x0  }
0x6f: {  	[sflag:s13] =	ssyncadd.s32 $0xFFFFC000  }
0x70: {  	_ =	swait.ge [sflag:s20], $0x4000  }
0x71: {  	[sflag:s20] =	ssyncset.done $0x0  }
0x72: {  	[sflag:s20] =	ssyncadd.s32 $0xFFFFC000  }
0x73: {  	[spmem:s3] =	stream.indirect.scatter.add.f32 [tilespmem:s19], [sflag:$0x4], $0x80, s23, s15, $0xb8;
	[tilespmem:$0x1C400] =	vst v63  }
0x74: {  	_ =	swait.ge [sflag:s13], $0x4000  }
0x75: {  	s24 =	sadd.s32 $0x1, s24;
	[sflag:s13] =	ssyncset.done $0x0  }
0x76: {  	p0 =	sne.s32 s24, s11;
	[sflag:s13] =	ssyncadd.s32 $0xFFFFC000  }
.Ltmp1:
0x77: {  	[bflag:$0x0] =	sbarrier.arrive $0xFFFF;
	(pc) =	sbr.rel @p0 .LBB2_1-.Ltmp1, $4  }
0x78: {  	[hbm:s10], [sflag:s7] =	dma.local [spmem:s12], $0x2800  }
0x79: {  	_ =	swait.ge [sflag:s13], $0x2800  }
0x7a: {  	[sflag:s13] =	ssyncset.done $0x0  }
0x7b: {  	[sflag:s13] =	ssyncadd.s32 $0xFFFFD800  }
0x7c: {  	_ =	sfence.sel $0x180000  }
0x7d: {  	[bflag:$0x0] =	sbarrier.arrive $0xFFFF  }
0x7e: {  	_ =	strace $0x9000004D  }
0x7f: {  	s0 =	stileid.u32;
	[bflag:$0x2] =	sbarrier.arrive $0xFFFF  }
0x80: {  	p0 =	sne.s32 s0, $0x0;
	s0 =	rddreg [dreg:$0x3]  }
0x81: {  	s0 =	sadd.s32 @!p0 $0x100000, s0  }
0x82: {  	[sflag:s0] =	ssyncadd.tile.s32 @!p0 $0x1;
	_ =	shalt  }
.Lfunc_end2:
_tile_overlayer_lowered:
.L_overlay_start_2:
0x83: {  	(tag) =	ssettag $0x2  }
0x84: {  	s0 =	rddreg [dreg:$0x0];
	s2 =	stileid.u32  }
0x85: {  	s1 =	rddreg [dreg:$0x1];
	p0 =	sne.s32 s2, $0x0  }
0x86: {  	s3 =	rddreg [dreg:$0x2];
	[bflag:$0x3] =	sbarrier.arrive $0xFFFF;
	s2 =	simm.s32 @!p0 $0x1C04  }
0x87: {  	[timem:s3], [sflag:s2] =	dma.local @!p0 [hbm:s0], s1  }
0x88: {  	s0 =	simm.s32 @!p0 $0x4  }
0x89: {  	_ =	swait.ge @!p0 [sflag:s0], s1  }
0x8a: {  	s1 =	ssub.s32 @!p0 $0x0, s1;
	[sflag:s0] =	ssyncset.done @!p0 $0x0  }
0x8b: {  	[sflag:s0] =	ssyncadd.s32 @!p0 s1  }
0x8c: {  	[bflag:$0x3] =	sbarrier.arrive $0xFFFF  }
0x8d: {  	_ =	shalt  }

// kernel: gin_deg.3.cloned.1.call-start
scs
__scs_entry_jumppad:
0x0: {  	(pc) =	sbr.rel $0x88, $3  }
0x1: {  	(tag) =	ssettag $0x0;
	lr =	simm.s32 $0x1  }
0x2: {  	[smem:$0x3F99] =	sst lr;
	_ =	strace $0xD0000000  }
0x3: {  	_ = 	snop  }
0x4: {  	_ = 	snop  }
0x5: {  	_ = 	snop  }
0x6: {  	_ = 	snop  }
0x7: {  	_ = 	snop  }
__scs_overlays_trampoline_lowered:
0x8: {  	[smem:$0x3FA8] =	sst s0  }
0x9: {  	[smem:$0x3FA9] =	sst s1  }
0xa: {  	[smem:$0x3FAA] =	sst s2  }
0xb: {  	[smem:$0x3FAB] =	sst s3  }
0xc: {  	[smem:$0x3FAC] =	sst s4  }
0xd: {  	[smem:$0x3FAD] =	sst s5  }
0xe: {  	[smem:$0x3FAE] =	sst s6  }
0xf: {  	[smem:$0x3FAF] =	sst s7  }
0x10: {  	[smem:$0x3FB0] =	sst s8  }
0x11: {  	[smem:$0x3FB1] =	sst s9;
	s0 =	simm.s32 @!p0 $0x0  }
0x12: {  	s1 =	sld [smem:$0x3F97];
	s0 =	simm.s32 @p0 $0x1  }
0x13: {  	[smem:$0x3FB2] =	sst s0;
	s0 =	simm.s32 @!p1 $0x0  }
0x14: {  	s2 =	sld [smem:$0x3F96];
	s0 =	simm.s32 @p1 $0x1  }
0x15: {  	[smem:$0x3FB3] =	sst s0;
	s0 =	simm.s32 @!p2 $0x0  }
0x16: {  	s3 =	sld [smem:$0x3FDB];
	s0 =	simm.s32 @p2 $0x1  }
0x17: {  	s4 =	simm.s32 $0x1BF5;
	[smem:$0x3FB5] =	sst s0  }
0x18: {  	s0 =	sld [smem:$0x3F98];
	_ =	swait.ge [sflag:s4], $0x0  }
0x19: {  	s7 =	sld [smem:$0x3F99]  }
0x1a: {  	s8 =	sadd.s32 $0xFFFFE003, lr  }
0x1b: {  	s9 =	sadd.s32 $0xFFFFFEF7, lr;
	s5 =	simm.s32 $0xFFFFFFFF;
	p2 =	slt.u32 s8, $0xFFFFF086  }
0x1c: {  	p1 =	slt.u32 s9, $0xF7A;
	s5 =	simm.s32 @!p2 $0x0  }
0x1d: {  	s5 =	simm.s32 @p1 $0x1;
	p0 =	seq.s32 s7, s2  }
0x1e: {  	s7 =	smul.u32 @!p0 $0xF7A, s2;
	p2 =	seq.s32 @!p0 s5, $0x0  }
0x1f: {  	s9 =	smul.u32 $0xF7A, s1;
	s8 =	simm.s32 @!p0 $0x1BF5;
	p2 =	por !p2, p0  }
0x20: {  	[sflag:s8] =	ssyncset.s32 @!p0 $0xFFFFF086;
	s6 =	sadd.s32 @!p0 s3, s7;
	s7 =	simm.s32 @!p0 $0x108  }
0x21: {  	s3 =	sadd.s32 s3, s9;
	s6 =	sadd.s32 @!p0 $0x88, s6;
	s7 =	simm.s32 @p2 $0x1082  }
0x22: {  	[simem:s7], [sflag:s8] =	dma.local @!p0 [hbm:s6], $0xF7A  }
0x23: {  	s9 =	sor.u32 $0xD0000000, s2;
	s6 =	simm.s32 $0x108;
	_ =	swait.ge @!p0 [sflag:s8], $0x0  }
0x24: {  	s3 =	sadd.s32 $0x88, s3;
	s6 =	simm.s32 @!p1 $0x1082;
	[sflag:s4] =	ssyncset.s32 $0xFFFFF086  }
0x25: {  	[simem:s6], [sflag:s4] =	dma.local [hbm:s3], $0xF7A  }
0x26: {  	[smem:$0x3F99] =	sst s1;
	(tag) =	ssettag s2;
	_ =	strace s9  }
0x27: {  	s1 =	sld [smem:$0x3FA9]  }
0x28: {  	s2 =	sld [smem:$0x3FAA]  }
0x29: {  	s4 =	sld [smem:$0x3FAC]  }
0x2a: {  	p0 =	seq.s32 s5, $0x0;
	s5 =	sld [smem:$0x3FAD]  }
0x2b: {  	s6 =	sld [smem:$0x3FAE]  }
0x2c: {  	s7 =	sld [smem:$0x3FAF]  }
0x2d: {  	s3 =	simm.s32 $0x108;
	s8 =	sld [smem:$0x3FB0]  }
0x2e: {  	s3 =	simm.s32 @!p0 $0x1082;
	s9 =	sld [smem:$0x3FB1]  }
0x2f: {  	lr =	sadd.s32 s0, s3;
	s0 =	sld [smem:$0x3FA8]  }
0x30: {  	s3 =	sld [smem:$0x3FAB]  }
0x31: {  	[smem:$0x3FB4] =	sst s10  }
0x32: {  	s10 =	sld [smem:$0x3FB2];
	_ =	sdelay $0x3  }
0x33: {  	p0 =	seq.s32 s10, $0x1;
	s10 =	sld [smem:$0x3FB4];
	_ =	sdelay $0x3  }
0x34: {  	[smem:$0x3FB4] =	sst s10  }
0x35: {  	s10 =	sld [smem:$0x3FB3];
	_ =	sdelay $0x3  }
0x36: {  	p1 =	seq.s32 s10, $0x1;
	s10 =	sld [smem:$0x3FB4];
	_ =	sdelay $0x3  }
0x37: {  	[smem:$0x3FB4] =	sst s10  }
0x38: {  	s10 =	sld [smem:$0x3FB5]  }
0x39: {  	_ = 	snop;
	(pc) =	sbr.ind lr, $3  }
0x3a: {  	_ = 	snop  }
0x3b: {  	_ = 	snop  }
0x3c: {  	p2 =	seq.s32 s10, $0x1;
	s10 =	sld [smem:$0x3FB4]  }
0x3d: {  	_ =	shalt  }
0x3e: {  	_ =	shalt  }
0x3f: {  	_ =	shalt  }
0x40: {  	_ =	shalt  }
0x41: {  	_ =	shalt  }
0x42: {  	_ =	shalt  }
0x43: {  	_ =	shalt  }
0x44: {  	_ =	shalt  }
0x45: {  	_ =	shalt  }
0x46: {  	_ =	shalt  }
0x47: {  	_ =	shalt  }
0x48: {  	_ =	shalt  }
0x49: {  	_ =	shalt  }
0x4a: {  	_ =	shalt  }
0x4b: {  	_ =	shalt  }
0x4c: {  	_ =	shalt  }
0x4d: {  	_ =	shalt  }
0x4e: {  	_ =	shalt  }
0x4f: {  	_ =	shalt  }
0x50: {  	_ =	shalt  }
0x51: {  	_ =	shalt  }
0x52: {  	_ =	shalt  }
0x53: {  	_ =	shalt  }
0x54: {  	_ =	shalt  }
0x55: {  	_ =	shalt  }
0x56: {  	_ =	shalt  }
0x57: {  	_ =	shalt  }
0x58: {  	_ =	shalt  }
0x59: {  	_ =	shalt  }
0x5a: {  	_ =	shalt  }
0x5b: {  	_ =	shalt  }
0x5c: {  	_ =	shalt  }
0x5d: {  	_ =	shalt  }
0x5e: {  	_ =	shalt  }
0x5f: {  	_ =	shalt  }
0x60: {  	_ =	shalt  }
0x61: {  	_ =	shalt  }
0x62: {  	_ =	shalt  }
0x63: {  	_ =	shalt  }
0x64: {  	_ =	shalt  }
0x65: {  	_ =	shalt  }
0x66: {  	_ =	shalt  }
0x67: {  	_ =	shalt  }
0x68: {  	_ =	shalt  }
0x69: {  	_ =	shalt  }
0x6a: {  	_ =	shalt  }
0x6b: {  	_ =	shalt  }
0x6c: {  	_ =	shalt  }
0x6d: {  	_ =	shalt  }
0x6e: {  	_ =	shalt  }
0x6f: {  	_ =	shalt  }
0x70: {  	_ =	shalt  }
0x71: {  	_ =	shalt  }
0x72: {  	_ =	shalt  }
0x73: {  	_ =	shalt  }
0x74: {  	_ =	shalt  }
0x75: {  	_ =	shalt  }
0x76: {  	_ =	shalt  }
0x77: {  	_ =	shalt  }
0x78: {  	_ =	shalt  }
0x79: {  	_ =	shalt  }
0x7a: {  	_ =	shalt  }
0x7b: {  	_ =	shalt  }
0x7c: {  	_ =	shalt  }
0x7d: {  	_ =	shalt  }
0x7e: {  	_ =	shalt  }
0x7f: {  	_ =	shalt  }
0x80: {  	_ =	shalt  }
0x81: {  	_ =	shalt  }
0x82: {  	_ =	shalt  }
0x83: {  	_ =	shalt  }
0x84: {  	_ =	shalt  }
0x85: {  	_ =	shalt  }
0x86: {  	_ =	shalt  }
0x87: {  	_ =	shalt  }
.Lfunc_end0:
.L_simem_size_0:
called_computation_lowered:
.L_overlay_start_0:
0x88: {  	s2 =	sld [smem:$0x3FD9]  }
0x89: {  	s3 =	sld [smem:$0x3FFE];
	_ =	sdelay $0x1  }
0x8a: {  	s1 =	srdreg.scid  }
0x8b: {  	s0 =	sand.u32 $0x1, s1  }
0x8c: {  	s17 =	sshll.u32 s0, $0xA;
	s2 =	sadd.s32 s3, s2  }
0x8d: {  	s2 =	sadd.s32 s2, s17  }
0x8e: {  	[smem:$0x3FC0] =	sst s2  }
0x8f: {  	_ = 	snop  }
0x90: {  	s18 =	sld [smem:$0x3FD0];
	(tm) =	ssettm $0x1  }
0x91: {  	s19 =	sld [smem:$0x3FFB];
	_ =	sdelay $0x3  }
0x92: {  	_ =	strace s19  }
0x93: {  	s2 =	sld [smem:$0x3FFC];
	_ =	sdelay $0x3  }
0x94: {  	_ =	strace s2  }
0x95: {  	s2 =	sld [smem:$0x3FFD];
	_ =	sdelay $0x3  }
0x96: {  	_ =	strace s2  }
0x97: {  	_ =	strace $0x8FFFFFFF  }
0x98: {  	s20 =	sld [smem:$0x3FDB];
	_ =	sdelay $0x1  }
0x99: {  	s4 =	simm.s32 $_scs_section_size  }
0x9a: {  	s5 =	simm.s32 $_size__tile_overlayer_lowered;
	s6 =	simm.s32 $_tile_overlayer_lowered  }
0x9b: {  	s7 =	simm.s32 $0x1BFF;
	s21 =	sshll.u32 s6, $0x1;
	s4 =	sadd.s32 s4, s20  }
0x9c: {  	s22 =	simm.s32 $0x0;
	s5 =	sshll.u32 s5, $0x1;
	s6 =	sadd.s32 s21, s4  }
0x9d: {  	[timem:s22], [sflag:s7] =	dma.local [hbm:s6], s5  }
0x9e: {  	_ =	swait.ge [sflag:s7], s5  }
0x9f: {  	s5 =	ssub.s32 $0x0, s5;
	[sflag:s7] =	ssyncset.done $0x0  }
0xa0: {  	[sflag:s7] =	ssyncadd.s32 s5;
	_ =	sdelay $0x1  }
0xa1: {  	s23 =	simm.s32 $0x1B8B  }
0xa2: {  	_ =	swait.ge [sflag:s23], $0x1  }
0xa3: {  	[sflag:s23] =	ssyncset.done $0x0  }
0xa4: {  	[sflag:s23] =	ssyncadd.s32 $0xFFFFFFFF  }
0xa5: {  	s5 =	sld [smem:$0x0]  }
0xa6: {  	s6 =	sand.u32 $0xFFFFFFFE, s1  }
0xa7: {  	p0 =	sne.s32 s1, s6  }
0xa8: {  	s6 =	sshll.u32 @p0 s6, $0xE  }
0xa9: {  	s6 =	sadd.s32 @p0 $0x11B8D, s6;
	s7 =	sshll.u32 @p0 s5, $0x11  }
0xaa: {  	s6 =	sor.u32 @p0 s7, s6  }
0xab: {  	[sflag:s6] =	ssyncadd.remote.s32 @p0 $0x1;
	_ =	sdelay $0x1  }
0xac: {  	s6 =	simm.s32 @p0 $0x1B8D  }
0xad: {  	_ =	swait.eq @p0 [sflag:s6], $0x1  }
0xae: {  	[sflag:s6] =	ssyncadd.s32 @p0 $0xFFFFFFFF  }
0xaf: {  	s7 =	sshll.u32 @!p0 s1, $0xE  }
0xb0: {  	s7 =	sor.u32 @!p0 $0x4000, s7;
	s6 =	simm.s32 @!p0 $0x1B8D  }
0xb1: {  	s5 =	sshll.u32 @!p0 s5, $0x11;
	s7 =	sadd.s32 @!p0 $0x11B8D, s7;
	_ =	swait.eq @!p0 [sflag:s6], $0x1  }
0xb2: {  	s5 =	sor.u32 @!p0 s5, s7;
	[sflag:s6] =	ssyncadd.s32 @!p0 $0xFFFFFFFF  }
0xb3: {  	s25 =	simm.s32 $0x1B8E;
	s24 =	sld [smem:$0x3FFE];
	[sflag:s5] =	ssyncadd.remote.s32 @!p0 $0x1  }
0xb4: {  	s26 =	simm.s32 $execute0_lowered;
	[smem:$0x3FD2] =	sst s25  }
0xb5: {  	s6 =	sshll.u32 s26, $0x1;
	_ =	strace $0x80000049;
	[dreg:$0x1] =	wrdreg $0xFFFFFFFF  }
0xb6: {  	s28 =	simm.s32 $_size_execute0_lowered;
	s4 =	sadd.s32 s4, s6;
	[dreg:$0x0] =	wrdreg $0x0  }
0xb7: {  	s6 =	sshll.u32 s28, $0x1;
	[dreg:$0x2] =	wrdreg s4  }
0xb8: {  	[dreg:$0x3] =	wrdreg s6  }
0xb9: {  	[dreg:$0x4] =	wrdreg $0xC0  }
0xba: {  	_ =	task [dreg:s22], $0x5FFFF  }
0xbb: {  	[dreg:$0x1] =	wrdreg $0xFFFFFFFF  }
0xbc: {  	[dreg:$0x0] =	wrdreg $0x60  }
0xbd: {  	[dreg:$0x2] =	wrdreg s18  }
0xbe: {  	[dreg:$0x3] =	wrdreg s24  }
0xbf: {  	[dreg:$0x4] =	wrdreg $0x44000  }
0xc0: {  	[dreg:$0x5] =	wrdreg $0x9  }
0xc1: {  	_ =	task.clear_ibuf [dreg:s22], $0x6FFFF;
	_ =	strace $0x90000049  }
0xc2: {  	s29 =	simm.s32 $0x9;
	_ =	strace $0x8000004B  }
0xc3: {  	_ =	swait.ge [sflag:s29], $0x1  }
0xc4: {  	[sflag:s29] =	ssyncadd.s32 $0xFFFFFFFF  }
0xc5: {  	_ =	strace $0x9000004B  }
0xc6: {  	_ =	sfence  }
0xc7: {  	s30 =	sld [smem:$0x0];
	_ =	sdelay $0x2  }
0xc8: {  	s31 =	sshll.u32 s1, $0xD;
	s1 =	sshrl.u32 s1, $0x2  }
0xc9: {  	s4 =	sand.u32 $0x4000, s31;
	s1 =	sadd.s32 s1, s30  }
0xca: {  	s0 =	sor.u32 s4, s0;
	s1 =	sshll.u32 s1, $0x11  }
0xcb: {  	s0 =	sor.u32 s1, s0  }
0xcc: {  	s0 =	sadd.s32 $0x8F2B, s0  }
0xcd: {  	[sflag:s0] =	ssyncadd.remote.s32 $0x1  }
0xce: {  	_ =	sfence.sel $0xFFFF  }
0xcf: {  	[dreg:$0x0] =	wrdreg $0xFFFFFFFF;
	(pc) =	sbr.abs _section_cstart, $3  }
0xd0: {  	[dreg:$0x1] =	wrdreg $0xFFFFFFFF  }
0xd1: {  	_ =	task.clear_ibuf [dreg:s22], $0x2FFFF;
	_ =	strace $0x9FFFFFFF  }
0xd2: {  	(tm) =	ssettm $0x7FFFFFFF  }
0xd3: {  	_ =	shalt  }
tec
execute0_lowered:
.L_overlay_start_1:
0x0: {  	(tag) =	ssettag $0x1  }
0x1: {  	s2 =	rddreg [dreg:$0x0]  }
0x2: {  	s0 =	rddreg [dreg:$0x1]  }
0x3: {  	s3 =	rddreg [dreg:$0x2]  }
0x4: {  	s12 =	stileid.u32;
	s1 =	srdreg.scid  }
0x5: {  	s4 =	simm.s32 $0x0;
	s14 =	simm.s32 $0x2;
	s15 =	simm.s32 $0x400  }
0x6: {  	s28 =	simm.s32 $0x3800;
	s29 =	simm.s32 $0x3C00;
	s30 =	simm.s32 $0x4000  }
0x7: {  	s31 =	simm.s32 $0x100;
	s16 =	simm.s32 $0x0;
	s6 =	smul.u32 $0x2800, s12  }
0x8: {  	s1 =	sand.u32 $0x1, s1;
	[smem:$0x7FF] =	sst s4;
	s9 =	smul.u32 $0x50000, s12  }
0x9: {  	s5 =	sadd.s32 $0xC9E00, s0;
	s26 =	sshll.u32 s12, $0x6;
	s7 =	smul.u32 $0x28000, s1  }
0xa: {  	_ =	strace $0x8000004A;
	s24 =	sshll.u32 s1, $0x4;
	s25 =	ssub.s32 $0x2, s1  }
0xb: {  	s1 =	smul.u32 $0x50000, s1;
	s8 =	sadd.s32 s6, s0;
	s10 =	sshrl.u32 s25, $0x1  }
0xc: {  	s9 =	sshrl.u32 s9, $0x2;
	s6 =	sadd.s32 s6, s7;
	s7 =	sor.u32 s12, s24  }
0xd: {  	s11 =	ssub.s32 s25, s10;
	s13 =	sadd.s32 s9, s3;
	s12 =	smul.u32 $0x5000, s12  }
0xe: {  	s24 =	simm.s32 $0x2C00;
	s25 =	simm.s32 $0x3000;
	s0 =	sadd.s32 s6, s0  }
0xf: {  	s7 =	smul.u32 $0xA00, s7;
	s11 =	smax.u32 s11, $0x1;
	s13 =	sshrl.u32 s13, $0x3  }
0x10: {  	s10 =	sadd.s32 $0xCA000, s0;
	s12 =	sadd.s32 s12, s1;
	s0 =	simm.s32 $0x1  }
0x11: {  	s1 =	simm.s32 $0x80;
	s6 =	sadd.s32 s2, s7;
	s7 =	sadd.s32 $0x51E00, s8  }
0x12: {  	s8 =	sor.u32 $0x1C02, s26;
	s26 =	simm.s32 $0x3400;
	s9 =	sadd.s32 $0x20, s6  }
.LBB2_1:
0x13: {  	[spmem:s13], [sflag:s8] =	dma.local [hbm:s7], $0x2800  }
0x14: {  	_ =	swait.ge [sflag:s14], $0x2800  }
0x15: {  	[sflag:s14] =	ssyncset.done $0x0  }
0x16: {  	[sflag:s14] =	ssyncadd.s32 $0xFFFFD800  }
0x17: {  	[tilespmem:s15], [sflag:$0x2] =	stream.linear.gather [hbm4b:s5+s4], $0x400, $0x38;
	[tilespmem:$0x18400] =	vst v63  }
0x18: {  	_ =	swait.ge [sflag:s14], $0x400  }
0x19: {  	[sflag:s14] =	ssyncset.done $0x0  }
0x1a: {  	s17 =	simm.s32 $0x800;
	[sflag:s14] =	ssyncadd.s32 $0xFFFFFC00  }
0x1b: {  	[tilespmem:s17], [sflag:$0x2] =	stream.linear.gather [hbm4b:s5+s4], $0x400, $0x38;
	[tilespmem:$0x18400] =	vst v63  }
0x1c: {  	_ =	swait.ge [sflag:s14], $0x400  }
0x1d: {  	[sflag:s14] =	ssyncset.done $0x0  }
0x1e: {  	s18 =	simm.s32 $0xC00;
	[sflag:s14] =	ssyncadd.s32 $0xFFFFFC00  }
0x1f: {  	[tilespmem:s18], [sflag:$0x2] =	stream.linear.gather [hbm4b:s5+s4], $0x400, $0x38;
	[tilespmem:$0x18400] =	vst v63  }
0x20: {  	_ =	swait.ge [sflag:s14], $0x400  }
0x21: {  	[sflag:s14] =	ssyncset.done $0x0  }
0x22: {  	s21 =	simm.s32 $0x1000;
	[sflag:s14] =	ssyncadd.s32 $0xFFFFFC00  }
0x23: {  	[tilespmem:s21], [sflag:$0x2] =	stream.linear.gather [hbm4b:s5+s4], $0x400, $0x38;
	[tilespmem:$0x18400] =	vst v63  }
0x24: {  	_ =	swait.ge [sflag:s14], $0x400  }
0x25: {  	[sflag:s14] =	ssyncset.done $0x0  }
0x26: {  	s22 =	simm.s32 $0x1400;
	[sflag:s14] =	ssyncadd.s32 $0xFFFFFC00  }
0x27: {  	[tilespmem:s22], [sflag:$0x2] =	stream.linear.gather [hbm4b:s5+s4], $0x400, $0x38;
	[tilespmem:$0x18400] =	vst v63  }
0x28: {  	_ =	swait.ge [sflag:s14], $0x400  }
0x29: {  	[sflag:s14] =	ssyncset.done $0x0  }
0x2a: {  	s23 =	simm.s32 $0x1800;
	[sflag:s14] =	ssyncadd.s32 $0xFFFFFC00  }
0x2b: {  	[tilespmem:s23], [sflag:$0x2] =	stream.linear.gather [hbm4b:s5+s4], $0x400, $0x38;
	[tilespmem:$0x18400] =	vst v63  }
0x2c: {  	_ =	swait.ge [sflag:s14], $0x400  }
0x2d: {  	[sflag:s14] =	ssyncset.done $0x0  }
0x2e: {  	s19 =	simm.s32 $0x1C00;
	[sflag:s14] =	ssyncadd.s32 $0xFFFFFC00  }
0x2f: {  	[tilespmem:s19], [sflag:$0x2] =	stream.linear.gather [hbm4b:s5+s4], $0x400, $0x38;
	[tilespmem:$0x18400] =	vst v63  }
0x30: {  	_ =	swait.ge [sflag:s14], $0x400  }
0x31: {  	[sflag:s14] =	ssyncset.done $0x0  }
0x32: {  	s20 =	simm.s32 $0x2000;
	[sflag:s14] =	ssyncadd.s32 $0xFFFFFC00  }
0x33: {  	[tilespmem:s20], [sflag:$0x2] =	stream.linear.gather [hbm4b:s5+s4], $0x400, $0x38;
	[tilespmem:$0x18400] =	vst v63  }
0x34: {  	_ =	swait.ge [sflag:s14], $0x400  }
0x35: {  	[sflag:s14] =	ssyncset.done $0x0  }
0x36: {  	s21 =	simm.s32 $0x2400;
	[sflag:s14] =	ssyncadd.s32 $0xFFFFFC00  }
0x37: {  	[tilespmem:s21], [sflag:$0x2] =	stream.linear.gather [hbm4b:s5+s4], $0x400, $0x38;
	[tilespmem:$0x18400] =	vst v63  }
0x38: {  	_ =	swait.ge [sflag:s14], $0x400  }
0x39: {  	[sflag:s14] =	ssyncset.done $0x0  }
0x3a: {  	s22 =	simm.s32 $0x2800;
	[sflag:s14] =	ssyncadd.s32 $0xFFFFFC00  }
0x3b: {  	[tilespmem:s22], [sflag:$0x2] =	stream.linear.gather [hbm4b:s5+s4], $0x400, $0x38;
	[tilespmem:$0x18400] =	vst v63  }
0x3c: {  	_ =	swait.ge [sflag:s14], $0x400  }
0x3d: {  	[sflag:s14] =	ssyncset.done $0x0  }
0x3e: {  	[sflag:s14] =	ssyncadd.s32 $0xFFFFFC00  }
0x3f: {  	[tilespmem:s24], [sflag:$0x2] =	stream.linear.gather [hbm4b:s5+s4], $0x400, $0x38;
	[tilespmem:$0x18400] =	vst v63  }
0x40: {  	_ =	swait.ge [sflag:s14], $0x400  }
0x41: {  	[sflag:s14] =	ssyncset.done $0x0  }
0x42: {  	[sflag:s14] =	ssyncadd.s32 $0xFFFFFC00  }
0x43: {  	[tilespmem:s25], [sflag:$0x2] =	stream.linear.gather [hbm4b:s5+s4], $0x400, $0x38;
	[tilespmem:$0x18400] =	vst v63  }
0x44: {  	_ =	swait.ge [sflag:s14], $0x400  }
0x45: {  	[sflag:s14] =	ssyncset.done $0x0  }
0x46: {  	[sflag:s14] =	ssyncadd.s32 $0xFFFFFC00  }
0x47: {  	[tilespmem:s26], [sflag:$0x2] =	stream.linear.gather [hbm4b:s5+s4], $0x400, $0x38;
	[tilespmem:$0x18400] =	vst v63  }
0x48: {  	_ =	swait.ge [sflag:s14], $0x400  }
0x49: {  	[sflag:s14] =	ssyncset.done $0x0  }
0x4a: {  	[sflag:s14] =	ssyncadd.s32 $0xFFFFFC00  }
0x4b: {  	[tilespmem:s28], [sflag:$0x2] =	stream.linear.gather [hbm4b:s5+s4], $0x400, $0x38;
	[tilespmem:$0x18400] =	vst v63  }
0x4c: {  	_ =	swait.ge [sflag:s14], $0x400  }
0x4d: {  	[sflag:s14] =	ssyncset.done $0x0  }
0x4e: {  	[sflag:s14] =	ssyncadd.s32 $0xFFFFFC00  }
0x4f: {  	[tilespmem:s29], [sflag:$0x2] =	stream.linear.gather [hbm4b:s5+s4], $0x400, $0x38;
	[tilespmem:$0x18400] =	vst v63  }
0x50: {  	_ =	swait.ge [sflag:s14], $0x400  }
0x51: {  	[sflag:s14] =	ssyncset.done $0x0  }
0x52: {  	[sflag:s14] =	ssyncadd.s32 $0xFFFFFC00  }
0x53: {  	[tilespmem:s30], [sflag:$0x2] =	stream.linear.gather [hbm4b:s5+s4], $0x400, $0x38;
	[tilespmem:$0x18400] =	vst v63  }
0x54: {  	_ =	swait.ge [sflag:s14], $0x400  }
0x55: {  	[sflag:s14] =	ssyncset.done $0x0  }
0x56: {  	p0 =	por $0x0, $0x0;
	[sflag:s14] =	ssyncadd.s32 $0xFFFFFC00  }
0x57: {  	s18 =	simm.s32 $0x200;
	s19 =	sadd.s32 @!p0 $0x200, s12;
	[bflag:$0x0] =	sbarrier.arrive $0xFFFF  }
0x58: {  	[tilespmem:s4], [sflag:$0x1] =	stream.linear.gather [hbm4b:s6+s4], $0x100, $0x38;
	[tilespmem:$0x18400] =	vst v63  }
0x59: {  	s17 =	sand.u32 @!p0 $0xC00, s17;
	s18 =	sand.u32 @!p0 $0x300, s18;
	s19 =	sand.u32 @!p0 $0x1FFC00, s19  }
0x5a: {  	[tilespmem:s31], [sflag:$0x1] =	stream.linear.gather [hbm4b:s9+s4], $0x100, $0x38;
	[tilespmem:$0x18400] =	vst v63  }
0x5b: {  	s17 =	sshrl.u32 @!p0 s17, $0x2;
	s18 =	sor.u32 @!p0 s18, s19;
	_ =	swait.ge [sflag:s0], $0x100  }
0x5c: {  	s23 =	simm.s32 $0x0;
	s18 =	sshrl.u32 @!p0 s18, $0x3;
	[sflag:s0] =	ssyncset.done $0x0  }
0x5d: {  	s19 =	simm.s32 @!p0 $0x0;
	s18 =	sadd.s32 @!p0 s2, s18;
	[sflag:s0] =	ssyncadd.s32 $0xFFFFFF00  }
0x5e: {  	[tilespmem:s17], [sflag:$0x1] =	stream.linear.gather @!p0 [hbm4b:s18+s19], $0x100, $0x38;
	[tilespmem:$0x18400] =	vst v63  }
0x5f: {  	s17 =	sand.u32 $0xC00, s23  }
0x60: {  	s17 =	sshrl.u32 s17, $0x2  }
0x61: {  	s18 =	simm.s32 $0xC00;
	s17 =	sor.u32 $0x80, s17  }
0x62: {  	[spmem:s3] =	stream.indirect.scatter.add.f32 [tilespmem:s15], [sflag:$0x2], $0x80, s17, s1, $0xb8;
	[tilespmem:$0x18400] =	vst v63  }
0x63: {  	s19 =	simm.s32 $0x0;
	s17 =	simm.s32 $0x300;
	_ =	swait.ge [sflag:s14], $0x4000  }
.LBB2_2:
0x64: {  	[sflag:s14] =	ssyncset.done $0x0  }
0x65: {  	s19 =	sadd.s32 $0x1, s19;
	s20 =	smov.u32 s17;
	s17 =	sadd.s32 $0x100, s17  }
0x66: {  	p1 =	sgt.u32 s19, $0x4D;
	p0 =	sne.s32 s17, $0x5200;
	[sflag:s14] =	ssyncadd.s32 $0xFFFFC000  }
0x67: {  	s21 =	sadd.s32 @!p1 s20, s12;
	s22 =	sand.u32 @!p1 $0xC00, s18  }
0x68: {  	s20 =	sand.u32 @!p1 $0x300, s20;
	s21 =	sand.u32 @!p1 $0x1FFC00, s21;
	s22 =	sshrl.u32 @!p1 s22, $0x2  }
0x69: {  	_ =	swait.ge [sflag:s0], $0x100;
	s20 =	sor.u32 @!p1 s20, s21;
	s21 =	simm.s32 @!p1 $0x0  }
0x6a: {  	s23 =	sadd.s32 $0xFFFFF800, s18;
	[sflag:s0] =	ssyncset.done $0x0;
	s20 =	sshrl.u32 @!p1 s20, $0x3  }
0x6b: {  	s23 =	sand.u32 $0xC00, s23;
	[sflag:s0] =	ssyncadd.s32 $0xFFFFFF00;
	s20 =	sadd.s32 @!p1 s2, s20  }
0x6c: {  	[tilespmem:s22], [sflag:$0x1] =	stream.linear.gather @!p1 [hbm4b:s20+s21], $0x100, $0x38;
	[tilespmem:$0x18400] =	vst v63  }
.Ltmp0:
0x6d: {  	_ = 	snop;
	(pc) =	sbr.rel @p0 .LBB2_2-.Ltmp0, $4  }
0x6e: {  	s20 =	sshrl.u32 s23, $0x2  }
0x6f: {  	s20 =	sor.u32 $0x80, s20  }
0x70: {  	[spmem:s3] =	stream.indirect.scatter.add.f32 [tilespmem:s15], [sflag:$0x2], $0x80, s20, s1, $0xb8;
	[tilespmem:$0x18400] =	vst v63  }
0x71: {  	s18 =	sadd.s32 $0x400, s18;
	_ =	swait.ge [sflag:s14], $0x4000  }
0x72: {  	[sflag:s14] =	ssyncset.done $0x0;
	s16 =	sadd.s32 $0x1, s16  }
0x73: {  	[sflag:s14] =	ssyncadd.s32 $0xFFFFC000;
	p0 =	sne.s32 s16, s11  }
.Ltmp1:
0x74: {  	[bflag:$0x0] =	sbarrier.arrive $0xFFFF;
	(pc) =	sbr.rel @p0 .LBB2_1-.Ltmp1, $4  }
0x75: {  	[hbm:s10], [sflag:s8] =	dma.local [spmem:s13], $0x2800  }
0x76: {  	_ =	swait.ge [sflag:s14], $0x2800  }
0x77: {  	[sflag:s14] =	ssyncset.done $0x0  }
0x78: {  	[sflag:s14] =	ssyncadd.s32 $0xFFFFD800  }
0x79: {  	_ =	sfence.sel $0x180000  }
0x7a: {  	[bflag:$0x0] =	sbarrier.arrive $0xFFFF  }
0x7b: {  	_ =	strace $0x9000004A  }
0x7c: {  	s0 =	stileid.u32;
	[bflag:$0x2] =	sbarrier.arrive $0xFFFF  }
0x7d: {  	p0 =	sne.s32 s0, $0x0;
	s0 =	rddreg [dreg:$0x3]  }
0x7e: {  	s0 =	sadd.s32 @!p0 $0x100000, s0  }
0x7f: {  	[sflag:s0] =	ssyncadd.tile.s32 @!p0 $0x1;
	_ =	shalt  }
.Lfunc_end2:
_tile_overlayer_lowered:
.L_overlay_start_2:
0x80: {  	(tag) =	ssettag $0x2  }
0x81: {  	s0 =	rddreg [dreg:$0x0];
	s2 =	stileid.u32  }
0x82: {  	s1 =	rddreg [dreg:$0x1];
	p0 =	sne.s32 s2, $0x0  }
0x83: {  	s3 =	rddreg [dreg:$0x2];
	[bflag:$0x3] =	sbarrier.arrive $0xFFFF;
	s2 =	simm.s32 @!p0 $0x1C02  }
0x84: {  	[timem:s3], [sflag:s2] =	dma.local @!p0 [hbm:s0], s1  }
0x85: {  	s0 =	simm.s32 @!p0 $0x2  }
0x86: {  	_ =	swait.ge @!p0 [sflag:s0], s1  }
0x87: {  	s1 =	ssub.s32 @!p0 $0x0, s1;
	[sflag:s0] =	ssyncset.done @!p0 $0x0  }
0x88: {  	[sflag:s0] =	ssyncadd.s32 @!p0 s1  }
0x89: {  	[bflag:$0x3] =	sbarrier.arrive $0xFFFF  }
0x8a: {  	_ =	shalt  }

</sc_bundles>
